<compile_context>
chip_gen: v7x
topology: tpu7x:2x2x1
jax: 0.10.2.dev20260603
libtpu: 0.0.44.dev20260713+nightly
codegen_flags: <defaults>
</compile_context>

<pallas_src>
import functools

import jax
import jax.numpy as jnp
from jax import lax
from jax.experimental import pallas as pl
from jax.experimental.pallas import tpu as pltpu
from jax.experimental.pallas import tpu_sc as plsc

N = 10000
E = 320000
B = 16
HID = 64
NPAD = 10240
EPAD = 327680
NTILES = 32
EPW = EPAD // NTILES
CH = 128
NCHUNK = EPW // CH
RPT = NPAD // 16
DEGW = 16
NC0 = 110
NC1 = 50
NCMAX = max(NC0, NC1)
BLK = 1280
NBLK = NPAD // BLK


@functools.cache
def _mesh():
    return plsc.VectorSubcoreMesh(
        core_axis_name="c", subcore_axis_name="s",
        num_cores=2, num_subcores=16)


def _fill(ref, rows, width, value):
    vec = jnp.full((16,), value, jnp.float32)

    def body(i, carry):
        for j in range(width // 16):
            ref[i, pl.ds(j * 16, 16)] = vec
        return carry

    lax.fori_loop(0, rows, body, 0)


def _sc_scatter_body(y_hbm, src_hbm, dst_hbm, out_hbm,
                     sidx, didx, rows0, rows1, zbuf, acc, sem0, sem1):
    cid = lax.axis_index("c")
    sid = lax.axis_index("s")
    _fill(zbuf, CH, HID, 0.0)
    row0 = sid * RPT
    for k in range(RPT // CH):
        pltpu.sync_copy(zbuf, acc.at[pl.ds(row0 + k * CH, CH)])
    @pl.when(cid == 0)
    def _stage0():
        c0 = sid * (NC0 + NC1)
        pltpu.sync_copy(src_hbm.at[pl.ds(c0, NC0)], sidx.at[pl.ds(0, NC0)])
        pltpu.sync_copy(dst_hbm.at[pl.ds(c0, NC0)], didx.at[pl.ds(0, NC0)])

    @pl.when(cid == 1)
    def _stage1():
        c0 = sid * (NC0 + NC1) + NC0
        pltpu.sync_copy(src_hbm.at[pl.ds(c0, NC1)], sidx.at[pl.ds(0, NC1)])
        pltpu.sync_copy(dst_hbm.at[pl.ds(c0, NC1)], didx.at[pl.ds(0, NC1)])

    plsc.subcore_barrier()

    def body(c, carry):
        pltpu.sync_copy(y_hbm.at[sidx.at[c]], rows0)
        pltpu.sync_copy(rows0, acc.at[didx.at[c]], add=True)
        return carry

    @pl.when(cid == 0)
    def _loop0():
        lax.fori_loop(0, NC0, body, 0)

    @pl.when(cid == 1)
    def _loop1():
        lax.fori_loop(0, NC1, body, 0)

    plsc.subcore_barrier()
    pltpu.sync_copy(acc.at[pl.ds(row0, RPT)],
                    out_hbm.at[cid, pl.ds(row0, RPT)])


def _sc_scatter(y, srcp, dstp):
    return pl.kernel(
        _sc_scatter_body,
        out_type=jax.ShapeDtypeStruct((2, NPAD, HID), jnp.float32),
        mesh=_mesh(),
        compiler_params=pltpu.CompilerParams(use_tc_tiling_on_sc=False),
        scratch_types=[
            pltpu.VMEM((NCMAX + 1, CH), jnp.int32),
            pltpu.VMEM((NCMAX, CH), jnp.int32),
            pltpu.VMEM((CH, HID), jnp.float32),
            pltpu.VMEM((CH, HID), jnp.float32),
            pltpu.VMEM((CH, HID), jnp.float32),
            pltpu.VMEM_SHARED((NPAD, HID), jnp.float32),
            pltpu.SemaphoreType.DMA,
            pltpu.SemaphoreType.DMA,
        ],
    )(y, srcp, dstp)


def _sc_degree_body(dst_hbm, out_hbm, didx, ones_v, zbuf, acc):
    cid = lax.axis_index("c")
    sid = lax.axis_index("s")
    wid = sid * 2 + cid
    _fill(zbuf, CH, DEGW, 0.0)
    _fill(ones_v, CH, DEGW, 1.0)
    row0 = sid * RPT
    for k in range(RPT // CH):
        pltpu.sync_copy(zbuf, acc.at[pl.ds(row0 + k * CH, CH)])
    pltpu.sync_copy(dst_hbm.at[pl.ds(wid * NCHUNK, NCHUNK)], didx)
    plsc.subcore_barrier()

    def body(c, carry):
        pltpu.sync_copy(ones_v, acc.at[didx.at[c]], add=True)
        return carry

    lax.fori_loop(0, NCHUNK, body, 0)
    plsc.subcore_barrier()
    pltpu.sync_copy(acc.at[pl.ds(row0, RPT)],
                    out_hbm.at[cid, pl.ds(row0, RPT)])


def _sc_degree(dstp):
    return pl.kernel(
        _sc_degree_body,
        out_type=jax.ShapeDtypeStruct((2, NPAD, DEGW), jnp.float32),
        mesh=_mesh(),
        compiler_params=pltpu.CompilerParams(use_tc_tiling_on_sc=False),
        scratch_types=[
            pltpu.VMEM((NCHUNK, CH), jnp.int32),
            pltpu.VMEM((CH, DEGW), jnp.float32),
            pltpu.VMEM((CH, DEGW), jnp.float32),
            pltpu.VMEM_SHARED((NPAD, DEGW), jnp.float32),
        ],
    )(dstp)


def _tc_embed_body(xp, req, ts, b2d, degp, wxp, wea, wet, bemb, w1,
                   y1_o, dinv_o):
    f32 = jnp.float32
    oh = (b2d[...] == lax.broadcasted_iota(jnp.int32, (BLK, B), 1)).astype(f32)
    z = req[:, 0:1] * wea[...] + jnp.dot(ts[...], wet[...],
                                         preferred_element_type=f32,
                  precision=lax.Precision.HIGHEST)
    h0 = (jnp.dot(xp[...], wxp[...], preferred_element_type=f32,
                  precision=lax.Precision.HIGHEST)
          + jnp.dot(oh, z, preferred_element_type=f32,
                  precision=lax.Precision.HIGHEST) + bemb[...])
    deg = degp[0, :, 0:1] + degp[1, :, 0:1] + 1.0
    dinv = 1.0 / jnp.sqrt(deg)
    dinv_o[...] = dinv
    y1_o[...] = dinv * jnp.dot(h0, w1[...], preferred_element_type=f32,
                  precision=lax.Precision.HIGHEST)


def _tc_embed(xp, req, ts, b2d, degp, wxp, wea, wet, bemb, w1):
    return pl.pallas_call(
        _tc_embed_body,
        grid=(NBLK,),
        in_specs=[
            pl.BlockSpec((BLK, 128), lambda i: (i, 0)),
            pl.BlockSpec((B, 4), lambda i: (0, 0)),
            pl.BlockSpec((B, 4), lambda i: (0, 0)),
            pl.BlockSpec((BLK, 1), lambda i: (i, 0)),
            pl.BlockSpec((2, BLK, DEGW), lambda i: (0, i, 0)),
            pl.BlockSpec((128, HID), lambda i: (0, 0)),
            pl.BlockSpec((1, HID), lambda i: (0, 0)),
            pl.BlockSpec((4, HID), lambda i: (0, 0)),
            pl.BlockSpec((1, HID), lambda i: (0, 0)),
            pl.BlockSpec((HID, HID), lambda i: (0, 0)),
        ],
        out_specs=[
            pl.BlockSpec((BLK, HID), lambda i: (i, 0)),
            pl.BlockSpec((BLK, 1), lambda i: (i, 0)),
        ],
        out_shape=[
            jax.ShapeDtypeStruct((NPAD, HID), jnp.float32),
            jax.ShapeDtypeStruct((NPAD, 1), jnp.float32),
        ],
    )(xp, req, ts, b2d, degp, wxp, wea, wet, bemb, w1)


def _pool_update(h, b2d, s_acc, c_acc, m_acc):
    f32 = jnp.float32
    pid = pl.program_id(0)
    oh = (b2d == lax.broadcasted_iota(jnp.int32, (BLK, B), 1)).astype(f32)
    dims = (((0,), (0,)), ((), ()))
    s = lax.dot_general(oh, h, dims, preferred_element_type=f32,
                  precision=lax.Precision.HIGHEST)
    c = lax.dot_general(oh, jnp.ones((BLK, 1), f32), dims,
                        preferred_element_type=f32,
                  precision=lax.Precision.HIGHEST)
    neg = jnp.float32(-jnp.inf)
    mxs = [jnp.max(jnp.where(b2d == g, h, neg), axis=0, keepdims=True)
           for g in range(B)]
    m = jnp.concatenate(mxs, axis=0)

    @pl.when(pid == 0)
    def _init():
        s_acc[...] = s
        c_acc[...] = c
        m_acc[...] = m

    @pl.when(pid > 0)
    def _upd():
        s_acc[...] += s
        c_acc[...] += c
        m_acc[...] = jnp.maximum(m_acc[...], m)


def _layer_h(accp, yprev, dinv, bl):
    return jnp.maximum(
        dinv[...] * (accp[0] + accp[1] + yprev[...]) + bl[...], 0.0)


def _tc_layer_body(accp, yprev, dinv, b2d, bl, wnext,
                   xl_o, ynext_o, s_acc, c_acc, m_acc):
    f32 = jnp.float32
    h = _layer_h(accp, yprev, dinv, bl)
    _pool_update(h, b2d[...], s_acc, c_acc, m_acc)
    ynext_o[...] = dinv[...] * jnp.dot(h, wnext[...],
                                       preferred_element_type=f32,
                  precision=lax.Precision.HIGHEST)

    @pl.when(pl.program_id(0) == NBLK - 1)
    def _fin():
        mean = s_acc[...] / jnp.maximum(c_acc[...], 1.0)
        xl_o[...] = jnp.concatenate([mean, m_acc[...]], axis=1)


def _tc_layer(accp, yprev, dinv, b2d, bl, wnext):
    return pl.pallas_call(
        _tc_layer_body,
        grid=(NBLK,),
        in_specs=[
            pl.BlockSpec((2, BLK, HID), lambda i: (0, i, 0)),
            pl.BlockSpec((BLK, HID), lambda i: (i, 0)),
            pl.BlockSpec((BLK, 1), lambda i: (i, 0)),
            pl.BlockSpec((BLK, 1), lambda i: (i, 0)),
            pl.BlockSpec((1, HID), lambda i: (0, 0)),
            pl.BlockSpec((HID, HID), lambda i: (0, 0)),
        ],
        out_specs=[
            pl.BlockSpec((B, 2 * HID), lambda i: (0, 0)),
            pl.BlockSpec((BLK, HID), lambda i: (i, 0)),
        ],
        out_shape=[
            jax.ShapeDtypeStruct((B, 2 * HID), jnp.float32),
            jax.ShapeDtypeStruct((NPAD, HID), jnp.float32),
        ],
        scratch_shapes=[
            pltpu.VMEM((B, HID), jnp.float32),
            pltpu.VMEM((B, 1), jnp.float32),
            pltpu.VMEM((B, HID), jnp.float32),
        ],
    )(accp, yprev, dinv, b2d, bl, wnext)


def _tc_head_body(accp, yprev, dinv, b2d, bl, x1, x2, wfc1, bfc1, wfc2, bfc2,
                  out_o, s_acc, c_acc, m_acc):
    f32 = jnp.float32
    h = _layer_h(accp, yprev, dinv, bl)
    _pool_update(h, b2d[...], s_acc, c_acc, m_acc)

    @pl.when(pl.program_id(0) == NBLK - 1)
    def _fin():
        mean = s_acc[...] / jnp.maximum(c_acc[...], 1.0)
        x3 = jnp.concatenate([mean, m_acc[...]], axis=1)
        g = x1[...] + x2[...] + x3
        t = jnp.maximum(jnp.dot(g, wfc1[...], preferred_element_type=f32,
                  precision=lax.Precision.HIGHEST)
                        + bfc1[...], 0.0)
        out_o[...] = jnp.dot(t, wfc2[...], preferred_element_type=f32,
                  precision=lax.Precision.HIGHEST) \
            + bfc2[...]


def _tc_head(accp, yprev, dinv, b2d, bl, x1, x2, wfc1, bfc1, wfc2, bfc2):
    return pl.pallas_call(
        _tc_head_body,
        grid=(NBLK,),
        in_specs=[
            pl.BlockSpec((2, BLK, HID), lambda i: (0, i, 0)),
            pl.BlockSpec((BLK, HID), lambda i: (i, 0)),
            pl.BlockSpec((BLK, 1), lambda i: (i, 0)),
            pl.BlockSpec((BLK, 1), lambda i: (i, 0)),
            pl.BlockSpec((1, HID), lambda i: (0, 0)),
            pl.BlockSpec((B, 2 * HID), lambda i: (0, 0)),
            pl.BlockSpec((B, 2 * HID), lambda i: (0, 0)),
            pl.BlockSpec((2 * HID, HID), lambda i: (0, 0)),
            pl.BlockSpec((1, HID), lambda i: (0, 0)),
            pl.BlockSpec((HID, 1), lambda i: (0, 0)),
            pl.BlockSpec((1, 1), lambda i: (0, 0)),
        ],
        out_specs=pl.BlockSpec((B, 1), lambda i: (0, 0)),
        out_shape=jax.ShapeDtypeStruct((B, 1), jnp.float32),
        scratch_shapes=[
            pltpu.VMEM((B, HID), jnp.float32),
            pltpu.VMEM((B, 1), jnp.float32),
            pltpu.VMEM((B, HID), jnp.float32),
        ],
    )(accp, yprev, dinv, b2d, bl, x1, x2, wfc1, bfc1, wfc2, bfc2)


def kernel(x, edge_index, batch, request, timestamp, W_embed, b_embed,
           W1, b1, W2, b2, W3, b3, Wfc1, bfc1, Wfc2, bfc2):
    npad = NPAD - N
    xp = jnp.pad(x, ((0, npad), (0, 5)))
    wxp = jnp.pad(W_embed[:123], ((0, 5), (0, 0)))
    wea = W_embed[123:124]
    wet = W_embed[124:128]
    b2d = jnp.pad(batch[:, None], ((0, npad), (0, 0)),
                  constant_values=B)
    pad = EPAD - E
    srcp = jnp.concatenate(
        [edge_index[0], jnp.zeros((pad,), jnp.int32)]).reshape(
            EPAD // CH, CH)
    dstp = jnp.concatenate(
        [edge_index[1], jnp.full((pad,), N, jnp.int32)]).reshape(
            EPAD // CH, CH)
    bemb = b_embed.reshape(1, HID)
    b1r, b2r, b3r = (b.reshape(1, HID) for b in (b1, b2, b3))
    bfc1r = bfc1.reshape(1, HID)
    bfc2r = bfc2.reshape(1, 1)

    degp = _sc_degree(dstp)
    y1, dinv = _tc_embed(xp, request, timestamp, b2d, degp,
                         wxp, wea, wet, bemb, W1)
    acc1 = _sc_scatter(y1, srcp, dstp)
    x1, y2 = _tc_layer(acc1, y1, dinv, b2d, b1r, W2)
    acc2 = _sc_scatter(y2, srcp, dstp)
    x2, y3 = _tc_layer(acc2, y2, dinv, b2d, b2r, W3)
    acc3 = _sc_scatter(y3, srcp, dstp)
    return _tc_head(acc3, y3, dinv, b2d, b3r, x1, x2,
                    Wfc1, bfc1r, Wfc2, bfc2r)

# --- scband reference (transcript-rebuilt; emitter-appended) ---
"""Pipeline reference for scband-value-gnn-6786048328274 (READ-ONLY COPY).

The authoritative reference and input builder live on the scoring server;
editing this copy changes nothing except your own understanding.
"""

import jax, jax.numpy as jnp
import numpy as np

N = 10000
E = 320000
B = 16
D_X = 123
T = 4
IN_DIM = D_X + 1 + T  # 128
EMBED = 64
HID = 64


def _gcn(x, edge_index, W, b, num_nodes):
    # PyG GCNConv: add self-loops, symmetric degree normalization, linear, scatter-add
    loops = jnp.arange(num_nodes, dtype=edge_index.dtype)
    src = jnp.concatenate([edge_index[0], loops])
    dst = jnp.concatenate([edge_index[1], loops])
    deg = jnp.zeros((num_nodes,), x.dtype).at[dst].add(1.0)
    dinv = jnp.where(deg > 0, jax.lax.rsqrt(jnp.maximum(deg, 1e-12)), 0.0)
    norm = dinv[src] * dinv[dst]
    xw = x @ W
    msg = xw[src] * norm[:, None]
    out = jnp.zeros((num_nodes, W.shape[1]), x.dtype).at[dst].add(msg)
    return out + b


def _pool(h, batch, num_graphs):
    s = jax.ops.segment_sum(h, batch, num_segments=num_graphs)
    cnt = jax.ops.segment_sum(jnp.ones((h.shape[0], 1), h.dtype), batch, num_segments=num_graphs)
    mean = s / jnp.maximum(cnt, 1.0)
    mx = jax.ops.segment_max(h, batch, num_segments=num_graphs)
    return jnp.concatenate([mean, mx], axis=1)


def setup_inputs(seed: int = 0) -> dict:
    key = jax.random.key(seed)
    ks = jax.random.split(key, 24)
    x = jax.random.normal(ks[0], (N, D_X), dtype=jnp.float32)
    edge_index = jax.random.randint(ks[1], (2, E), 0, N, dtype=jnp.int32)
    batch = jnp.sort(jax.random.randint(ks[2], (N,), 0, B, dtype=jnp.int32))
    request = jax.random.normal(ks[3], (B, T), dtype=jnp.float32)
    timestamp = jax.random.normal(ks[4], (B, T), dtype=jnp.float32)
    W_embed = jax.random.normal(ks[5], (IN_DIM, EMBED), dtype=jnp.float32) * 0.05
    b_embed = jnp.zeros((EMBED,), jnp.float32)
    W1 = jax.random.normal(ks[6], (EMBED, HID), dtype=jnp.float32) * 0.05
    b1 = jnp.zeros((HID,), jnp.float32)
    W2 = jax.random.normal(ks[7], (HID, HID), dtype=jnp.float32) * 0.05
    b2 = jnp.zeros((HID,), jnp.float32)
    W3 = jax.random.normal(ks[8], (HID, HID), dtype=jnp.float32) * 0.05
    b3 = jnp.zeros((HID,), jnp.float32)
    Wfc1 = jax.random.normal(ks[9], (HID * 2, HID), dtype=jnp.float32) * 0.05
    bfc1 = jnp.zeros((HID,), jnp.float32)
    Wfc2 = jax.random.normal(ks[10], (HID, 1), dtype=jnp.float32) * 0.05
    bfc2 = jnp.zeros((1,), jnp.float32)
    return {"x": x, "edge_index": edge_index, "batch": batch, "request": request,
            "timestamp": timestamp, "W_embed": W_embed, "b_embed": b_embed,
            "W1": W1, "b1": b1, "W2": W2, "b2": b2, "W3": W3, "b3": b3,
            "Wfc1": Wfc1, "bfc1": bfc1, "Wfc2": Wfc2, "bfc2": bfc2}


def reference(x, edge_index, batch, request, timestamp, W_embed, b_embed,
              W1, b1, W2, b2, W3, b3, Wfc1, bfc1, Wfc2, bfc2):
    bsz = request.shape[0]
    num_nodes = x.shape[0]
    affinity_request = request.reshape(bsz, -1)[:, 0][batch]
    ts = timestamp.reshape(bsz, -1)[batch]
    h = jnp.concatenate([x, affinity_request[:, None], ts], axis=1)
    h = h @ W_embed + b_embed  # node_embedding MLP (single linear layer)
    h = jax.nn.relu(_gcn(h, edge_index, W1, b1, num_nodes))
    x1 = _pool(h, batch, bsz)
    h = jax.nn.relu(_gcn(h, edge_index, W2, b2, num_nodes))
    x2 = _pool(h, batch, bsz)
    h = jax.nn.relu(_gcn(h, edge_index, W3, b3, num_nodes))
    x3 = _pool(h, batch, bsz)
    g = x1 + x2 + x3
    g = jax.nn.relu(g @ Wfc1 + bfc1)
    return g @ Wfc2 + bfc2

if __name__ == "__main__":
    import jax
    _d = setup_inputs()
    print(jax.jit(kernel)(*tuple(_d.values())))

</pallas_src>

<mosaic_0001>
#map = affine_map<(d0, d1) -> (0, 0)>
#map1 = affine_map<(d0, d1) -> (0, 0, 0)>
module attributes {stable_mosaic.version = 14 : i64} {
  func.func @_sc_scatter_body(%arg0: i32, %arg1: i32, %arg2: memref<10240x64xf32, #tpu.memory_space<hbm>>, %arg3: memref<2560x128xi32, #tpu.memory_space<hbm>>, %arg4: memref<2560x128xi32, #tpu.memory_space<hbm>>, %arg5: memref<2x10240x64xf32, #tpu.memory_space<hbm>>, %arg6: memref<111x128xi32, #tpu.memory_space<vmem>>, %arg7: memref<110x128xi32, #tpu.memory_space<vmem>>, %arg8: memref<128x64xf32, #tpu.memory_space<vmem>>, %arg9: memref<128x64xf32, #tpu.memory_space<vmem>>, %arg10: memref<128x64xf32, #tpu.memory_space<vmem>>, %arg11: memref<10240x64xf32, #tpu.memory_space<vmem_shared>>, %arg12: memref<!tpu.dma_semaphore, #tpu.memory_space<semaphore_mem>>, %arg13: memref<!tpu.dma_semaphore, #tpu.memory_space<semaphore_mem>>) attributes {dimension_semantics = [#tpu.dimension_semantics<core_parallel>, #tpu.dimension_semantics<subcore_parallel>], iteration_bounds = array<i64: 2, 16>, scalar_prefetch = 0 : i64, scratch_operands = 8 : i64, tpu.core_type = #tpu.core_type<sc_vector_subcore>, window_params = [{transform_indices = #map}, {transform_indices = #map}, {transform_indices = #map}, {transform_indices = #map1}]} {
    %broadcast_in_dim3A = arith.constant 0.000000e+00 : f32
    %broadcast_in_dim3A_0 = vector.broadcast %broadcast_in_dim3A : f32 to vector<16xf32>
    %scan3A = arith.constant 0 : i32
    %scan3A_1 = arith.constant 0 : i32
    %scan3A_2 = arith.constant 128 : i32
    %scan3A_3 = arith.addi %scan3A_1, %scan3A_2 : i32
    %scan3A_4 = arith.constant 1 : i32
    scf.for %scan3A_34 = %scan3A_1 to %scan3A_3 step %scan3A_4  : i32 {
      %swap3A = arith.index_cast %scan3A_34 : i32 to index
      %swap3A_35 = arith.constant 0 : index
      %swap3A_36 = tpu.vector_load %arg10[%swap3A, %swap3A_35] {strides = array<i32>} : memref<128x64xf32, #tpu.memory_space<vmem>>, vector<1x16xf32>,
      %swap3A_37 = vector.shape_cast %swap3A_36 : vector<1x16xf32> to vector<16xf32>
      %swap3A_38 = vector.shape_cast %broadcast_in_dim3A_0 : vector<16xf32> to vector<1x16xf32>
      tpu.vector_store %arg10[%swap3A, %swap3A_35], %swap3A_38 {strides = array<i32>} : memref<128x64xf32, #tpu.memory_space<vmem>>, vector<1x16xf32>,
      %swap3A_39 = arith.index_cast %scan3A_34 : i32 to index
      %swap3A_40 = arith.constant 16 : index
      %swap3A_41 = tpu.vector_load %arg10[%swap3A_39, %swap3A_40] {strides = array<i32>} : memref<128x64xf32, #tpu.memory_space<vmem>>, vector<1x16xf32>,
      %swap3A_42 = vector.shape_cast %swap3A_41 : vector<1x16xf32> to vector<16xf32>
      %swap3A_43 = vector.shape_cast %broadcast_in_dim3A_0 : vector<16xf32> to vector<1x16xf32>
      tpu.vector_store %arg10[%swap3A_39, %swap3A_40], %swap3A_43 {strides = array<i32>} : memref<128x64xf32, #tpu.memory_space<vmem>>, vector<1x16xf32>,
      %swap3A_44 = arith.index_cast %scan3A_34 : i32 to index
      %swap3A_45 = arith.constant 32 : index
      %swap3A_46 = tpu.vector_load %arg10[%swap3A_44, %swap3A_45] {strides = array<i32>} : memref<128x64xf32, #tpu.memory_space<vmem>>, vector<1x16xf32>,
      %swap3A_47 = vector.shape_cast %swap3A_46 : vector<1x16xf32> to vector<16xf32>
      %swap3A_48 = vector.shape_cast %broadcast_in_dim3A_0 : vector<16xf32> to vector<1x16xf32>
      tpu.vector_store %arg10[%swap3A_44, %swap3A_45], %swap3A_48 {strides = array<i32>} : memref<128x64xf32, #tpu.memory_space<vmem>>, vector<1x16xf32>,
      %swap3A_49 = arith.index_cast %scan3A_34 : i32 to index
      %swap3A_50 = arith.constant 48 : index
      %swap3A_51 = tpu.vector_load %arg10[%swap3A_49, %swap3A_50] {strides = array<i32>} : memref<128x64xf32, #tpu.memory_space<vmem>>, vector<1x16xf32>,
      %swap3A_52 = vector.shape_cast %swap3A_51 : vector<1x16xf32> to vector<16xf32>
      %swap3A_53 = vector.shape_cast %broadcast_in_dim3A_0 : vector<16xf32> to vector<1x16xf32>
      tpu.vector_store %arg10[%swap3A_49, %swap3A_50], %swap3A_53 {strides = array<i32>} : memref<128x64xf32, #tpu.memory_space<vmem>>, vector<1x16xf32>,
    }
    %scan3A_5 = arith.constant 128 : i32
    %mul3A = arith.constant 640 : i32
    %mul3A_6 = arith.muli %arg1, %mul3A : i32
    %add3A = arith.constant 0 : i32
    %add3A_7 = arith.addi %mul3A_6, %add3A : i32
    "tpu.region"() ({
      %run_scoped3A = tpu.sem_alloc : memref<!tpu.dma_semaphore, #tpu.memory_space<semaphore_mem>>
      %dma_start3A = arith.constant 0 : i32
      %dma_start3A_34 = tpu.memref_slice %arg11[%add3A_7, %dma_start3A] : memref<10240x64xf32, #tpu.memory_space<vmem_shared>> -> memref<128x64xf32, #tpu.memory_space<vmem_shared>>
      %dma_start3A_35 = arith.constant 0 : i32
      %dma_start3A_36 = tpu.memref_slice %arg11[%add3A_7, %dma_start3A_35] : memref<10240x64xf32, #tpu.memory_space<vmem_shared>> -> memref<128x64xf32, #tpu.memory_space<vmem_shared>>
      tpu.enqueue_dma source(%arg10 : memref<128x64xf32, #tpu.memory_space<vmem>>) target(%dma_start3A_36 : memref<128x64xf32, #tpu.memory_space<vmem_shared>>) target_semaphore(%run_scoped3A : memref<!tpu.dma_semaphore, #tpu.memory_space<semaphore_mem>>)
      %dma_wait3A = arith.constant 0 : i32
      %dma_wait3A_37 = tpu.memref_slice %arg11[%add3A_7, %dma_wait3A] : memref<10240x64xf32, #tpu.memory_space<vmem_shared>> -> memref<128x64xf32, #tpu.memory_space<vmem_shared>>
      %dma_wait3A_38 = arith.constant 0 : i32
      %dma_wait3A_39 = tpu.memref_slice %arg11[%add3A_7, %dma_wait3A_38] : memref<10240x64xf32, #tpu.memory_space<vmem_shared>> -> memref<128x64xf32, #tpu.memory_space<vmem_shared>>
      tpu.wait_dma2 semaphore(%run_scoped3A : memref<!tpu.dma_semaphore, #tpu.memory_space<semaphore_mem>>) src(%arg10 : memref<128x64xf32, #tpu.memory_space<vmem>>) dst(%dma_wait3A_39 : memref<128x64xf32, #tpu.memory_space<vmem_shared>>)
      tpu.yield
    }) : () -> ()
    %add3A_8 = arith.constant 128 : i32
    %add3A_9 = arith.addi %mul3A_6, %add3A_8 : i32
    "tpu.region"() ({
      %run_scoped3A = tpu.sem_alloc : memref<!tpu.dma_semaphore, #tpu.memory_space<semaphore_mem>>
      %dma_start3A = arith.constant 0 : i32
      %dma_start3A_34 = tpu.memref_slice %arg11[%add3A_9, %dma_start3A] : memref<10240x64xf32, #tpu.memory_space<vmem_shared>> -> memref<128x64xf32, #tpu.memory_space<vmem_shared>>
      %dma_start3A_35 = arith.constant 0 : i32
      %dma_start3A_36 = tpu.memref_slice %arg11[%add3A_9, %dma_start3A_35] : memref<10240x64xf32, #tpu.memory_space<vmem_shared>> -> memref<128x64xf32, #tpu.memory_space<vmem_shared>>
      tpu.enqueue_dma source(%arg10 : memref<128x64xf32, #tpu.memory_space<vmem>>) target(%dma_start3A_36 : memref<128x64xf32, #tpu.memory_space<vmem_shared>>) target_semaphore(%run_scoped3A : memref<!tpu.dma_semaphore, #tpu.memory_space<semaphore_mem>>)
      %dma_wait3A = arith.constant 0 : i32
      %dma_wait3A_37 = tpu.memref_slice %arg11[%add3A_9, %dma_wait3A] : memref<10240x64xf32, #tpu.memory_space<vmem_shared>> -> memref<128x64xf32, #tpu.memory_space<vmem_shared>>
      %dma_wait3A_38 = arith.constant 0 : i32
      %dma_wait3A_39 = tpu.memref_slice %arg11[%add3A_9, %dma_wait3A_38] : memref<10240x64xf32, #tpu.memory_space<vmem_shared>> -> memref<128x64xf32, #tpu.memory_space<vmem_shared>>
      tpu.wait_dma2 semaphore(%run_scoped3A : memref<!tpu.dma_semaphore, #tpu.memory_space<semaphore_mem>>) src(%arg10 : memref<128x64xf32, #tpu.memory_space<vmem>>) dst(%dma_wait3A_39 : memref<128x64xf32, #tpu.memory_space<vmem_shared>>)
      tpu.yield
    }) : () -> ()
    %add3A_10 = arith.constant 256 : i32
    %add3A_11 = arith.addi %mul3A_6, %add3A_10 : i32
    "tpu.region"() ({
      %run_scoped3A = tpu.sem_alloc : memref<!tpu.dma_semaphore, #tpu.memory_space<semaphore_mem>>
      %dma_start3A = arith.constant 0 : i32
      %dma_start3A_34 = tpu.memref_slice %arg11[%add3A_11, %dma_start3A] : memref<10240x64xf32, #tpu.memory_space<vmem_shared>> -> memref<128x64xf32, #tpu.memory_space<vmem_shared>>
      %dma_start3A_35 = arith.constant 0 : i32
      %dma_start3A_36 = tpu.memref_slice %arg11[%add3A_11, %dma_start3A_35] : memref<10240x64xf32, #tpu.memory_space<vmem_shared>> -> memref<128x64xf32, #tpu.memory_space<vmem_shared>>
      tpu.enqueue_dma source(%arg10 : memref<128x64xf32, #tpu.memory_space<vmem>>) target(%dma_start3A_36 : memref<128x64xf32, #tpu.memory_space<vmem_shared>>) target_semaphore(%run_scoped3A : memref<!tpu.dma_semaphore, #tpu.memory_space<semaphore_mem>>)
      %dma_wait3A = arith.constant 0 : i32
      %dma_wait3A_37 = tpu.memref_slice %arg11[%add3A_11, %dma_wait3A] : memref<10240x64xf32, #tpu.memory_space<vmem_shared>> -> memref<128x64xf32, #tpu.memory_space<vmem_shared>>
      %dma_wait3A_38 = arith.constant 0 : i32
      %dma_wait3A_39 = tpu.memref_slice %arg11[%add3A_11, %dma_wait3A_38] : memref<10240x64xf32, #tpu.memory_space<vmem_shared>> -> memref<128x64xf32, #tpu.memory_space<vmem_shared>>
      tpu.wait_dma2 semaphore(%run_scoped3A : memref<!tpu.dma_semaphore, #tpu.memory_space<semaphore_mem>>) src(%arg10 : memref<128x64xf32, #tpu.memory_space<vmem>>) dst(%dma_wait3A_39 : memref<128x64xf32, #tpu.memory_space<vmem_shared>>)
      tpu.yield
    }) : () -> ()
    %add3A_12 = arith.constant 384 : i32
    %add3A_13 = arith.addi %mul3A_6, %add3A_12 : i32
    "tpu.region"() ({
      %run_scoped3A = tpu.sem_alloc : memref<!tpu.dma_semaphore, #tpu.memory_space<semaphore_mem>>
      %dma_start3A = arith.constant 0 : i32
      %dma_start3A_34 = tpu.memref_slice %arg11[%add3A_13, %dma_start3A] : memref<10240x64xf32, #tpu.memory_space<vmem_shared>> -> memref<128x64xf32, #tpu.memory_space<vmem_shared>>
      %dma_start3A_35 = arith.constant 0 : i32
      %dma_start3A_36 = tpu.memref_slice %arg11[%add3A_13, %dma_start3A_35] : memref<10240x64xf32, #tpu.memory_space<vmem_shared>> -> memref<128x64xf32, #tpu.memory_space<vmem_shared>>
      tpu.enqueue_dma source(%arg10 : memref<128x64xf32, #tpu.memory_space<vmem>>) target(%dma_start3A_36 : memref<128x64xf32, #tpu.memory_space<vmem_shared>>) target_semaphore(%run_scoped3A : memref<!tpu.dma_semaphore, #tpu.memory_space<semaphore_mem>>)
      %dma_wait3A = arith.constant 0 : i32
      %dma_wait3A_37 = tpu.memref_slice %arg11[%add3A_13, %dma_wait3A] : memref<10240x64xf32, #tpu.memory_space<vmem_shared>> -> memref<128x64xf32, #tpu.memory_space<vmem_shared>>
      %dma_wait3A_38 = arith.constant 0 : i32
      %dma_wait3A_39 = tpu.memref_slice %arg11[%add3A_13, %dma_wait3A_38] : memref<10240x64xf32, #tpu.memory_space<vmem_shared>> -> memref<128x64xf32, #tpu.memory_space<vmem_shared>>
      tpu.wait_dma2 semaphore(%run_scoped3A : memref<!tpu.dma_semaphore, #tpu.memory_space<semaphore_mem>>) src(%arg10 : memref<128x64xf32, #tpu.memory_space<vmem>>) dst(%dma_wait3A_39 : memref<128x64xf32, #tpu.memory_space<vmem_shared>>)
      tpu.yield
    }) : () -> ()
    %add3A_14 = arith.constant 512 : i32
    %add3A_15 = arith.addi %mul3A_6, %add3A_14 : i32
    "tpu.region"() ({
      %run_scoped3A = tpu.sem_alloc : memref<!tpu.dma_semaphore, #tpu.memory_space<semaphore_mem>>
      %dma_start3A = arith.constant 0 : i32
      %dma_start3A_34 = tpu.memref_slice %arg11[%add3A_15, %dma_start3A] : memref<10240x64xf32, #tpu.memory_space<vmem_shared>> -> memref<128x64xf32, #tpu.memory_space<vmem_shared>>
      %dma_start3A_35 = arith.constant 0 : i32
      %dma_start3A_36 = tpu.memref_slice %arg11[%add3A_15, %dma_start3A_35] : memref<10240x64xf32, #tpu.memory_space<vmem_shared>> -> memref<128x64xf32, #tpu.memory_space<vmem_shared>>
      tpu.enqueue_dma source(%arg10 : memref<128x64xf32, #tpu.memory_space<vmem>>) target(%dma_start3A_36 : memref<128x64xf32, #tpu.memory_space<vmem_shared>>) target_semaphore(%run_scoped3A : memref<!tpu.dma_semaphore, #tpu.memory_space<semaphore_mem>>)
      %dma_wait3A = arith.constant 0 : i32
      %dma_wait3A_37 = tpu.memref_slice %arg11[%add3A_15, %dma_wait3A] : memref<10240x64xf32, #tpu.memory_space<vmem_shared>> -> memref<128x64xf32, #tpu.memory_space<vmem_shared>>
      %dma_wait3A_38 = arith.constant 0 : i32
      %dma_wait3A_39 = tpu.memref_slice %arg11[%add3A_15, %dma_wait3A_38] : memref<10240x64xf32, #tpu.memory_space<vmem_shared>> -> memref<128x64xf32, #tpu.memory_space<vmem_shared>>
      tpu.wait_dma2 semaphore(%run_scoped3A : memref<!tpu.dma_semaphore, #tpu.memory_space<semaphore_mem>>) src(%arg10 : memref<128x64xf32, #tpu.memory_space<vmem>>) dst(%dma_wait3A_39 : memref<128x64xf32, #tpu.memory_space<vmem_shared>>)
      tpu.yield
    }) : () -> ()
    %eq3A = arith.constant 0 : i32
    %eq3A_16 = arith.cmpi eq, %arg0, %eq3A : i32
    %convert_element_type3A = arith.extui %eq3A_16 : i1 to i32
    %cond3A = arith.constant 0 : i32
    %cond3A_17 = arith.cmpi ne, %convert_element_type3A, %cond3A : i32
    scf.if %cond3A_17 {
      %mul3A_34 = arith.constant 160 : i32
      %mul3A_35 = arith.muli %arg1, %mul3A_34 : i32
      "tpu.region"() ({
        %run_scoped3A = tpu.sem_alloc : memref<!tpu.dma_semaphore, #tpu.memory_space<semaphore_mem>>
        %dma_start3A = arith.constant 0 : i32
        %dma_start3A_36 = arith.constant 0 : i32
        %dma_start3A_37 = tpu.memref_slice %arg6[%dma_start3A, %dma_start3A_36] : memref<111x128xi32, #tpu.memory_space<vmem>> -> memref<110x128xi32, #tpu.memory_space<vmem>>
        %dma_start3A_38 = arith.constant 0 : i32
        %dma_start3A_39 = tpu.memref_slice %arg3[%mul3A_35, %dma_start3A_38] : memref<2560x128xi32, #tpu.memory_space<hbm>> -> memref<110x128xi32, #tpu.memory_space<hbm>>
        %dma_start3A_40 = arith.constant 0 : i32
        %dma_start3A_41 = arith.constant 0 : i32
        %dma_start3A_42 = tpu.memref_slice %arg6[%dma_start3A_40, %dma_start3A_41] : memref<111x128xi32, #tpu.memory_space<vmem>> -> memref<110x128xi32, #tpu.memory_space<vmem>>
        %dma_start3A_43 = arith.constant 0 : i32
        %dma_start3A_44 = tpu.memref_slice %arg3[%mul3A_35, %dma_start3A_43] : memref<2560x128xi32, #tpu.memory_space<hbm>> -> memref<110x128xi32, #tpu.memory_space<hbm>>
        tpu.enqueue_dma source(%dma_start3A_44 : memref<110x128xi32, #tpu.memory_space<hbm>>) target(%dma_start3A_42 : memref<110x128xi32, #tpu.memory_space<vmem>>) target_semaphore(%run_scoped3A : memref<!tpu.dma_semaphore, #tpu.memory_space<semaphore_mem>>)
        %dma_wait3A = arith.constant 0 : i32
        %dma_wait3A_45 = arith.constant 0 : i32
        %dma_wait3A_46 = tpu.memref_slice %arg6[%dma_wait3A, %dma_wait3A_45] : memref<111x128xi32, #tpu.memory_space<vmem>> -> memref<110x128xi32, #tpu.memory_space<vmem>>
        %dma_wait3A_47 = arith.constant 0 : i32
        %dma_wait3A_48 = tpu.memref_slice %arg3[%mul3A_35, %dma_wait3A_47] : memref<2560x128xi32, #tpu.memory_space<hbm>> -> memref<110x128xi32, #tpu.memory_space<hbm>>
        %dma_wait3A_49 = arith.constant 0 : i32
        %dma_wait3A_50 = arith.constant 0 : i32
        %dma_wait3A_51 = tpu.memref_slice %arg6[%dma_wait3A_49, %dma_wait3A_50] : memref<111x128xi32, #tpu.memory_space<vmem>> -> memref<110x128xi32, #tpu.memory_space<vmem>>
        %dma_wait3A_52 = arith.constant 0 : i32
        %dma_wait3A_53 = tpu.memref_slice %arg3[%mul3A_35, %dma_wait3A_52] : memref<2560x128xi32, #tpu.memory_space<hbm>> -> memref<110x128xi32, #tpu.memory_space<hbm>>
        tpu.wait_dma2 semaphore(%run_scoped3A : memref<!tpu.dma_semaphore, #tpu.memory_space<semaphore_mem>>) src(%dma_wait3A_53 : memref<110x128xi32, #tpu.memory_space<hbm>>) dst(%dma_wait3A_51 : memref<110x128xi32, #tpu.memory_space<vmem>>)
        tpu.yield
      }) : () -> ()
      "tpu.region"() ({
        %run_scoped3A = tpu.sem_alloc : memref<!tpu.dma_semaphore, #tpu.memory_space<semaphore_mem>>
        %dma_start3A = arith.constant 0 : i32
        %dma_start3A_36 = arith.constant 0 : i32
        %dma_start3A_37 = tpu.memref_slice %arg7[%dma_start3A, %dma_start3A_36] : memref<110x128xi32, #tpu.memory_space<vmem>> -> memref<110x128xi32, #tpu.memory_space<vmem>>
        %dma_start3A_38 = arith.constant 0 : i32
        %dma_start3A_39 = tpu.memref_slice %arg4[%mul3A_35, %dma_start3A_38] : memref<2560x128xi32, #tpu.memory_space<hbm>> -> memref<110x128xi32, #tpu.memory_space<hbm>>
        %dma_start3A_40 = arith.constant 0 : i32
        %dma_start3A_41 = arith.constant 0 : i32
        %dma_start3A_42 = tpu.memref_slice %arg7[%dma_start3A_40, %dma_start3A_41] : memref<110x128xi32, #tpu.memory_space<vmem>> -> memref<110x128xi32, #tpu.memory_space<vmem>>
        %dma_start3A_43 = arith.constant 0 : i32
        %dma_start3A_44 = tpu.memref_slice %arg4[%mul3A_35, %dma_start3A_43] : memref<2560x128xi32, #tpu.memory_space<hbm>> -> memref<110x128xi32, #tpu.memory_space<hbm>>
        tpu.enqueue_dma source(%dma_start3A_44 : memref<110x128xi32, #tpu.memory_space<hbm>>) target(%dma_start3A_42 : memref<110x128xi32, #tpu.memory_space<vmem>>) target_semaphore(%run_scoped3A : memref<!tpu.dma_semaphore, #tpu.memory_space<semaphore_mem>>)
        %dma_wait3A = arith.constant 0 : i32
        %dma_wait3A_45 = arith.constant 0 : i32
        %dma_wait3A_46 = tpu.memref_slice %arg7[%dma_wait3A, %dma_wait3A_45] : memref<110x128xi32, #tpu.memory_space<vmem>> -> memref<110x128xi32, #tpu.memory_space<vmem>>
        %dma_wait3A_47 = arith.constant 0 : i32
        %dma_wait3A_48 = tpu.memref_slice %arg4[%mul3A_35, %dma_wait3A_47] : memref<2560x128xi32, #tpu.memory_space<hbm>> -> memref<110x128xi32, #tpu.memory_space<hbm>>
        %dma_wait3A_49 = arith.constant 0 : i32
        %dma_wait3A_50 = arith.constant 0 : i32
        %dma_wait3A_51 = tpu.memref_slice %arg7[%dma_wait3A_49, %dma_wait3A_50] : memref<110x128xi32, #tpu.memory_space<vmem>> -> memref<110x128xi32, #tpu.memory_space<vmem>>
        %dma_wait3A_52 = arith.constant 0 : i32
        %dma_wait3A_53 = tpu.memref_slice %arg4[%mul3A_35, %dma_wait3A_52] : memref<2560x128xi32, #tpu.memory_space<hbm>> -> memref<110x128xi32, #tpu.memory_space<hbm>>
        tpu.wait_dma2 semaphore(%run_scoped3A : memref<!tpu.dma_semaphore, #tpu.memory_space<semaphore_mem>>) src(%dma_wait3A_53 : memref<110x128xi32, #tpu.memory_space<hbm>>) dst(%dma_wait3A_51 : memref<110x128xi32, #tpu.memory_space<vmem>>)
        tpu.yield
      }) : () -> ()
    } else {
    }
    %eq3A_18 = arith.constant 1 : i32
    %eq3A_19 = arith.cmpi eq, %arg0, %eq3A_18 : i32
    %convert_element_type3A_20 = arith.extui %eq3A_19 : i1 to i32
    %cond3A_21 = arith.constant 0 : i32
    %cond3A_22 = arith.cmpi ne, %convert_element_type3A_20, %cond3A_21 : i32
    scf.if %cond3A_22 {
      %mul3A_34 = arith.constant 160 : i32
      %mul3A_35 = arith.muli %arg1, %mul3A_34 : i32
      %add3A_36 = arith.constant 110 : i32
      %add3A_37 = arith.addi %mul3A_35, %add3A_36 : i32
      "tpu.region"() ({
        %run_scoped3A = tpu.sem_alloc : memref<!tpu.dma_semaphore, #tpu.memory_space<semaphore_mem>>
        %dma_start3A = arith.constant 0 : i32
        %dma_start3A_38 = arith.constant 0 : i32
        %dma_start3A_39 = tpu.memref_slice %arg6[%dma_start3A, %dma_start3A_38] : memref<111x128xi32, #tpu.memory_space<vmem>> -> memref<50x128xi32, #tpu.memory_space<vmem>>
        %dma_start3A_40 = arith.constant 0 : i32
        %dma_start3A_41 = tpu.memref_slice %arg3[%add3A_37, %dma_start3A_40] : memref<2560x128xi32, #tpu.memory_space<hbm>> -> memref<50x128xi32, #tpu.memory_space<hbm>>
        %dma_start3A_42 = arith.constant 0 : i32
        %dma_start3A_43 = arith.constant 0 : i32
        %dma_start3A_44 = tpu.memref_slice %arg6[%dma_start3A_42, %dma_start3A_43] : memref<111x128xi32, #tpu.memory_space<vmem>> -> memref<50x128xi32, #tpu.memory_space<vmem>>
        %dma_start3A_45 = arith.constant 0 : i32
        %dma_start3A_46 = tpu.memref_slice %arg3[%add3A_37, %dma_start3A_45] : memref<2560x128xi32, #tpu.memory_space<hbm>> -> memref<50x128xi32, #tpu.memory_space<hbm>>
        tpu.enqueue_dma source(%dma_start3A_46 : memref<50x128xi32, #tpu.memory_space<hbm>>) target(%dma_start3A_44 : memref<50x128xi32, #tpu.memory_space<vmem>>) target_semaphore(%run_scoped3A : memref<!tpu.dma_semaphore, #tpu.memory_space<semaphore_mem>>)
        %dma_wait3A = arith.constant 0 : i32
        %dma_wait3A_47 = arith.constant 0 : i32
        %dma_wait3A_48 = tpu.memref_slice %arg6[%dma_wait3A, %dma_wait3A_47] : memref<111x128xi32, #tpu.memory_space<vmem>> -> memref<50x128xi32, #tpu.memory_space<vmem>>
        %dma_wait3A_49 = arith.constant 0 : i32
        %dma_wait3A_50 = tpu.memref_slice %arg3[%add3A_37, %dma_wait3A_49] : memref<2560x128xi32, #tpu.memory_space<hbm>> -> memref<50x128xi32, #tpu.memory_space<hbm>>
        %dma_wait3A_51 = arith.constant 0 : i32
        %dma_wait3A_52 = arith.constant 0 : i32
        %dma_wait3A_53 = tpu.memref_slice %arg6[%dma_wait3A_51, %dma_wait3A_52] : memref<111x128xi32, #tpu.memory_space<vmem>> -> memref<50x128xi32, #tpu.memory_space<vmem>>
        %dma_wait3A_54 = arith.constant 0 : i32
        %dma_wait3A_55 = tpu.memref_slice %arg3[%add3A_37, %dma_wait3A_54] : memref<2560x128xi32, #tpu.memory_space<hbm>> -> memref<50x128xi32, #tpu.memory_space<hbm>>
        tpu.wait_dma2 semaphore(%run_scoped3A : memref<!tpu.dma_semaphore, #tpu.memory_space<semaphore_mem>>) src(%dma_wait3A_55 : memref<50x128xi32, #tpu.memory_space<hbm>>) dst(%dma_wait3A_53 : memref<50x128xi32, #tpu.memory_space<vmem>>)
        tpu.yield
      }) : () -> ()
      "tpu.region"() ({
        %run_scoped3A = tpu.sem_alloc : memref<!tpu.dma_semaphore, #tpu.memory_space<semaphore_mem>>
        %dma_start3A = arith.constant 0 : i32
        %dma_start3A_38 = arith.constant 0 : i32
        %dma_start3A_39 = tpu.memref_slice %arg7[%dma_start3A, %dma_start3A_38] : memref<110x128xi32, #tpu.memory_space<vmem>> -> memref<50x128xi32, #tpu.memory_space<vmem>>
        %dma_start3A_40 = arith.constant 0 : i32
        %dma_start3A_41 = tpu.memref_slice %arg4[%add3A_37, %dma_start3A_40] : memref<2560x128xi32, #tpu.memory_space<hbm>> -> memref<50x128xi32, #tpu.memory_space<hbm>>
        %dma_start3A_42 = arith.constant 0 : i32
        %dma_start3A_43 = arith.constant 0 : i32
        %dma_start3A_44 = tpu.memref_slice %arg7[%dma_start3A_42, %dma_start3A_43] : memref<110x128xi32, #tpu.memory_space<vmem>> -> memref<50x128xi32, #tpu.memory_space<vmem>>
        %dma_start3A_45 = arith.constant 0 : i32
        %dma_start3A_46 = tpu.memref_slice %arg4[%add3A_37, %dma_start3A_45] : memref<2560x128xi32, #tpu.memory_space<hbm>> -> memref<50x128xi32, #tpu.memory_space<hbm>>
        tpu.enqueue_dma source(%dma_start3A_46 : memref<50x128xi32, #tpu.memory_space<hbm>>) target(%dma_start3A_44 : memref<50x128xi32, #tpu.memory_space<vmem>>) target_semaphore(%run_scoped3A : memref<!tpu.dma_semaphore, #tpu.memory_space<semaphore_mem>>)
        %dma_wait3A = arith.constant 0 : i32
        %dma_wait3A_47 = arith.constant 0 : i32
        %dma_wait3A_48 = tpu.memref_slice %arg7[%dma_wait3A, %dma_wait3A_47] : memref<110x128xi32, #tpu.memory_space<vmem>> -> memref<50x128xi32, #tpu.memory_space<vmem>>
        %dma_wait3A_49 = arith.constant 0 : i32
        %dma_wait3A_50 = tpu.memref_slice %arg4[%add3A_37, %dma_wait3A_49] : memref<2560x128xi32, #tpu.memory_space<hbm>> -> memref<50x128xi32, #tpu.memory_space<hbm>>
        %dma_wait3A_51 = arith.constant 0 : i32
        %dma_wait3A_52 = arith.constant 0 : i32
        %dma_wait3A_53 = tpu.memref_slice %arg7[%dma_wait3A_51, %dma_wait3A_52] : memref<110x128xi32, #tpu.memory_space<vmem>> -> memref<50x128xi32, #tpu.memory_space<vmem>>
        %dma_wait3A_54 = arith.constant 0 : i32
        %dma_wait3A_55 = tpu.memref_slice %arg4[%add3A_37, %dma_wait3A_54] : memref<2560x128xi32, #tpu.memory_space<hbm>> -> memref<50x128xi32, #tpu.memory_space<hbm>>
        tpu.wait_dma2 semaphore(%run_scoped3A : memref<!tpu.dma_semaphore, #tpu.memory_space<semaphore_mem>>) src(%dma_wait3A_55 : memref<50x128xi32, #tpu.memory_space<hbm>>) dst(%dma_wait3A_53 : memref<50x128xi32, #tpu.memory_space<vmem>>)
        tpu.yield
      }) : () -> ()
    } else {
    }
    %barrier3A = arith.constant 0 : index
    tpu.barrier barrier_id(%barrier3A)
    %eq3A_23 = arith.constant 0 : i32
    %eq3A_24 = arith.cmpi eq, %arg0, %eq3A_23 : i32
    %convert_element_type3A_25 = arith.extui %eq3A_24 : i1 to i32
    %cond3A_26 = arith.constant 0 : i32
    %cond3A_27 = arith.cmpi ne, %convert_element_type3A_25, %cond3A_26 : i32
    scf.if %cond3A_27 {
      %scan3A_34 = arith.constant 0 : i32
      %scan3A_35 = arith.constant 0 : i32
      %scan3A_36 = arith.constant 110 : i32
      %scan3A_37 = arith.addi %scan3A_35, %scan3A_36 : i32
      %scan3A_38 = arith.constant 1 : i32
      scf.for %scan3A_40 = %scan3A_35 to %scan3A_37 step %scan3A_38  : i32 {
        "tpu.region"() ({
          %run_scoped3A = tpu.sem_alloc : memref<!tpu.dma_semaphore, #tpu.memory_space<semaphore_mem>>
          %dma_start3A = arith.constant 0 : i32
          %dma_start3A_41 = tpu.memref_slice %arg6[%scan3A_40, %dma_start3A] : memref<111x128xi32, #tpu.memory_space<vmem>> -> memref<1x128xi32, #tpu.memory_space<vmem>>
          %dma_start3A_42 = tpu.memref_squeeze %dma_start3A_41 : memref<1x128xi32, #tpu.memory_space<vmem>> -> memref<128xi32, #tpu.memory_space<vmem>>
          %dma_start3A_43 = arith.constant 0 : i32
          %dma_start3A_44 = arith.constant 0 : i32
          %dma_start3A_45 = tpu.memref_slice %arg2[%dma_start3A_43, %dma_start3A_44] : memref<10240x64xf32, #tpu.memory_space<hbm>> -> memref<10240x64xf32, #tpu.memory_space<hbm>>
          tpu.enqueue_indirect_dma source(%dma_start3A_45 : memref<10240x64xf32, #tpu.memory_space<hbm>>) target(%arg8 : memref<128x64xf32, #tpu.memory_space<vmem>>) offsets(%dma_start3A_42 : memref<128xi32, #tpu.memory_space<vmem>>) semaphore(%run_scoped3A : memref<!tpu.dma_semaphore, #tpu.memory_space<semaphore_mem>>)
          %dma_wait3A = arith.constant 0 : i32
          %dma_wait3A_46 = tpu.memref_slice %arg6[%scan3A_40, %dma_wait3A] : memref<111x128xi32, #tpu.memory_space<vmem>> -> memref<1x128xi32, #tpu.memory_space<vmem>>
          %dma_wait3A_47 = tpu.memref_squeeze %dma_wait3A_46 : memref<1x128xi32, #tpu.memory_space<vmem>> -> memref<128xi32, #tpu.memory_space<vmem>>
          %dma_wait3A_48 = arith.constant 0 : i32
          %dma_wait3A_49 = arith.constant 0 : i32
          %dma_wait3A_50 = tpu.memref_slice %arg2[%dma_wait3A_48, %dma_wait3A_49] : memref<10240x64xf32, #tpu.memory_space<hbm>> -> memref<10240x64xf32, #tpu.memory_space<hbm>>
          tpu.wait_indirect_dma semaphore(%run_scoped3A : memref<!tpu.dma_semaphore, #tpu.memory_space<semaphore_mem>>) src(%dma_wait3A_50 : memref<10240x64xf32, #tpu.memory_space<hbm>>) dst(%arg8 : memref<128x64xf32, #tpu.memory_space<vmem>>)
          tpu.yield
        }) : () -> ()
        "tpu.region"() ({
          %run_scoped3A = tpu.sem_alloc : memref<!tpu.dma_semaphore, #tpu.memory_space<semaphore_mem>>
          %dma_start3A = arith.constant 0 : i32
          %dma_start3A_41 = tpu.memref_slice %arg7[%scan3A_40, %dma_start3A] : memref<110x128xi32, #tpu.memory_space<vmem>> -> memref<1x128xi32, #tpu.memory_space<vmem>>
          %dma_start3A_42 = tpu.memref_squeeze %dma_start3A_41 : memref<1x128xi32, #tpu.memory_space<vmem>> -> memref<128xi32, #tpu.memory_space<vmem>>
          %dma_start3A_43 = arith.constant 0 : i32
          %dma_start3A_44 = arith.constant 0 : i32
          %dma_start3A_45 = tpu.memref_slice %arg11[%dma_start3A_43, %dma_start3A_44] : memref<10240x64xf32, #tpu.memory_space<vmem_shared>> -> memref<10240x64xf32, #tpu.memory_space<vmem_shared>>
          tpu.enqueue_indirect_dma source(%arg8 : memref<128x64xf32, #tpu.memory_space<vmem>>) target(%dma_start3A_45 : memref<10240x64xf32, #tpu.memory_space<vmem_shared>>) offsets(%dma_start3A_42 : memref<128xi32, #tpu.memory_space<vmem>>) semaphore(%run_scoped3A : memref<!tpu.dma_semaphore, #tpu.memory_space<semaphore_mem>>) {add = true}
          %dma_wait3A = arith.constant 0 : i32
          %dma_wait3A_46 = tpu.memref_slice %arg7[%scan3A_40, %dma_wait3A] : memref<110x128xi32, #tpu.memory_space<vmem>> -> memref<1x128xi32, #tpu.memory_space<vmem>>
          %dma_wait3A_47 = tpu.memref_squeeze %dma_wait3A_46 : memref<1x128xi32, #tpu.memory_space<vmem>> -> memref<128xi32, #tpu.memory_space<vmem>>
          %dma_wait3A_48 = arith.constant 0 : i32
          %dma_wait3A_49 = arith.constant 0 : i32
          %dma_wait3A_50 = tpu.memref_slice %arg11[%dma_wait3A_48, %dma_wait3A_49] : memref<10240x64xf32, #tpu.memory_space<vmem_shared>> -> memref<10240x64xf32, #tpu.memory_space<vmem_shared>>
          tpu.wait_indirect_dma semaphore(%run_scoped3A : memref<!tpu.dma_semaphore, #tpu.memory_space<semaphore_mem>>) src(%arg8 : memref<128x64xf32, #tpu.memory_space<vmem>>) dst(%dma_wait3A_50 : memref<10240x64xf32, #tpu.memory_space<vmem_shared>>)
          tpu.yield
        }) : () -> ()
      }
      %scan3A_39 = arith.constant 110 : i32
    } else {
    }
    %eq3A_28 = arith.constant 1 : i32
    %eq3A_29 = arith.cmpi eq, %arg0, %eq3A_28 : i32
    %convert_element_type3A_30 = arith.extui %eq3A_29 : i1 to i32
    %cond3A_31 = arith.constant 0 : i32
    %cond3A_32 = arith.cmpi ne, %convert_element_type3A_30, %cond3A_31 : i32
    scf.if %cond3A_32 {
      %scan3A_34 = arith.constant 0 : i32
      %scan3A_35 = arith.constant 0 : i32
      %scan3A_36 = arith.constant 50 : i32
      %scan3A_37 = arith.addi %scan3A_35, %scan3A_36 : i32
      %scan3A_38 = arith.constant 1 : i32
      scf.for %scan3A_40 = %scan3A_35 to %scan3A_37 step %scan3A_38  : i32 {
        "tpu.region"() ({
          %run_scoped3A = tpu.sem_alloc : memref<!tpu.dma_semaphore, #tpu.memory_space<semaphore_mem>>
          %dma_start3A = arith.constant 0 : i32
          %dma_start3A_41 = tpu.memref_slice %arg6[%scan3A_40, %dma_start3A] : memref<111x128xi32, #tpu.memory_space<vmem>> -> memref<1x128xi32, #tpu.memory_space<vmem>>
          %dma_start3A_42 = tpu.memref_squeeze %dma_start3A_41 : memref<1x128xi32, #tpu.memory_space<vmem>> -> memref<128xi32, #tpu.memory_space<vmem>>
          %dma_start3A_43 = arith.constant 0 : i32
          %dma_start3A_44 = arith.constant 0 : i32
          %dma_start3A_45 = tpu.memref_slice %arg2[%dma_start3A_43, %dma_start3A_44] : memref<10240x64xf32, #tpu.memory_space<hbm>> -> memref<10240x64xf32, #tpu.memory_space<hbm>>
          tpu.enqueue_indirect_dma source(%dma_start3A_45 : memref<10240x64xf32, #tpu.memory_space<hbm>>) target(%arg8 : memref<128x64xf32, #tpu.memory_space<vmem>>) offsets(%dma_start3A_42 : memref<128xi32, #tpu.memory_space<vmem>>) semaphore(%run_scoped3A : memref<!tpu.dma_semaphore, #tpu.memory_space<semaphore_mem>>)
          %dma_wait3A = arith.constant 0 : i32
          %dma_wait3A_46 = tpu.memref_slice %arg6[%scan3A_40, %dma_wait3A] : memref<111x128xi32, #tpu.memory_space<vmem>> -> memref<1x128xi32, #tpu.memory_space<vmem>>
          %dma_wait3A_47 = tpu.memref_squeeze %dma_wait3A_46 : memref<1x128xi32, #tpu.memory_space<vmem>> -> memref<128xi32, #tpu.memory_space<vmem>>
          %dma_wait3A_48 = arith.constant 0 : i32
          %dma_wait3A_49 = arith.constant 0 : i32
          %dma_wait3A_50 = tpu.memref_slice %arg2[%dma_wait3A_48, %dma_wait3A_49] : memref<10240x64xf32, #tpu.memory_space<hbm>> -> memref<10240x64xf32, #tpu.memory_space<hbm>>
          tpu.wait_indirect_dma semaphore(%run_scoped3A : memref<!tpu.dma_semaphore, #tpu.memory_space<semaphore_mem>>) src(%dma_wait3A_50 : memref<10240x64xf32, #tpu.memory_space<hbm>>) dst(%arg8 : memref<128x64xf32, #tpu.memory_space<vmem>>)
          tpu.yield
        }) : () -> ()
        "tpu.region"() ({
          %run_scoped3A = tpu.sem_alloc : memref<!tpu.dma_semaphore, #tpu.memory_space<semaphore_mem>>
          %dma_start3A = arith.constant 0 : i32
          %dma_start3A_41 = tpu.memref_slice %arg7[%scan3A_40, %dma_start3A] : memref<110x128xi32, #tpu.memory_space<vmem>> -> memref<1x128xi32, #tpu.memory_space<vmem>>
          %dma_start3A_42 = tpu.memref_squeeze %dma_start3A_41 : memref<1x128xi32, #tpu.memory_space<vmem>> -> memref<128xi32, #tpu.memory_space<vmem>>
          %dma_start3A_43 = arith.constant 0 : i32
          %dma_start3A_44 = arith.constant 0 : i32
          %dma_start3A_45 = tpu.memref_slice %arg11[%dma_start3A_43, %dma_start3A_44] : memref<10240x64xf32, #tpu.memory_space<vmem_shared>> -> memref<10240x64xf32, #tpu.memory_space<vmem_shared>>
          tpu.enqueue_indirect_dma source(%arg8 : memref<128x64xf32, #tpu.memory_space<vmem>>) target(%dma_start3A_45 : memref<10240x64xf32, #tpu.memory_space<vmem_shared>>) offsets(%dma_start3A_42 : memref<128xi32, #tpu.memory_space<vmem>>) semaphore(%run_scoped3A : memref<!tpu.dma_semaphore, #tpu.memory_space<semaphore_mem>>) {add = true}
          %dma_wait3A = arith.constant 0 : i32
          %dma_wait3A_46 = tpu.memref_slice %arg7[%scan3A_40, %dma_wait3A] : memref<110x128xi32, #tpu.memory_space<vmem>> -> memref<1x128xi32, #tpu.memory_space<vmem>>
          %dma_wait3A_47 = tpu.memref_squeeze %dma_wait3A_46 : memref<1x128xi32, #tpu.memory_space<vmem>> -> memref<128xi32, #tpu.memory_space<vmem>>
          %dma_wait3A_48 = arith.constant 0 : i32
          %dma_wait3A_49 = arith.constant 0 : i32
          %dma_wait3A_50 = tpu.memref_slice %arg11[%dma_wait3A_48, %dma_wait3A_49] : memref<10240x64xf32, #tpu.memory_space<vmem_shared>> -> memref<10240x64xf32, #tpu.memory_space<vmem_shared>>
          tpu.wait_indirect_dma semaphore(%run_scoped3A : memref<!tpu.dma_semaphore, #tpu.memory_space<semaphore_mem>>) src(%arg8 : memref<128x64xf32, #tpu.memory_space<vmem>>) dst(%dma_wait3A_50 : memref<10240x64xf32, #tpu.memory_space<vmem_shared>>)
          tpu.yield
        }) : () -> ()
      }
      %scan3A_39 = arith.constant 50 : i32
    } else {
    }
    %barrier3A_33 = arith.constant 0 : index
    tpu.barrier barrier_id(%barrier3A_33)
    "tpu.region"() ({
      %run_scoped3A = tpu.sem_alloc : memref<!tpu.dma_semaphore, #tpu.memory_space<semaphore_mem>>
      %dma_start3A = arith.constant 0 : i32
      %dma_start3A_34 = tpu.memref_slice %arg5[%arg0, %mul3A_6, %dma_start3A] : memref<2x10240x64xf32, #tpu.memory_space<hbm>> -> memref<1x640x64xf32, #tpu.memory_space<hbm>>
      %dma_start3A_35 = tpu.memref_squeeze %dma_start3A_34 : memref<1x640x64xf32, #tpu.memory_space<hbm>> -> memref<640x64xf32, #tpu.memory_space<hbm>>
      %dma_start3A_36 = arith.constant 0 : i32
      %dma_start3A_37 = tpu.memref_slice %arg11[%mul3A_6, %dma_start3A_36] : memref<10240x64xf32, #tpu.memory_space<vmem_shared>> -> memref<640x64xf32, #tpu.memory_space<vmem_shared>>
      tpu.enqueue_dma source(%dma_start3A_37 : memref<640x64xf32, #tpu.memory_space<vmem_shared>>) target(%dma_start3A_35 : memref<640x64xf32, #tpu.memory_space<hbm>>) target_semaphore(%run_scoped3A : memref<!tpu.dma_semaphore, #tpu.memory_space<semaphore_mem>>)
      %dma_wait3A = arith.constant 0 : i32
      %dma_wait3A_38 = tpu.memref_slice %arg5[%arg0, %mul3A_6, %dma_wait3A] : memref<2x10240x64xf32, #tpu.memory_space<hbm>> -> memref<1x640x64xf32, #tpu.memory_space<hbm>>
      %dma_wait3A_39 = tpu.memref_squeeze %dma_wait3A_38 : memref<1x640x64xf32, #tpu.memory_space<hbm>> -> memref<640x64xf32, #tpu.memory_space<hbm>>
      %dma_wait3A_40 = arith.constant 0 : i32
      %dma_wait3A_41 = tpu.memref_slice %arg11[%mul3A_6, %dma_wait3A_40] : memref<10240x64xf32, #tpu.memory_space<vmem_shared>> -> memref<640x64xf32, #tpu.memory_space<vmem_shared>>
      tpu.wait_dma2 semaphore(%run_scoped3A : memref<!tpu.dma_semaphore, #tpu.memory_space<semaphore_mem>>) src(%dma_wait3A_41 : memref<640x64xf32, #tpu.memory_space<vmem_shared>>) dst(%dma_wait3A_39 : memref<640x64xf32, #tpu.memory_space<hbm>>)
      tpu.yield
    }) : () -> ()
    return
  }
}

#map = affine_map<(d0, d1) -> (0, 0)>
#map1 = affine_map<(d0, d1) -> (0, 0, 0)>
module attributes {stable_mosaic.version = 14 : i64} {
  func.func @_sc_degree_body(%arg0: i32, %arg1: i32, %arg2: memref<2560x128xi32, #tpu.memory_space<hbm>>, %arg3: memref<2x10240x16xf32, #tpu.memory_space<hbm>>, %arg4: memref<80x128xi32, #tpu.memory_space<vmem>>, %arg5: memref<128x16xf32, #tpu.memory_space<vmem>>, %arg6: memref<128x16xf32, #tpu.memory_space<vmem>>, %arg7: memref<10240x16xf32, #tpu.memory_space<vmem_shared>>) attributes {dimension_semantics = [#tpu.dimension_semantics<core_parallel>, #tpu.dimension_semantics<subcore_parallel>], iteration_bounds = array<i64: 2, 16>, scalar_prefetch = 0 : i64, scratch_operands = 4 : i64, tpu.core_type = #tpu.core_type<sc_vector_subcore>, window_params = [{transform_indices = #map}, {transform_indices = #map1}]} {
    %mul3A = arith.constant 2 : i32
    %mul3A_0 = arith.muli %arg1, %mul3A : i32
    %add3A = arith.addi %mul3A_0, %arg0 : i32
    %broadcast_in_dim3A = arith.constant 0.000000e+00 : f32
    %broadcast_in_dim3A_1 = vector.broadcast %broadcast_in_dim3A : f32 to vector<16xf32>
    %scan3A = arith.constant 0 : i32
    %scan3A_2 = arith.constant 0 : i32
    %scan3A_3 = arith.constant 128 : i32
    %scan3A_4 = arith.addi %scan3A_2, %scan3A_3 : i32
    %scan3A_5 = arith.constant 1 : i32
    scf.for %scan3A_36 = %scan3A_2 to %scan3A_4 step %scan3A_5  : i32 {
      %swap3A = arith.index_cast %scan3A_36 : i32 to index
      %swap3A_37 = arith.constant 0 : index
      %swap3A_38 = tpu.vector_load %arg6[%swap3A, %swap3A_37] {strides = array<i32>} : memref<128x16xf32, #tpu.memory_space<vmem>>, vector<1x16xf32>,
      %swap3A_39 = vector.shape_cast %swap3A_38 : vector<1x16xf32> to vector<16xf32>
      %swap3A_40 = vector.shape_cast %broadcast_in_dim3A_1 : vector<16xf32> to vector<1x16xf32>
      tpu.vector_store %arg6[%swap3A, %swap3A_37], %swap3A_40 {strides = array<i32>} : memref<128x16xf32, #tpu.memory_space<vmem>>, vector<1x16xf32>,
    }
    %scan3A_6 = arith.constant 128 : i32
    %broadcast_in_dim3A_7 = arith.constant 1.000000e+00 : f32
    %broadcast_in_dim3A_8 = vector.broadcast %broadcast_in_dim3A_7 : f32 to vector<16xf32>
    %scan3A_9 = arith.constant 0 : i32
    %scan3A_10 = arith.constant 0 : i32
    %scan3A_11 = arith.constant 128 : i32
    %scan3A_12 = arith.addi %scan3A_10, %scan3A_11 : i32
    %scan3A_13 = arith.constant 1 : i32
    scf.for %scan3A_36 = %scan3A_10 to %scan3A_12 step %scan3A_13  : i32 {
      %swap3A = arith.index_cast %scan3A_36 : i32 to index
      %swap3A_37 = arith.constant 0 : index
      %swap3A_38 = tpu.vector_load %arg5[%swap3A, %swap3A_37] {strides = array<i32>} : memref<128x16xf32, #tpu.memory_space<vmem>>, vector<1x16xf32>,
      %swap3A_39 = vector.shape_cast %swap3A_38 : vector<1x16xf32> to vector<16xf32>
      %swap3A_40 = vector.shape_cast %broadcast_in_dim3A_8 : vector<16xf32> to vector<1x16xf32>
      tpu.vector_store %arg5[%swap3A, %swap3A_37], %swap3A_40 {strides = array<i32>} : memref<128x16xf32, #tpu.memory_space<vmem>>, vector<1x16xf32>,
    }
    %scan3A_14 = arith.constant 128 : i32
    %mul3A_15 = arith.constant 640 : i32
    %mul3A_16 = arith.muli %arg1, %mul3A_15 : i32
    %add3A_17 = arith.constant 0 : i32
    %add3A_18 = arith.addi %mul3A_16, %add3A_17 : i32
    "tpu.region"() ({
      %run_scoped3A = tpu.sem_alloc : memref<!tpu.dma_semaphore, #tpu.memory_space<semaphore_mem>>
      %dma_start3A = arith.constant 0 : i32
      %dma_start3A_36 = tpu.memref_slice %arg7[%add3A_18, %dma_start3A] : memref<10240x16xf32, #tpu.memory_space<vmem_shared>> -> memref<128x16xf32, #tpu.memory_space<vmem_shared>>
      %dma_start3A_37 = arith.constant 0 : i32
      %dma_start3A_38 = tpu.memref_slice %arg7[%add3A_18, %dma_start3A_37] : memref<10240x16xf32, #tpu.memory_space<vmem_shared>> -> memref<128x16xf32, #tpu.memory_space<vmem_shared>>
      tpu.enqueue_dma source(%arg6 : memref<128x16xf32, #tpu.memory_space<vmem>>) target(%dma_start3A_38 : memref<128x16xf32, #tpu.memory_space<vmem_shared>>) target_semaphore(%run_scoped3A : memref<!tpu.dma_semaphore, #tpu.memory_space<semaphore_mem>>)
      %dma_wait3A = arith.constant 0 : i32
      %dma_wait3A_39 = tpu.memref_slice %arg7[%add3A_18, %dma_wait3A] : memref<10240x16xf32, #tpu.memory_space<vmem_shared>> -> memref<128x16xf32, #tpu.memory_space<vmem_shared>>
      %dma_wait3A_40 = arith.constant 0 : i32
      %dma_wait3A_41 = tpu.memref_slice %arg7[%add3A_18, %dma_wait3A_40] : memref<10240x16xf32, #tpu.memory_space<vmem_shared>> -> memref<128x16xf32, #tpu.memory_space<vmem_shared>>
      tpu.wait_dma2 semaphore(%run_scoped3A : memref<!tpu.dma_semaphore, #tpu.memory_space<semaphore_mem>>) src(%arg6 : memref<128x16xf32, #tpu.memory_space<vmem>>) dst(%dma_wait3A_41 : memref<128x16xf32, #tpu.memory_space<vmem_shared>>)
      tpu.yield
    }) : () -> ()
    %add3A_19 = arith.constant 128 : i32
    %add3A_20 = arith.addi %mul3A_16, %add3A_19 : i32
    "tpu.region"() ({
      %run_scoped3A = tpu.sem_alloc : memref<!tpu.dma_semaphore, #tpu.memory_space<semaphore_mem>>
      %dma_start3A = arith.constant 0 : i32
      %dma_start3A_36 = tpu.memref_slice %arg7[%add3A_20, %dma_start3A] : memref<10240x16xf32, #tpu.memory_space<vmem_shared>> -> memref<128x16xf32, #tpu.memory_space<vmem_shared>>
      %dma_start3A_37 = arith.constant 0 : i32
      %dma_start3A_38 = tpu.memref_slice %arg7[%add3A_20, %dma_start3A_37] : memref<10240x16xf32, #tpu.memory_space<vmem_shared>> -> memref<128x16xf32, #tpu.memory_space<vmem_shared>>
      tpu.enqueue_dma source(%arg6 : memref<128x16xf32, #tpu.memory_space<vmem>>) target(%dma_start3A_38 : memref<128x16xf32, #tpu.memory_space<vmem_shared>>) target_semaphore(%run_scoped3A : memref<!tpu.dma_semaphore, #tpu.memory_space<semaphore_mem>>)
      %dma_wait3A = arith.constant 0 : i32
      %dma_wait3A_39 = tpu.memref_slice %arg7[%add3A_20, %dma_wait3A] : memref<10240x16xf32, #tpu.memory_space<vmem_shared>> -> memref<128x16xf32, #tpu.memory_space<vmem_shared>>
      %dma_wait3A_40 = arith.constant 0 : i32
      %dma_wait3A_41 = tpu.memref_slice %arg7[%add3A_20, %dma_wait3A_40] : memref<10240x16xf32, #tpu.memory_space<vmem_shared>> -> memref<128x16xf32, #tpu.memory_space<vmem_shared>>
      tpu.wait_dma2 semaphore(%run_scoped3A : memref<!tpu.dma_semaphore, #tpu.memory_space<semaphore_mem>>) src(%arg6 : memref<128x16xf32, #tpu.memory_space<vmem>>) dst(%dma_wait3A_41 : memref<128x16xf32, #tpu.memory_space<vmem_shared>>)
      tpu.yield
    }) : () -> ()
    %add3A_21 = arith.constant 256 : i32
    %add3A_22 = arith.addi %mul3A_16, %add3A_21 : i32
    "tpu.region"() ({
      %run_scoped3A = tpu.sem_alloc : memref<!tpu.dma_semaphore, #tpu.memory_space<semaphore_mem>>
      %dma_start3A = arith.constant 0 : i32
      %dma_start3A_36 = tpu.memref_slice %arg7[%add3A_22, %dma_start3A] : memref<10240x16xf32, #tpu.memory_space<vmem_shared>> -> memref<128x16xf32, #tpu.memory_space<vmem_shared>>
      %dma_start3A_37 = arith.constant 0 : i32
      %dma_start3A_38 = tpu.memref_slice %arg7[%add3A_22, %dma_start3A_37] : memref<10240x16xf32, #tpu.memory_space<vmem_shared>> -> memref<128x16xf32, #tpu.memory_space<vmem_shared>>
      tpu.enqueue_dma source(%arg6 : memref<128x16xf32, #tpu.memory_space<vmem>>) target(%dma_start3A_38 : memref<128x16xf32, #tpu.memory_space<vmem_shared>>) target_semaphore(%run_scoped3A : memref<!tpu.dma_semaphore, #tpu.memory_space<semaphore_mem>>)
      %dma_wait3A = arith.constant 0 : i32
      %dma_wait3A_39 = tpu.memref_slice %arg7[%add3A_22, %dma_wait3A] : memref<10240x16xf32, #tpu.memory_space<vmem_shared>> -> memref<128x16xf32, #tpu.memory_space<vmem_shared>>
      %dma_wait3A_40 = arith.constant 0 : i32
      %dma_wait3A_41 = tpu.memref_slice %arg7[%add3A_22, %dma_wait3A_40] : memref<10240x16xf32, #tpu.memory_space<vmem_shared>> -> memref<128x16xf32, #tpu.memory_space<vmem_shared>>
      tpu.wait_dma2 semaphore(%run_scoped3A : memref<!tpu.dma_semaphore, #tpu.memory_space<semaphore_mem>>) src(%arg6 : memref<128x16xf32, #tpu.memory_space<vmem>>) dst(%dma_wait3A_41 : memref<128x16xf32, #tpu.memory_space<vmem_shared>>)
      tpu.yield
    }) : () -> ()
    %add3A_23 = arith.constant 384 : i32
    %add3A_24 = arith.addi %mul3A_16, %add3A_23 : i32
    "tpu.region"() ({
      %run_scoped3A = tpu.sem_alloc : memref<!tpu.dma_semaphore, #tpu.memory_space<semaphore_mem>>
      %dma_start3A = arith.constant 0 : i32
      %dma_start3A_36 = tpu.memref_slice %arg7[%add3A_24, %dma_start3A] : memref<10240x16xf32, #tpu.memory_space<vmem_shared>> -> memref<128x16xf32, #tpu.memory_space<vmem_shared>>
      %dma_start3A_37 = arith.constant 0 : i32
      %dma_start3A_38 = tpu.memref_slice %arg7[%add3A_24, %dma_start3A_37] : memref<10240x16xf32, #tpu.memory_space<vmem_shared>> -> memref<128x16xf32, #tpu.memory_space<vmem_shared>>
      tpu.enqueue_dma source(%arg6 : memref<128x16xf32, #tpu.memory_space<vmem>>) target(%dma_start3A_38 : memref<128x16xf32, #tpu.memory_space<vmem_shared>>) target_semaphore(%run_scoped3A : memref<!tpu.dma_semaphore, #tpu.memory_space<semaphore_mem>>)
      %dma_wait3A = arith.constant 0 : i32
      %dma_wait3A_39 = tpu.memref_slice %arg7[%add3A_24, %dma_wait3A] : memref<10240x16xf32, #tpu.memory_space<vmem_shared>> -> memref<128x16xf32, #tpu.memory_space<vmem_shared>>
      %dma_wait3A_40 = arith.constant 0 : i32
      %dma_wait3A_41 = tpu.memref_slice %arg7[%add3A_24, %dma_wait3A_40] : memref<10240x16xf32, #tpu.memory_space<vmem_shared>> -> memref<128x16xf32, #tpu.memory_space<vmem_shared>>
      tpu.wait_dma2 semaphore(%run_scoped3A : memref<!tpu.dma_semaphore, #tpu.memory_space<semaphore_mem>>) src(%arg6 : memref<128x16xf32, #tpu.memory_space<vmem>>) dst(%dma_wait3A_41 : memref<128x16xf32, #tpu.memory_space<vmem_shared>>)
      tpu.yield
    }) : () -> ()
    %add3A_25 = arith.constant 512 : i32
    %add3A_26 = arith.addi %mul3A_16, %add3A_25 : i32
    "tpu.region"() ({
      %run_scoped3A = tpu.sem_alloc : memref<!tpu.dma_semaphore, #tpu.memory_space<semaphore_mem>>
      %dma_start3A = arith.constant 0 : i32
      %dma_start3A_36 = tpu.memref_slice %arg7[%add3A_26, %dma_start3A] : memref<10240x16xf32, #tpu.memory_space<vmem_shared>> -> memref<128x16xf32, #tpu.memory_space<vmem_shared>>
      %dma_start3A_37 = arith.constant 0 : i32
      %dma_start3A_38 = tpu.memref_slice %arg7[%add3A_26, %dma_start3A_37] : memref<10240x16xf32, #tpu.memory_space<vmem_shared>> -> memref<128x16xf32, #tpu.memory_space<vmem_shared>>
      tpu.enqueue_dma source(%arg6 : memref<128x16xf32, #tpu.memory_space<vmem>>) target(%dma_start3A_38 : memref<128x16xf32, #tpu.memory_space<vmem_shared>>) target_semaphore(%run_scoped3A : memref<!tpu.dma_semaphore, #tpu.memory_space<semaphore_mem>>)
      %dma_wait3A = arith.constant 0 : i32
      %dma_wait3A_39 = tpu.memref_slice %arg7[%add3A_26, %dma_wait3A] : memref<10240x16xf32, #tpu.memory_space<vmem_shared>> -> memref<128x16xf32, #tpu.memory_space<vmem_shared>>
      %dma_wait3A_40 = arith.constant 0 : i32
      %dma_wait3A_41 = tpu.memref_slice %arg7[%add3A_26, %dma_wait3A_40] : memref<10240x16xf32, #tpu.memory_space<vmem_shared>> -> memref<128x16xf32, #tpu.memory_space<vmem_shared>>
      tpu.wait_dma2 semaphore(%run_scoped3A : memref<!tpu.dma_semaphore, #tpu.memory_space<semaphore_mem>>) src(%arg6 : memref<128x16xf32, #tpu.memory_space<vmem>>) dst(%dma_wait3A_41 : memref<128x16xf32, #tpu.memory_space<vmem_shared>>)
      tpu.yield
    }) : () -> ()
    %mul3A_27 = arith.constant 80 : i32
    %mul3A_28 = arith.muli %add3A, %mul3A_27 : i32
    "tpu.region"() ({
      %run_scoped3A = tpu.sem_alloc : memref<!tpu.dma_semaphore, #tpu.memory_space<semaphore_mem>>
      %dma_start3A = arith.constant 0 : i32
      %dma_start3A_36 = tpu.memref_slice %arg2[%mul3A_28, %dma_start3A] : memref<2560x128xi32, #tpu.memory_space<hbm>> -> memref<80x128xi32, #tpu.memory_space<hbm>>
      %dma_start3A_37 = arith.constant 0 : i32
      %dma_start3A_38 = tpu.memref_slice %arg2[%mul3A_28, %dma_start3A_37] : memref<2560x128xi32, #tpu.memory_space<hbm>> -> memref<80x128xi32, #tpu.memory_space<hbm>>
      tpu.enqueue_dma source(%dma_start3A_38 : memref<80x128xi32, #tpu.memory_space<hbm>>) target(%arg4 : memref<80x128xi32, #tpu.memory_space<vmem>>) target_semaphore(%run_scoped3A : memref<!tpu.dma_semaphore, #tpu.memory_space<semaphore_mem>>)
      %dma_wait3A = arith.constant 0 : i32
      %dma_wait3A_39 = tpu.memref_slice %arg2[%mul3A_28, %dma_wait3A] : memref<2560x128xi32, #tpu.memory_space<hbm>> -> memref<80x128xi32, #tpu.memory_space<hbm>>
      %dma_wait3A_40 = arith.constant 0 : i32
      %dma_wait3A_41 = tpu.memref_slice %arg2[%mul3A_28, %dma_wait3A_40] : memref<2560x128xi32, #tpu.memory_space<hbm>> -> memref<80x128xi32, #tpu.memory_space<hbm>>
      tpu.wait_dma2 semaphore(%run_scoped3A : memref<!tpu.dma_semaphore, #tpu.memory_space<semaphore_mem>>) src(%dma_wait3A_41 : memref<80x128xi32, #tpu.memory_space<hbm>>) dst(%arg4 : memref<80x128xi32, #tpu.memory_space<vmem>>)
      tpu.yield
    }) : () -> ()
    %barrier3A = arith.constant 0 : index
    tpu.barrier barrier_id(%barrier3A)
    %scan3A_29 = arith.constant 0 : i32
    %scan3A_30 = arith.constant 0 : i32
    %scan3A_31 = arith.constant 80 : i32
    %scan3A_32 = arith.addi %scan3A_30, %scan3A_31 : i32
    %scan3A_33 = arith.constant 1 : i32
    scf.for %scan3A_36 = %scan3A_30 to %scan3A_32 step %scan3A_33  : i32 {
      "tpu.region"() ({
        %run_scoped3A = tpu.sem_alloc : memref<!tpu.dma_semaphore, #tpu.memory_space<semaphore_mem>>
        %dma_start3A = arith.constant 0 : i32
        %dma_start3A_37 = tpu.memref_slice %arg4[%scan3A_36, %dma_start3A] : memref<80x128xi32, #tpu.memory_space<vmem>> -> memref<1x128xi32, #tpu.memory_space<vmem>>
        %dma_start3A_38 = tpu.memref_squeeze %dma_start3A_37 : memref<1x128xi32, #tpu.memory_space<vmem>> -> memref<128xi32, #tpu.memory_space<vmem>>
        %dma_start3A_39 = arith.constant 0 : i32
        %dma_start3A_40 = arith.constant 0 : i32
        %dma_start3A_41 = tpu.memref_slice %arg7[%dma_start3A_39, %dma_start3A_40] : memref<10240x16xf32, #tpu.memory_space<vmem_shared>> -> memref<10240x16xf32, #tpu.memory_space<vmem_shared>>
        tpu.enqueue_indirect_dma source(%arg5 : memref<128x16xf32, #tpu.memory_space<vmem>>) target(%dma_start3A_41 : memref<10240x16xf32, #tpu.memory_space<vmem_shared>>) offsets(%dma_start3A_38 : memref<128xi32, #tpu.memory_space<vmem>>) semaphore(%run_scoped3A : memref<!tpu.dma_semaphore, #tpu.memory_space<semaphore_mem>>) {add = true}
        %dma_wait3A = arith.constant 0 : i32
        %dma_wait3A_42 = tpu.memref_slice %arg4[%scan3A_36, %dma_wait3A] : memref<80x128xi32, #tpu.memory_space<vmem>> -> memref<1x128xi32, #tpu.memory_space<vmem>>
        %dma_wait3A_43 = tpu.memref_squeeze %dma_wait3A_42 : memref<1x128xi32, #tpu.memory_space<vmem>> -> memref<128xi32, #tpu.memory_space<vmem>>
        %dma_wait3A_44 = arith.constant 0 : i32
        %dma_wait3A_45 = arith.constant 0 : i32
        %dma_wait3A_46 = tpu.memref_slice %arg7[%dma_wait3A_44, %dma_wait3A_45] : memref<10240x16xf32, #tpu.memory_space<vmem_shared>> -> memref<10240x16xf32, #tpu.memory_space<vmem_shared>>
        tpu.wait_indirect_dma semaphore(%run_scoped3A : memref<!tpu.dma_semaphore, #tpu.memory_space<semaphore_mem>>) src(%arg5 : memref<128x16xf32, #tpu.memory_space<vmem>>) dst(%dma_wait3A_46 : memref<10240x16xf32, #tpu.memory_space<vmem_shared>>)
        tpu.yield
      }) : () -> ()
    }
    %scan3A_34 = arith.constant 80 : i32
    %barrier3A_35 = arith.constant 0 : index
    tpu.barrier barrier_id(%barrier3A_35)
    "tpu.region"() ({
      %run_scoped3A = tpu.sem_alloc : memref<!tpu.dma_semaphore, #tpu.memory_space<semaphore_mem>>
      %dma_start3A = arith.constant 0 : i32
      %dma_start3A_36 = tpu.memref_slice %arg3[%arg0, %mul3A_16, %dma_start3A] : memref<2x10240x16xf32, #tpu.memory_space<hbm>> -> memref<1x640x16xf32, #tpu.memory_space<hbm>>
      %dma_start3A_37 = tpu.memref_squeeze %dma_start3A_36 : memref<1x640x16xf32, #tpu.memory_space<hbm>> -> memref<640x16xf32, #tpu.memory_space<hbm>>
      %dma_start3A_38 = arith.constant 0 : i32
      %dma_start3A_39 = tpu.memref_slice %arg7[%mul3A_16, %dma_start3A_38] : memref<10240x16xf32, #tpu.memory_space<vmem_shared>> -> memref<640x16xf32, #tpu.memory_space<vmem_shared>>
      tpu.enqueue_dma source(%dma_start3A_39 : memref<640x16xf32, #tpu.memory_space<vmem_shared>>) target(%dma_start3A_37 : memref<640x16xf32, #tpu.memory_space<hbm>>) target_semaphore(%run_scoped3A : memref<!tpu.dma_semaphore, #tpu.memory_space<semaphore_mem>>)
      %dma_wait3A = arith.constant 0 : i32
      %dma_wait3A_40 = tpu.memref_slice %arg3[%arg0, %mul3A_16, %dma_wait3A] : memref<2x10240x16xf32, #tpu.memory_space<hbm>> -> memref<1x640x16xf32, #tpu.memory_space<hbm>>
      %dma_wait3A_41 = tpu.memref_squeeze %dma_wait3A_40 : memref<1x640x16xf32, #tpu.memory_space<hbm>> -> memref<640x16xf32, #tpu.memory_space<hbm>>
      %dma_wait3A_42 = arith.constant 0 : i32
      %dma_wait3A_43 = tpu.memref_slice %arg7[%mul3A_16, %dma_wait3A_42] : memref<10240x16xf32, #tpu.memory_space<vmem_shared>> -> memref<640x16xf32, #tpu.memory_space<vmem_shared>>
      tpu.wait_dma2 semaphore(%run_scoped3A : memref<!tpu.dma_semaphore, #tpu.memory_space<semaphore_mem>>) src(%dma_wait3A_43 : memref<640x16xf32, #tpu.memory_space<vmem_shared>>) dst(%dma_wait3A_41 : memref<640x16xf32, #tpu.memory_space<hbm>>)
      tpu.yield
    }) : () -> ()
    return
  }
}

#map = affine_map<(d0, d1) -> (0, 0)>
#map1 = affine_map<(d0, d1) -> (0, 0, 0)>
module attributes {stable_mosaic.version = 14 : i64} {
  func.func @_sc_scatter_body(%arg0: i32, %arg1: i32, %arg2: memref<10240x64xf32, #tpu.memory_space<hbm>>, %arg3: memref<2560x128xi32, #tpu.memory_space<hbm>>, %arg4: memref<2560x128xi32, #tpu.memory_space<hbm>>, %arg5: memref<2x10240x64xf32, #tpu.memory_space<hbm>>, %arg6: memref<111x128xi32, #tpu.memory_space<vmem>>, %arg7: memref<110x128xi32, #tpu.memory_space<vmem>>, %arg8: memref<128x64xf32, #tpu.memory_space<vmem>>, %arg9: memref<128x64xf32, #tpu.memory_space<vmem>>, %arg10: memref<128x64xf32, #tpu.memory_space<vmem>>, %arg11: memref<10240x64xf32, #tpu.memory_space<vmem_shared>>, %arg12: memref<!tpu.dma_semaphore, #tpu.memory_space<semaphore_mem>>, %arg13: memref<!tpu.dma_semaphore, #tpu.memory_space<semaphore_mem>>) attributes {dimension_semantics = [#tpu.dimension_semantics<core_parallel>, #tpu.dimension_semantics<subcore_parallel>], iteration_bounds = array<i64: 2, 16>, scalar_prefetch = 0 : i64, scratch_operands = 8 : i64, tpu.core_type = #tpu.core_type<sc_vector_subcore>, window_params = [{transform_indices = #map}, {transform_indices = #map}, {transform_indices = #map}, {transform_indices = #map1}]} {
    %broadcast_in_dim3A = arith.constant 0.000000e+00 : f32
    %broadcast_in_dim3A_0 = vector.broadcast %broadcast_in_dim3A : f32 to vector<16xf32>
    %scan3A = arith.constant 0 : i32
    %scan3A_1 = arith.constant 0 : i32
    %scan3A_2 = arith.constant 128 : i32
    %scan3A_3 = arith.addi %scan3A_1, %scan3A_2 : i32
    %scan3A_4 = arith.constant 1 : i32
    scf.for %scan3A_34 = %scan3A_1 to %scan3A_3 step %scan3A_4  : i32 {
      %swap3A = arith.index_cast %scan3A_34 : i32 to index
      %swap3A_35 = arith.constant 0 : index
      %swap3A_36 = tpu.vector_load %arg10[%swap3A, %swap3A_35] {strides = array<i32>} : memref<128x64xf32, #tpu.memory_space<vmem>>, vector<1x16xf32>,
      %swap3A_37 = vector.shape_cast %swap3A_36 : vector<1x16xf32> to vector<16xf32>
      %swap3A_38 = vector.shape_cast %broadcast_in_dim3A_0 : vector<16xf32> to vector<1x16xf32>
      tpu.vector_store %arg10[%swap3A, %swap3A_35], %swap3A_38 {strides = array<i32>} : memref<128x64xf32, #tpu.memory_space<vmem>>, vector<1x16xf32>,
      %swap3A_39 = arith.index_cast %scan3A_34 : i32 to index
      %swap3A_40 = arith.constant 16 : index
      %swap3A_41 = tpu.vector_load %arg10[%swap3A_39, %swap3A_40] {strides = array<i32>} : memref<128x64xf32, #tpu.memory_space<vmem>>, vector<1x16xf32>,
      %swap3A_42 = vector.shape_cast %swap3A_41 : vector<1x16xf32> to vector<16xf32>
      %swap3A_43 = vector.shape_cast %broadcast_in_dim3A_0 : vector<16xf32> to vector<1x16xf32>
      tpu.vector_store %arg10[%swap3A_39, %swap3A_40], %swap3A_43 {strides = array<i32>} : memref<128x64xf32, #tpu.memory_space<vmem>>, vector<1x16xf32>,
      %swap3A_44 = arith.index_cast %scan3A_34 : i32 to index
      %swap3A_45 = arith.constant 32 : index
      %swap3A_46 = tpu.vector_load %arg10[%swap3A_44, %swap3A_45] {strides = array<i32>} : memref<128x64xf32, #tpu.memory_space<vmem>>, vector<1x16xf32>,
      %swap3A_47 = vector.shape_cast %swap3A_46 : vector<1x16xf32> to vector<16xf32>
      %swap3A_48 = vector.shape_cast %broadcast_in_dim3A_0 : vector<16xf32> to vector<1x16xf32>
      tpu.vector_store %arg10[%swap3A_44, %swap3A_45], %swap3A_48 {strides = array<i32>} : memref<128x64xf32, #tpu.memory_space<vmem>>, vector<1x16xf32>,
      %swap3A_49 = arith.index_cast %scan3A_34 : i32 to index
      %swap3A_50 = arith.constant 48 : index
      %swap3A_51 = tpu.vector_load %arg10[%swap3A_49, %swap3A_50] {strides = array<i32>} : memref<128x64xf32, #tpu.memory_space<vmem>>, vector<1x16xf32>,
      %swap3A_52 = vector.shape_cast %swap3A_51 : vector<1x16xf32> to vector<16xf32>
      %swap3A_53 = vector.shape_cast %broadcast_in_dim3A_0 : vector<16xf32> to vector<1x16xf32>
      tpu.vector_store %arg10[%swap3A_49, %swap3A_50], %swap3A_53 {strides = array<i32>} : memref<128x64xf32, #tpu.memory_space<vmem>>, vector<1x16xf32>,
    }
    %scan3A_5 = arith.constant 128 : i32
    %mul3A = arith.constant 640 : i32
    %mul3A_6 = arith.muli %arg1, %mul3A : i32
    %add3A = arith.constant 0 : i32
    %add3A_7 = arith.addi %mul3A_6, %add3A : i32
    "tpu.region"() ({
      %run_scoped3A = tpu.sem_alloc : memref<!tpu.dma_semaphore, #tpu.memory_space<semaphore_mem>>
      %dma_start3A = arith.constant 0 : i32
      %dma_start3A_34 = tpu.memref_slice %arg11[%add3A_7, %dma_start3A] : memref<10240x64xf32, #tpu.memory_space<vmem_shared>> -> memref<128x64xf32, #tpu.memory_space<vmem_shared>>
      %dma_start3A_35 = arith.constant 0 : i32
      %dma_start3A_36 = tpu.memref_slice %arg11[%add3A_7, %dma_start3A_35] : memref<10240x64xf32, #tpu.memory_space<vmem_shared>> -> memref<128x64xf32, #tpu.memory_space<vmem_shared>>
      tpu.enqueue_dma source(%arg10 : memref<128x64xf32, #tpu.memory_space<vmem>>) target(%dma_start3A_36 : memref<128x64xf32, #tpu.memory_space<vmem_shared>>) target_semaphore(%run_scoped3A : memref<!tpu.dma_semaphore, #tpu.memory_space<semaphore_mem>>)
      %dma_wait3A = arith.constant 0 : i32
      %dma_wait3A_37 = tpu.memref_slice %arg11[%add3A_7, %dma_wait3A] : memref<10240x64xf32, #tpu.memory_space<vmem_shared>> -> memref<128x64xf32, #tpu.memory_space<vmem_shared>>
      %dma_wait3A_38 = arith.constant 0 : i32
      %dma_wait3A_39 = tpu.memref_slice %arg11[%add3A_7, %dma_wait3A_38] : memref<10240x64xf32, #tpu.memory_space<vmem_shared>> -> memref<128x64xf32, #tpu.memory_space<vmem_shared>>
      tpu.wait_dma2 semaphore(%run_scoped3A : memref<!tpu.dma_semaphore, #tpu.memory_space<semaphore_mem>>) src(%arg10 : memref<128x64xf32, #tpu.memory_space<vmem>>) dst(%dma_wait3A_39 : memref<128x64xf32, #tpu.memory_space<vmem_shared>>)
      tpu.yield
    }) : () -> ()
    %add3A_8 = arith.constant 128 : i32
    %add3A_9 = arith.addi %mul3A_6, %add3A_8 : i32
    "tpu.region"() ({
      %run_scoped3A = tpu.sem_alloc : memref<!tpu.dma_semaphore, #tpu.memory_space<semaphore_mem>>
      %dma_start3A = arith.constant 0 : i32
      %dma_start3A_34 = tpu.memref_slice %arg11[%add3A_9, %dma_start3A] : memref<10240x64xf32, #tpu.memory_space<vmem_shared>> -> memref<128x64xf32, #tpu.memory_space<vmem_shared>>
      %dma_start3A_35 = arith.constant 0 : i32
      %dma_start3A_36 = tpu.memref_slice %arg11[%add3A_9, %dma_start3A_35] : memref<10240x64xf32, #tpu.memory_space<vmem_shared>> -> memref<128x64xf32, #tpu.memory_space<vmem_shared>>
      tpu.enqueue_dma source(%arg10 : memref<128x64xf32, #tpu.memory_space<vmem>>) target(%dma_start3A_36 : memref<128x64xf32, #tpu.memory_space<vmem_shared>>) target_semaphore(%run_scoped3A : memref<!tpu.dma_semaphore, #tpu.memory_space<semaphore_mem>>)
      %dma_wait3A = arith.constant 0 : i32
      %dma_wait3A_37 = tpu.memref_slice %arg11[%add3A_9, %dma_wait3A] : memref<10240x64xf32, #tpu.memory_space<vmem_shared>> -> memref<128x64xf32, #tpu.memory_space<vmem_shared>>
      %dma_wait3A_38 = arith.constant 0 : i32
      %dma_wait3A_39 = tpu.memref_slice %arg11[%add3A_9, %dma_wait3A_38] : memref<10240x64xf32, #tpu.memory_space<vmem_shared>> -> memref<128x64xf32, #tpu.memory_space<vmem_shared>>
      tpu.wait_dma2 semaphore(%run_scoped3A : memref<!tpu.dma_semaphore, #tpu.memory_space<semaphore_mem>>) src(%arg10 : memref<128x64xf32, #tpu.memory_space<vmem>>) dst(%dma_wait3A_39 : memref<128x64xf32, #tpu.memory_space<vmem_shared>>)
      tpu.yield
    }) : () -> ()
    %add3A_10 = arith.constant 256 : i32
    %add3A_11 = arith.addi %mul3A_6, %add3A_10 : i32
    "tpu.region"() ({
      %run_scoped3A = tpu.sem_alloc : memref<!tpu.dma_semaphore, #tpu.memory_space<semaphore_mem>>
      %dma_start3A = arith.constant 0 : i32
      %dma_start3A_34 = tpu.memref_slice %arg11[%add3A_11, %dma_start3A] : memref<10240x64xf32, #tpu.memory_space<vmem_shared>> -> memref<128x64xf32, #tpu.memory_space<vmem_shared>>
      %dma_start3A_35 = arith.constant 0 : i32
      %dma_start3A_36 = tpu.memref_slice %arg11[%add3A_11, %dma_start3A_35] : memref<10240x64xf32, #tpu.memory_space<vmem_shared>> -> memref<128x64xf32, #tpu.memory_space<vmem_shared>>
      tpu.enqueue_dma source(%arg10 : memref<128x64xf32, #tpu.memory_space<vmem>>) target(%dma_start3A_36 : memref<128x64xf32, #tpu.memory_space<vmem_shared>>) target_semaphore(%run_scoped3A : memref<!tpu.dma_semaphore, #tpu.memory_space<semaphore_mem>>)
      %dma_wait3A = arith.constant 0 : i32
      %dma_wait3A_37 = tpu.memref_slice %arg11[%add3A_11, %dma_wait3A] : memref<10240x64xf32, #tpu.memory_space<vmem_shared>> -> memref<128x64xf32, #tpu.memory_space<vmem_shared>>
      %dma_wait3A_38 = arith.constant 0 : i32
      %dma_wait3A_39 = tpu.memref_slice %arg11[%add3A_11, %dma_wait3A_38] : memref<10240x64xf32, #tpu.memory_space<vmem_shared>> -> memref<128x64xf32, #tpu.memory_space<vmem_shared>>
      tpu.wait_dma2 semaphore(%run_scoped3A : memref<!tpu.dma_semaphore, #tpu.memory_space<semaphore_mem>>) src(%arg10 : memref<128x64xf32, #tpu.memory_space<vmem>>) dst(%dma_wait3A_39 : memref<128x64xf32, #tpu.memory_space<vmem_shared>>)
      tpu.yield
    }) : () -> ()
    %add3A_12 = arith.constant 384 : i32
    %add3A_13 = arith.addi %mul3A_6, %add3A_12 : i32
    "tpu.region"() ({
      %run_scoped3A = tpu.sem_alloc : memref<!tpu.dma_semaphore, #tpu.memory_space<semaphore_mem>>
      %dma_start3A = arith.constant 0 : i32
      %dma_start3A_34 = tpu.memref_slice %arg11[%add3A_13, %dma_start3A] : memref<10240x64xf32, #tpu.memory_space<vmem_shared>> -> memref<128x64xf32, #tpu.memory_space<vmem_shared>>
      %dma_start3A_35 = arith.constant 0 : i32
      %dma_start3A_36 = tpu.memref_slice %arg11[%add3A_13, %dma_start3A_35] : memref<10240x64xf32, #tpu.memory_space<vmem_shared>> -> memref<128x64xf32, #tpu.memory_space<vmem_shared>>
      tpu.enqueue_dma source(%arg10 : memref<128x64xf32, #tpu.memory_space<vmem>>) target(%dma_start3A_36 : memref<128x64xf32, #tpu.memory_space<vmem_shared>>) target_semaphore(%run_scoped3A : memref<!tpu.dma_semaphore, #tpu.memory_space<semaphore_mem>>)
      %dma_wait3A = arith.constant 0 : i32
      %dma_wait3A_37 = tpu.memref_slice %arg11[%add3A_13, %dma_wait3A] : memref<10240x64xf32, #tpu.memory_space<vmem_shared>> -> memref<128x64xf32, #tpu.memory_space<vmem_shared>>
      %dma_wait3A_38 = arith.constant 0 : i32
      %dma_wait3A_39 = tpu.memref_slice %arg11[%add3A_13, %dma_wait3A_38] : memref<10240x64xf32, #tpu.memory_space<vmem_shared>> -> memref<128x64xf32, #tpu.memory_space<vmem_shared>>
      tpu.wait_dma2 semaphore(%run_scoped3A : memref<!tpu.dma_semaphore, #tpu.memory_space<semaphore_mem>>) src(%arg10 : memref<128x64xf32, #tpu.memory_space<vmem>>) dst(%dma_wait3A_39 : memref<128x64xf32, #tpu.memory_space<vmem_shared>>)
      tpu.yield
    }) : () -> ()
    %add3A_14 = arith.constant 512 : i32
    %add3A_15 = arith.addi %mul3A_6, %add3A_14 : i32
    "tpu.region"() ({
      %run_scoped3A = tpu.sem_alloc : memref<!tpu.dma_semaphore, #tpu.memory_space<semaphore_mem>>
      %dma_start3A = arith.constant 0 : i32
      %dma_start3A_34 = tpu.memref_slice %arg11[%add3A_15, %dma_start3A] : memref<10240x64xf32, #tpu.memory_space<vmem_shared>> -> memref<128x64xf32, #tpu.memory_space<vmem_shared>>
      %dma_start3A_35 = arith.constant 0 : i32
      %dma_start3A_36 = tpu.memref_slice %arg11[%add3A_15, %dma_start3A_35] : memref<10240x64xf32, #tpu.memory_space<vmem_shared>> -> memref<128x64xf32, #tpu.memory_space<vmem_shared>>
      tpu.enqueue_dma source(%arg10 : memref<128x64xf32, #tpu.memory_space<vmem>>) target(%dma_start3A_36 : memref<128x64xf32, #tpu.memory_space<vmem_shared>>) target_semaphore(%run_scoped3A : memref<!tpu.dma_semaphore, #tpu.memory_space<semaphore_mem>>)
      %dma_wait3A = arith.constant 0 : i32
      %dma_wait3A_37 = tpu.memref_slice %arg11[%add3A_15, %dma_wait3A] : memref<10240x64xf32, #tpu.memory_space<vmem_shared>> -> memref<128x64xf32, #tpu.memory_space<vmem_shared>>
      %dma_wait3A_38 = arith.constant 0 : i32
      %dma_wait3A_39 = tpu.memref_slice %arg11[%add3A_15, %dma_wait3A_38] : memref<10240x64xf32, #tpu.memory_space<vmem_shared>> -> memref<128x64xf32, #tpu.memory_space<vmem_shared>>
      tpu.wait_dma2 semaphore(%run_scoped3A : memref<!tpu.dma_semaphore, #tpu.memory_space<semaphore_mem>>) src(%arg10 : memref<128x64xf32, #tpu.memory_space<vmem>>) dst(%dma_wait3A_39 : memref<128x64xf32, #tpu.memory_space<vmem_shared>>)
      tpu.yield
    }) : () -> ()
    %eq3A = arith.constant 0 : i32
    %eq3A_16 = arith.cmpi eq, %arg0, %eq3A : i32
    %convert_element_type3A = arith.extui %eq3A_16 : i1 to i32
    %cond3A = arith.constant 0 : i32
    %cond3A_17 = arith.cmpi ne, %convert_element_type3A, %cond3A : i32
    scf.if %cond3A_17 {
      %mul3A_34 = arith.constant 160 : i32
      %mul3A_35 = arith.muli %arg1, %mul3A_34 : i32
      "tpu.region"() ({
        %run_scoped3A = tpu.sem_alloc : memref<!tpu.dma_semaphore, #tpu.memory_space<semaphore_mem>>
        %dma_start3A = arith.constant 0 : i32
        %dma_start3A_36 = arith.constant 0 : i32
        %dma_start3A_37 = tpu.memref_slice %arg6[%dma_start3A, %dma_start3A_36] : memref<111x128xi32, #tpu.memory_space<vmem>> -> memref<110x128xi32, #tpu.memory_space<vmem>>
        %dma_start3A_38 = arith.constant 0 : i32
        %dma_start3A_39 = tpu.memref_slice %arg3[%mul3A_35, %dma_start3A_38] : memref<2560x128xi32, #tpu.memory_space<hbm>> -> memref<110x128xi32, #tpu.memory_space<hbm>>
        %dma_start3A_40 = arith.constant 0 : i32
        %dma_start3A_41 = arith.constant 0 : i32
        %dma_start3A_42 = tpu.memref_slice %arg6[%dma_start3A_40, %dma_start3A_41] : memref<111x128xi32, #tpu.memory_space<vmem>> -> memref<110x128xi32, #tpu.memory_space<vmem>>
        %dma_start3A_43 = arith.constant 0 : i32
        %dma_start3A_44 = tpu.memref_slice %arg3[%mul3A_35, %dma_start3A_43] : memref<2560x128xi32, #tpu.memory_space<hbm>> -> memref<110x128xi32, #tpu.memory_space<hbm>>
        tpu.enqueue_dma source(%dma_start3A_44 : memref<110x128xi32, #tpu.memory_space<hbm>>) target(%dma_start3A_42 : memref<110x128xi32, #tpu.memory_space<vmem>>) target_semaphore(%run_scoped3A : memref<!tpu.dma_semaphore, #tpu.memory_space<semaphore_mem>>)
        %dma_wait3A = arith.constant 0 : i32
        %dma_wait3A_45 = arith.constant 0 : i32
        %dma_wait3A_46 = tpu.memref_slice %arg6[%dma_wait3A, %dma_wait3A_45] : memref<111x128xi32, #tpu.memory_space<vmem>> -> memref<110x128xi32, #tpu.memory_space<vmem>>
        %dma_wait3A_47 = arith.constant 0 : i32
        %dma_wait3A_48 = tpu.memref_slice %arg3[%mul3A_35, %dma_wait3A_47] : memref<2560x128xi32, #tpu.memory_space<hbm>> -> memref<110x128xi32, #tpu.memory_space<hbm>>
        %dma_wait3A_49 = arith.constant 0 : i32
        %dma_wait3A_50 = arith.constant 0 : i32
        %dma_wait3A_51 = tpu.memref_slice %arg6[%dma_wait3A_49, %dma_wait3A_50] : memref<111x128xi32, #tpu.memory_space<vmem>> -> memref<110x128xi32, #tpu.memory_space<vmem>>
        %dma_wait3A_52 = arith.constant 0 : i32
        %dma_wait3A_53 = tpu.memref_slice %arg3[%mul3A_35, %dma_wait3A_52] : memref<2560x128xi32, #tpu.memory_space<hbm>> -> memref<110x128xi32, #tpu.memory_space<hbm>>
        tpu.wait_dma2 semaphore(%run_scoped3A : memref<!tpu.dma_semaphore, #tpu.memory_space<semaphore_mem>>) src(%dma_wait3A_53 : memref<110x128xi32, #tpu.memory_space<hbm>>) dst(%dma_wait3A_51 : memref<110x128xi32, #tpu.memory_space<vmem>>)
        tpu.yield
      }) : () -> ()
      "tpu.region"() ({
        %run_scoped3A = tpu.sem_alloc : memref<!tpu.dma_semaphore, #tpu.memory_space<semaphore_mem>>
        %dma_start3A = arith.constant 0 : i32
        %dma_start3A_36 = arith.constant 0 : i32
        %dma_start3A_37 = tpu.memref_slice %arg7[%dma_start3A, %dma_start3A_36] : memref<110x128xi32, #tpu.memory_space<vmem>> -> memref<110x128xi32, #tpu.memory_space<vmem>>
        %dma_start3A_38 = arith.constant 0 : i32
        %dma_start3A_39 = tpu.memref_slice %arg4[%mul3A_35, %dma_start3A_38] : memref<2560x128xi32, #tpu.memory_space<hbm>> -> memref<110x128xi32, #tpu.memory_space<hbm>>
        %dma_start3A_40 = arith.constant 0 : i32
        %dma_start3A_41 = arith.constant 0 : i32
        %dma_start3A_42 = tpu.memref_slice %arg7[%dma_start3A_40, %dma_start3A_41] : memref<110x128xi32, #tpu.memory_space<vmem>> -> memref<110x128xi32, #tpu.memory_space<vmem>>
        %dma_start3A_43 = arith.constant 0 : i32
        %dma_start3A_44 = tpu.memref_slice %arg4[%mul3A_35, %dma_start3A_43] : memref<2560x128xi32, #tpu.memory_space<hbm>> -> memref<110x128xi32, #tpu.memory_space<hbm>>
        tpu.enqueue_dma source(%dma_start3A_44 : memref<110x128xi32, #tpu.memory_space<hbm>>) target(%dma_start3A_42 : memref<110x128xi32, #tpu.memory_space<vmem>>) target_semaphore(%run_scoped3A : memref<!tpu.dma_semaphore, #tpu.memory_space<semaphore_mem>>)
        %dma_wait3A = arith.constant 0 : i32
        %dma_wait3A_45 = arith.constant 0 : i32
        %dma_wait3A_46 = tpu.memref_slice %arg7[%dma_wait3A, %dma_wait3A_45] : memref<110x128xi32, #tpu.memory_space<vmem>> -> memref<110x128xi32, #tpu.memory_space<vmem>>
        %dma_wait3A_47 = arith.constant 0 : i32
        %dma_wait3A_48 = tpu.memref_slice %arg4[%mul3A_35, %dma_wait3A_47] : memref<2560x128xi32, #tpu.memory_space<hbm>> -> memref<110x128xi32, #tpu.memory_space<hbm>>
        %dma_wait3A_49 = arith.constant 0 : i32
        %dma_wait3A_50 = arith.constant 0 : i32
        %dma_wait3A_51 = tpu.memref_slice %arg7[%dma_wait3A_49, %dma_wait3A_50] : memref<110x128xi32, #tpu.memory_space<vmem>> -> memref<110x128xi32, #tpu.memory_space<vmem>>
        %dma_wait3A_52 = arith.constant 0 : i32
        %dma_wait3A_53 = tpu.memref_slice %arg4[%mul3A_35, %dma_wait3A_52] : memref<2560x128xi32, #tpu.memory_space<hbm>> -> memref<110x128xi32, #tpu.memory_space<hbm>>
        tpu.wait_dma2 semaphore(%run_scoped3A : memref<!tpu.dma_semaphore, #tpu.memory_space<semaphore_mem>>) src(%dma_wait3A_53 : memref<110x128xi32, #tpu.memory_space<hbm>>) dst(%dma_wait3A_51 : memref<110x128xi32, #tpu.memory_space<vmem>>)
        tpu.yield
      }) : () -> ()
    } else {
    }
    %eq3A_18 = arith.constant 1 : i32
    %eq3A_19 = arith.cmpi eq, %arg0, %eq3A_18 : i32
    %convert_element_type3A_20 = arith.extui %eq3A_19 : i1 to i32
    %cond3A_21 = arith.constant 0 : i32
    %cond3A_22 = arith.cmpi ne, %convert_element_type3A_20, %cond3A_21 : i32
    scf.if %cond3A_22 {
      %mul3A_34 = arith.constant 160 : i32
      %mul3A_35 = arith.muli %arg1, %mul3A_34 : i32
      %add3A_36 = arith.constant 110 : i32
      %add3A_37 = arith.addi %mul3A_35, %add3A_36 : i32
      "tpu.region"() ({
        %run_scoped3A = tpu.sem_alloc : memref<!tpu.dma_semaphore, #tpu.memory_space<semaphore_mem>>
        %dma_start3A = arith.constant 0 : i32
        %dma_start3A_38 = arith.constant 0 : i32
        %dma_start3A_39 = tpu.memref_slice %arg6[%dma_start3A, %dma_start3A_38] : memref<111x128xi32, #tpu.memory_space<vmem>> -> memref<50x128xi32, #tpu.memory_space<vmem>>
        %dma_start3A_40 = arith.constant 0 : i32
        %dma_start3A_41 = tpu.memref_slice %arg3[%add3A_37, %dma_start3A_40] : memref<2560x128xi32, #tpu.memory_space<hbm>> -> memref<50x128xi32, #tpu.memory_space<hbm>>
        %dma_start3A_42 = arith.constant 0 : i32
        %dma_start3A_43 = arith.constant 0 : i32
        %dma_start3A_44 = tpu.memref_slice %arg6[%dma_start3A_42, %dma_start3A_43] : memref<111x128xi32, #tpu.memory_space<vmem>> -> memref<50x128xi32, #tpu.memory_space<vmem>>
        %dma_start3A_45 = arith.constant 0 : i32
        %dma_start3A_46 = tpu.memref_slice %arg3[%add3A_37, %dma_start3A_45] : memref<2560x128xi32, #tpu.memory_space<hbm>> -> memref<50x128xi32, #tpu.memory_space<hbm>>
        tpu.enqueue_dma source(%dma_start3A_46 : memref<50x128xi32, #tpu.memory_space<hbm>>) target(%dma_start3A_44 : memref<50x128xi32, #tpu.memory_space<vmem>>) target_semaphore(%run_scoped3A : memref<!tpu.dma_semaphore, #tpu.memory_space<semaphore_mem>>)
        %dma_wait3A = arith.constant 0 : i32
        %dma_wait3A_47 = arith.constant 0 : i32
        %dma_wait3A_48 = tpu.memref_slice %arg6[%dma_wait3A, %dma_wait3A_47] : memref<111x128xi32, #tpu.memory_space<vmem>> -> memref<50x128xi32, #tpu.memory_space<vmem>>
        %dma_wait3A_49 = arith.constant 0 : i32
        %dma_wait3A_50 = tpu.memref_slice %arg3[%add3A_37, %dma_wait3A_49] : memref<2560x128xi32, #tpu.memory_space<hbm>> -> memref<50x128xi32, #tpu.memory_space<hbm>>
        %dma_wait3A_51 = arith.constant 0 : i32
        %dma_wait3A_52 = arith.constant 0 : i32
        %dma_wait3A_53 = tpu.memref_slice %arg6[%dma_wait3A_51, %dma_wait3A_52] : memref<111x128xi32, #tpu.memory_space<vmem>> -> memref<50x128xi32, #tpu.memory_space<vmem>>
        %dma_wait3A_54 = arith.constant 0 : i32
        %dma_wait3A_55 = tpu.memref_slice %arg3[%add3A_37, %dma_wait3A_54] : memref<2560x128xi32, #tpu.memory_space<hbm>> -> memref<50x128xi32, #tpu.memory_space<hbm>>
        tpu.wait_dma2 semaphore(%run_scoped3A : memref<!tpu.dma_semaphore, #tpu.memory_space<semaphore_mem>>) src(%dma_wait3A_55 : memref<50x128xi32, #tpu.memory_space<hbm>>) dst(%dma_wait3A_53 : memref<50x128xi32, #tpu.memory_space<vmem>>)
        tpu.yield
      }) : () -> ()
      "tpu.region"() ({
        %run_scoped3A = tpu.sem_alloc : memref<!tpu.dma_semaphore, #tpu.memory_space<semaphore_mem>>
        %dma_start3A = arith.constant 0 : i32
        %dma_start3A_38 = arith.constant 0 : i32
        %dma_start3A_39 = tpu.memref_slice %arg7[%dma_start3A, %dma_start3A_38] : memref<110x128xi32, #tpu.memory_space<vmem>> -> memref<50x128xi32, #tpu.memory_space<vmem>>
        %dma_start3A_40 = arith.constant 0 : i32
        %dma_start3A_41 = tpu.memref_slice %arg4[%add3A_37, %dma_start3A_40] : memref<2560x128xi32, #tpu.memory_space<hbm>> -> memref<50x128xi32, #tpu.memory_space<hbm>>
        %dma_start3A_42 = arith.constant 0 : i32
        %dma_start3A_43 = arith.constant 0 : i32
        %dma_start3A_44 = tpu.memref_slice %arg7[%dma_start3A_42, %dma_start3A_43] : memref<110x128xi32, #tpu.memory_space<vmem>> -> memref<50x128xi32, #tpu.memory_space<vmem>>
        %dma_start3A_45 = arith.constant 0 : i32
        %dma_start3A_46 = tpu.memref_slice %arg4[%add3A_37, %dma_start3A_45] : memref<2560x128xi32, #tpu.memory_space<hbm>> -> memref<50x128xi32, #tpu.memory_space<hbm>>
        tpu.enqueue_dma source(%dma_start3A_46 : memref<50x128xi32, #tpu.memory_space<hbm>>) target(%dma_start3A_44 : memref<50x128xi32, #tpu.memory_space<vmem>>) target_semaphore(%run_scoped3A : memref<!tpu.dma_semaphore, #tpu.memory_space<semaphore_mem>>)
        %dma_wait3A = arith.constant 0 : i32
        %dma_wait3A_47 = arith.constant 0 : i32
        %dma_wait3A_48 = tpu.memref_slice %arg7[%dma_wait3A, %dma_wait3A_47] : memref<110x128xi32, #tpu.memory_space<vmem>> -> memref<50x128xi32, #tpu.memory_space<vmem>>
        %dma_wait3A_49 = arith.constant 0 : i32
        %dma_wait3A_50 = tpu.memref_slice %arg4[%add3A_37, %dma_wait3A_49] : memref<2560x128xi32, #tpu.memory_space<hbm>> -> memref<50x128xi32, #tpu.memory_space<hbm>>
        %dma_wait3A_51 = arith.constant 0 : i32
        %dma_wait3A_52 = arith.constant 0 : i32
        %dma_wait3A_53 = tpu.memref_slice %arg7[%dma_wait3A_51, %dma_wait3A_52] : memref<110x128xi32, #tpu.memory_space<vmem>> -> memref<50x128xi32, #tpu.memory_space<vmem>>
        %dma_wait3A_54 = arith.constant 0 : i32
        %dma_wait3A_55 = tpu.memref_slice %arg4[%add3A_37, %dma_wait3A_54] : memref<2560x128xi32, #tpu.memory_space<hbm>> -> memref<50x128xi32, #tpu.memory_space<hbm>>
        tpu.wait_dma2 semaphore(%run_scoped3A : memref<!tpu.dma_semaphore, #tpu.memory_space<semaphore_mem>>) src(%dma_wait3A_55 : memref<50x128xi32, #tpu.memory_space<hbm>>) dst(%dma_wait3A_53 : memref<50x128xi32, #tpu.memory_space<vmem>>)
        tpu.yield
      }) : () -> ()
    } else {
    }
    %barrier3A = arith.constant 0 : index
    tpu.barrier barrier_id(%barrier3A)
    %eq3A_23 = arith.constant 0 : i32
    %eq3A_24 = arith.cmpi eq, %arg0, %eq3A_23 : i32
    %convert_element_type3A_25 = arith.extui %eq3A_24 : i1 to i32
    %cond3A_26 = arith.constant 0 : i32
    %cond3A_27 = arith.cmpi ne, %convert_element_type3A_25, %cond3A_26 : i32
    scf.if %cond3A_27 {
      %scan3A_34 = arith.constant 0 : i32
      %scan3A_35 = arith.constant 0 : i32
      %scan3A_36 = arith.constant 110 : i32
      %scan3A_37 = arith.addi %scan3A_35, %scan3A_36 : i32
      %scan3A_38 = arith.constant 1 : i32
      scf.for %scan3A_40 = %scan3A_35 to %scan3A_37 step %scan3A_38  : i32 {
        "tpu.region"() ({
          %run_scoped3A = tpu.sem_alloc : memref<!tpu.dma_semaphore, #tpu.memory_space<semaphore_mem>>
          %dma_start3A = arith.constant 0 : i32
          %dma_start3A_41 = tpu.memref_slice %arg6[%scan3A_40, %dma_start3A] : memref<111x128xi32, #tpu.memory_space<vmem>> -> memref<1x128xi32, #tpu.memory_space<vmem>>
          %dma_start3A_42 = tpu.memref_squeeze %dma_start3A_41 : memref<1x128xi32, #tpu.memory_space<vmem>> -> memref<128xi32, #tpu.memory_space<vmem>>
          %dma_start3A_43 = arith.constant 0 : i32
          %dma_start3A_44 = arith.constant 0 : i32
          %dma_start3A_45 = tpu.memref_slice %arg2[%dma_start3A_43, %dma_start3A_44] : memref<10240x64xf32, #tpu.memory_space<hbm>> -> memref<10240x64xf32, #tpu.memory_space<hbm>>
          tpu.enqueue_indirect_dma source(%dma_start3A_45 : memref<10240x64xf32, #tpu.memory_space<hbm>>) target(%arg8 : memref<128x64xf32, #tpu.memory_space<vmem>>) offsets(%dma_start3A_42 : memref<128xi32, #tpu.memory_space<vmem>>) semaphore(%run_scoped3A : memref<!tpu.dma_semaphore, #tpu.memory_space<semaphore_mem>>)
          %dma_wait3A = arith.constant 0 : i32
          %dma_wait3A_46 = tpu.memref_slice %arg6[%scan3A_40, %dma_wait3A] : memref<111x128xi32, #tpu.memory_space<vmem>> -> memref<1x128xi32, #tpu.memory_space<vmem>>
          %dma_wait3A_47 = tpu.memref_squeeze %dma_wait3A_46 : memref<1x128xi32, #tpu.memory_space<vmem>> -> memref<128xi32, #tpu.memory_space<vmem>>
          %dma_wait3A_48 = arith.constant 0 : i32
          %dma_wait3A_49 = arith.constant 0 : i32
          %dma_wait3A_50 = tpu.memref_slice %arg2[%dma_wait3A_48, %dma_wait3A_49] : memref<10240x64xf32, #tpu.memory_space<hbm>> -> memref<10240x64xf32, #tpu.memory_space<hbm>>
          tpu.wait_indirect_dma semaphore(%run_scoped3A : memref<!tpu.dma_semaphore, #tpu.memory_space<semaphore_mem>>) src(%dma_wait3A_50 : memref<10240x64xf32, #tpu.memory_space<hbm>>) dst(%arg8 : memref<128x64xf32, #tpu.memory_space<vmem>>)
          tpu.yield
        }) : () -> ()
        "tpu.region"() ({
          %run_scoped3A = tpu.sem_alloc : memref<!tpu.dma_semaphore, #tpu.memory_space<semaphore_mem>>
          %dma_start3A = arith.constant 0 : i32
          %dma_start3A_41 = tpu.memref_slice %arg7[%scan3A_40, %dma_start3A] : memref<110x128xi32, #tpu.memory_space<vmem>> -> memref<1x128xi32, #tpu.memory_space<vmem>>
          %dma_start3A_42 = tpu.memref_squeeze %dma_start3A_41 : memref<1x128xi32, #tpu.memory_space<vmem>> -> memref<128xi32, #tpu.memory_space<vmem>>
          %dma_start3A_43 = arith.constant 0 : i32
          %dma_start3A_44 = arith.constant 0 : i32
          %dma_start3A_45 = tpu.memref_slice %arg11[%dma_start3A_43, %dma_start3A_44] : memref<10240x64xf32, #tpu.memory_space<vmem_shared>> -> memref<10240x64xf32, #tpu.memory_space<vmem_shared>>
          tpu.enqueue_indirect_dma source(%arg8 : memref<128x64xf32, #tpu.memory_space<vmem>>) target(%dma_start3A_45 : memref<10240x64xf32, #tpu.memory_space<vmem_shared>>) offsets(%dma_start3A_42 : memref<128xi32, #tpu.memory_space<vmem>>) semaphore(%run_scoped3A : memref<!tpu.dma_semaphore, #tpu.memory_space<semaphore_mem>>) {add = true}
          %dma_wait3A = arith.constant 0 : i32
          %dma_wait3A_46 = tpu.memref_slice %arg7[%scan3A_40, %dma_wait3A] : memref<110x128xi32, #tpu.memory_space<vmem>> -> memref<1x128xi32, #tpu.memory_space<vmem>>
          %dma_wait3A_47 = tpu.memref_squeeze %dma_wait3A_46 : memref<1x128xi32, #tpu.memory_space<vmem>> -> memref<128xi32, #tpu.memory_space<vmem>>
          %dma_wait3A_48 = arith.constant 0 : i32
          %dma_wait3A_49 = arith.constant 0 : i32
          %dma_wait3A_50 = tpu.memref_slice %arg11[%dma_wait3A_48, %dma_wait3A_49] : memref<10240x64xf32, #tpu.memory_space<vmem_shared>> -> memref<10240x64xf32, #tpu.memory_space<vmem_shared>>
          tpu.wait_indirect_dma semaphore(%run_scoped3A : memref<!tpu.dma_semaphore, #tpu.memory_space<semaphore_mem>>) src(%arg8 : memref<128x64xf32, #tpu.memory_space<vmem>>) dst(%dma_wait3A_50 : memref<10240x64xf32, #tpu.memory_space<vmem_shared>>)
          tpu.yield
        }) : () -> ()
      }
      %scan3A_39 = arith.constant 110 : i32
    } else {
    }
    %eq3A_28 = arith.constant 1 : i32
    %eq3A_29 = arith.cmpi eq, %arg0, %eq3A_28 : i32
    %convert_element_type3A_30 = arith.extui %eq3A_29 : i1 to i32
    %cond3A_31 = arith.constant 0 : i32
    %cond3A_32 = arith.cmpi ne, %convert_element_type3A_30, %cond3A_31 : i32
    scf.if %cond3A_32 {
      %scan3A_34 = arith.constant 0 : i32
      %scan3A_35 = arith.constant 0 : i32
      %scan3A_36 = arith.constant 50 : i32
      %scan3A_37 = arith.addi %scan3A_35, %scan3A_36 : i32
      %scan3A_38 = arith.constant 1 : i32
      scf.for %scan3A_40 = %scan3A_35 to %scan3A_37 step %scan3A_38  : i32 {
        "tpu.region"() ({
          %run_scoped3A = tpu.sem_alloc : memref<!tpu.dma_semaphore, #tpu.memory_space<semaphore_mem>>
          %dma_start3A = arith.constant 0 : i32
          %dma_start3A_41 = tpu.memref_slice %arg6[%scan3A_40, %dma_start3A] : memref<111x128xi32, #tpu.memory_space<vmem>> -> memref<1x128xi32, #tpu.memory_space<vmem>>
          %dma_start3A_42 = tpu.memref_squeeze %dma_start3A_41 : memref<1x128xi32, #tpu.memory_space<vmem>> -> memref<128xi32, #tpu.memory_space<vmem>>
          %dma_start3A_43 = arith.constant 0 : i32
          %dma_start3A_44 = arith.constant 0 : i32
          %dma_start3A_45 = tpu.memref_slice %arg2[%dma_start3A_43, %dma_start3A_44] : memref<10240x64xf32, #tpu.memory_space<hbm>> -> memref<10240x64xf32, #tpu.memory_space<hbm>>
          tpu.enqueue_indirect_dma source(%dma_start3A_45 : memref<10240x64xf32, #tpu.memory_space<hbm>>) target(%arg8 : memref<128x64xf32, #tpu.memory_space<vmem>>) offsets(%dma_start3A_42 : memref<128xi32, #tpu.memory_space<vmem>>) semaphore(%run_scoped3A : memref<!tpu.dma_semaphore, #tpu.memory_space<semaphore_mem>>)
          %dma_wait3A = arith.constant 0 : i32
          %dma_wait3A_46 = tpu.memref_slice %arg6[%scan3A_40, %dma_wait3A] : memref<111x128xi32, #tpu.memory_space<vmem>> -> memref<1x128xi32, #tpu.memory_space<vmem>>
          %dma_wait3A_47 = tpu.memref_squeeze %dma_wait3A_46 : memref<1x128xi32, #tpu.memory_space<vmem>> -> memref<128xi32, #tpu.memory_space<vmem>>
          %dma_wait3A_48 = arith.constant 0 : i32
          %dma_wait3A_49 = arith.constant 0 : i32
          %dma_wait3A_50 = tpu.memref_slice %arg2[%dma_wait3A_48, %dma_wait3A_49] : memref<10240x64xf32, #tpu.memory_space<hbm>> -> memref<10240x64xf32, #tpu.memory_space<hbm>>
          tpu.wait_indirect_dma semaphore(%run_scoped3A : memref<!tpu.dma_semaphore, #tpu.memory_space<semaphore_mem>>) src(%dma_wait3A_50 : memref<10240x64xf32, #tpu.memory_space<hbm>>) dst(%arg8 : memref<128x64xf32, #tpu.memory_space<vmem>>)
          tpu.yield
        }) : () -> ()
        "tpu.region"() ({
          %run_scoped3A = tpu.sem_alloc : memref<!tpu.dma_semaphore, #tpu.memory_space<semaphore_mem>>
          %dma_start3A = arith.constant 0 : i32
          %dma_start3A_41 = tpu.memref_slice %arg7[%scan3A_40, %dma_start3A] : memref<110x128xi32, #tpu.memory_space<vmem>> -> memref<1x128xi32, #tpu.memory_space<vmem>>
          %dma_start3A_42 = tpu.memref_squeeze %dma_start3A_41 : memref<1x128xi32, #tpu.memory_space<vmem>> -> memref<128xi32, #tpu.memory_space<vmem>>
          %dma_start3A_43 = arith.constant 0 : i32
          %dma_start3A_44 = arith.constant 0 : i32
          %dma_start3A_45 = tpu.memref_slice %arg11[%dma_start3A_43, %dma_start3A_44] : memref<10240x64xf32, #tpu.memory_space<vmem_shared>> -> memref<10240x64xf32, #tpu.memory_space<vmem_shared>>
          tpu.enqueue_indirect_dma source(%arg8 : memref<128x64xf32, #tpu.memory_space<vmem>>) target(%dma_start3A_45 : memref<10240x64xf32, #tpu.memory_space<vmem_shared>>) offsets(%dma_start3A_42 : memref<128xi32, #tpu.memory_space<vmem>>) semaphore(%run_scoped3A : memref<!tpu.dma_semaphore, #tpu.memory_space<semaphore_mem>>) {add = true}
          %dma_wait3A = arith.constant 0 : i32
          %dma_wait3A_46 = tpu.memref_slice %arg7[%scan3A_40, %dma_wait3A] : memref<110x128xi32, #tpu.memory_space<vmem>> -> memref<1x128xi32, #tpu.memory_space<vmem>>
          %dma_wait3A_47 = tpu.memref_squeeze %dma_wait3A_46 : memref<1x128xi32, #tpu.memory_space<vmem>> -> memref<128xi32, #tpu.memory_space<vmem>>
          %dma_wait3A_48 = arith.constant 0 : i32
          %dma_wait3A_49 = arith.constant 0 : i32
          %dma_wait3A_50 = tpu.memref_slice %arg11[%dma_wait3A_48, %dma_wait3A_49] : memref<10240x64xf32, #tpu.memory_space<vmem_shared>> -> memref<10240x64xf32, #tpu.memory_space<vmem_shared>>
          tpu.wait_indirect_dma semaphore(%run_scoped3A : memref<!tpu.dma_semaphore, #tpu.memory_space<semaphore_mem>>) src(%arg8 : memref<128x64xf32, #tpu.memory_space<vmem>>) dst(%dma_wait3A_50 : memref<10240x64xf32, #tpu.memory_space<vmem_shared>>)
          tpu.yield
        }) : () -> ()
      }
      %scan3A_39 = arith.constant 50 : i32
    } else {
    }
    %barrier3A_33 = arith.constant 0 : index
    tpu.barrier barrier_id(%barrier3A_33)
    "tpu.region"() ({
      %run_scoped3A = tpu.sem_alloc : memref<!tpu.dma_semaphore, #tpu.memory_space<semaphore_mem>>
      %dma_start3A = arith.constant 0 : i32
      %dma_start3A_34 = tpu.memref_slice %arg5[%arg0, %mul3A_6, %dma_start3A] : memref<2x10240x64xf32, #tpu.memory_space<hbm>> -> memref<1x640x64xf32, #tpu.memory_space<hbm>>
      %dma_start3A_35 = tpu.memref_squeeze %dma_start3A_34 : memref<1x640x64xf32, #tpu.memory_space<hbm>> -> memref<640x64xf32, #tpu.memory_space<hbm>>
      %dma_start3A_36 = arith.constant 0 : i32
      %dma_start3A_37 = tpu.memref_slice %arg11[%mul3A_6, %dma_start3A_36] : memref<10240x64xf32, #tpu.memory_space<vmem_shared>> -> memref<640x64xf32, #tpu.memory_space<vmem_shared>>
      tpu.enqueue_dma source(%dma_start3A_37 : memref<640x64xf32, #tpu.memory_space<vmem_shared>>) target(%dma_start3A_35 : memref<640x64xf32, #tpu.memory_space<hbm>>) target_semaphore(%run_scoped3A : memref<!tpu.dma_semaphore, #tpu.memory_space<semaphore_mem>>)
      %dma_wait3A = arith.constant 0 : i32
      %dma_wait3A_38 = tpu.memref_slice %arg5[%arg0, %mul3A_6, %dma_wait3A] : memref<2x10240x64xf32, #tpu.memory_space<hbm>> -> memref<1x640x64xf32, #tpu.memory_space<hbm>>
      %dma_wait3A_39 = tpu.memref_squeeze %dma_wait3A_38 : memref<1x640x64xf32, #tpu.memory_space<hbm>> -> memref<640x64xf32, #tpu.memory_space<hbm>>
      %dma_wait3A_40 = arith.constant 0 : i32
      %dma_wait3A_41 = tpu.memref_slice %arg11[%mul3A_6, %dma_wait3A_40] : memref<10240x64xf32, #tpu.memory_space<vmem_shared>> -> memref<640x64xf32, #tpu.memory_space<vmem_shared>>
      tpu.wait_dma2 semaphore(%run_scoped3A : memref<!tpu.dma_semaphore, #tpu.memory_space<semaphore_mem>>) src(%dma_wait3A_41 : memref<640x64xf32, #tpu.memory_space<vmem_shared>>) dst(%dma_wait3A_39 : memref<640x64xf32, #tpu.memory_space<hbm>>)
      tpu.yield
    }) : () -> ()
    return
  }
}

#map = affine_map<(d0, d1) -> (0, 0)>
#map1 = affine_map<(d0, d1) -> (0, 0, 0)>
module attributes {stable_mosaic.version = 14 : i64} {
  func.func @_sc_scatter_body(%arg0: i32, %arg1: i32, %arg2: memref<10240x64xf32, #tpu.memory_space<hbm>>, %arg3: memref<2560x128xi32, #tpu.memory_space<hbm>>, %arg4: memref<2560x128xi32, #tpu.memory_space<hbm>>, %arg5: memref<2x10240x64xf32, #tpu.memory_space<hbm>>, %arg6: memref<111x128xi32, #tpu.memory_space<vmem>>, %arg7: memref<110x128xi32, #tpu.memory_space<vmem>>, %arg8: memref<128x64xf32, #tpu.memory_space<vmem>>, %arg9: memref<128x64xf32, #tpu.memory_space<vmem>>, %arg10: memref<128x64xf32, #tpu.memory_space<vmem>>, %arg11: memref<10240x64xf32, #tpu.memory_space<vmem_shared>>, %arg12: memref<!tpu.dma_semaphore, #tpu.memory_space<semaphore_mem>>, %arg13: memref<!tpu.dma_semaphore, #tpu.memory_space<semaphore_mem>>) attributes {dimension_semantics = [#tpu.dimension_semantics<core_parallel>, #tpu.dimension_semantics<subcore_parallel>], iteration_bounds = array<i64: 2, 16>, scalar_prefetch = 0 : i64, scratch_operands = 8 : i64, tpu.core_type = #tpu.core_type<sc_vector_subcore>, window_params = [{transform_indices = #map}, {transform_indices = #map}, {transform_indices = #map}, {transform_indices = #map1}]} {
    %broadcast_in_dim3A = arith.constant 0.000000e+00 : f32
    %broadcast_in_dim3A_0 = vector.broadcast %broadcast_in_dim3A : f32 to vector<16xf32>
    %scan3A = arith.constant 0 : i32
    %scan3A_1 = arith.constant 0 : i32
    %scan3A_2 = arith.constant 128 : i32
    %scan3A_3 = arith.addi %scan3A_1, %scan3A_2 : i32
    %scan3A_4 = arith.constant 1 : i32
    scf.for %scan3A_34 = %scan3A_1 to %scan3A_3 step %scan3A_4  : i32 {
      %swap3A = arith.index_cast %scan3A_34 : i32 to index
      %swap3A_35 = arith.constant 0 : index
      %swap3A_36 = tpu.vector_load %arg10[%swap3A, %swap3A_35] {strides = array<i32>} : memref<128x64xf32, #tpu.memory_space<vmem>>, vector<1x16xf32>,
      %swap3A_37 = vector.shape_cast %swap3A_36 : vector<1x16xf32> to vector<16xf32>
      %swap3A_38 = vector.shape_cast %broadcast_in_dim3A_0 : vector<16xf32> to vector<1x16xf32>
      tpu.vector_store %arg10[%swap3A, %swap3A_35], %swap3A_38 {strides = array<i32>} : memref<128x64xf32, #tpu.memory_space<vmem>>, vector<1x16xf32>,
      %swap3A_39 = arith.index_cast %scan3A_34 : i32 to index
      %swap3A_40 = arith.constant 16 : index
      %swap3A_41 = tpu.vector_load %arg10[%swap3A_39, %swap3A_40] {strides = array<i32>} : memref<128x64xf32, #tpu.memory_space<vmem>>, vector<1x16xf32>,
      %swap3A_42 = vector.shape_cast %swap3A_41 : vector<1x16xf32> to vector<16xf32>
      %swap3A_43 = vector.shape_cast %broadcast_in_dim3A_0 : vector<16xf32> to vector<1x16xf32>
      tpu.vector_store %arg10[%swap3A_39, %swap3A_40], %swap3A_43 {strides = array<i32>} : memref<128x64xf32, #tpu.memory_space<vmem>>, vector<1x16xf32>,
      %swap3A_44 = arith.index_cast %scan3A_34 : i32 to index
      %swap3A_45 = arith.constant 32 : index
      %swap3A_46 = tpu.vector_load %arg10[%swap3A_44, %swap3A_45] {strides = array<i32>} : memref<128x64xf32, #tpu.memory_space<vmem>>, vector<1x16xf32>,
      %swap3A_47 = vector.shape_cast %swap3A_46 : vector<1x16xf32> to vector<16xf32>
      %swap3A_48 = vector.shape_cast %broadcast_in_dim3A_0 : vector<16xf32> to vector<1x16xf32>
      tpu.vector_store %arg10[%swap3A_44, %swap3A_45], %swap3A_48 {strides = array<i32>} : memref<128x64xf32, #tpu.memory_space<vmem>>, vector<1x16xf32>,
      %swap3A_49 = arith.index_cast %scan3A_34 : i32 to index
      %swap3A_50 = arith.constant 48 : index
      %swap3A_51 = tpu.vector_load %arg10[%swap3A_49, %swap3A_50] {strides = array<i32>} : memref<128x64xf32, #tpu.memory_space<vmem>>, vector<1x16xf32>,
      %swap3A_52 = vector.shape_cast %swap3A_51 : vector<1x16xf32> to vector<16xf32>
      %swap3A_53 = vector.shape_cast %broadcast_in_dim3A_0 : vector<16xf32> to vector<1x16xf32>
      tpu.vector_store %arg10[%swap3A_49, %swap3A_50], %swap3A_53 {strides = array<i32>} : memref<128x64xf32, #tpu.memory_space<vmem>>, vector<1x16xf32>,
    }
    %scan3A_5 = arith.constant 128 : i32
    %mul3A = arith.constant 640 : i32
    %mul3A_6 = arith.muli %arg1, %mul3A : i32
    %add3A = arith.constant 0 : i32
    %add3A_7 = arith.addi %mul3A_6, %add3A : i32
    "tpu.region"() ({
      %run_scoped3A = tpu.sem_alloc : memref<!tpu.dma_semaphore, #tpu.memory_space<semaphore_mem>>
      %dma_start3A = arith.constant 0 : i32
      %dma_start3A_34 = tpu.memref_slice %arg11[%add3A_7, %dma_start3A] : memref<10240x64xf32, #tpu.memory_space<vmem_shared>> -> memref<128x64xf32, #tpu.memory_space<vmem_shared>>
      %dma_start3A_35 = arith.constant 0 : i32
      %dma_start3A_36 = tpu.memref_slice %arg11[%add3A_7, %dma_start3A_35] : memref<10240x64xf32, #tpu.memory_space<vmem_shared>> -> memref<128x64xf32, #tpu.memory_space<vmem_shared>>
      tpu.enqueue_dma source(%arg10 : memref<128x64xf32, #tpu.memory_space<vmem>>) target(%dma_start3A_36 : memref<128x64xf32, #tpu.memory_space<vmem_shared>>) target_semaphore(%run_scoped3A : memref<!tpu.dma_semaphore, #tpu.memory_space<semaphore_mem>>)
      %dma_wait3A = arith.constant 0 : i32
      %dma_wait3A_37 = tpu.memref_slice %arg11[%add3A_7, %dma_wait3A] : memref<10240x64xf32, #tpu.memory_space<vmem_shared>> -> memref<128x64xf32, #tpu.memory_space<vmem_shared>>
      %dma_wait3A_38 = arith.constant 0 : i32
      %dma_wait3A_39 = tpu.memref_slice %arg11[%add3A_7, %dma_wait3A_38] : memref<10240x64xf32, #tpu.memory_space<vmem_shared>> -> memref<128x64xf32, #tpu.memory_space<vmem_shared>>
      tpu.wait_dma2 semaphore(%run_scoped3A : memref<!tpu.dma_semaphore, #tpu.memory_space<semaphore_mem>>) src(%arg10 : memref<128x64xf32, #tpu.memory_space<vmem>>) dst(%dma_wait3A_39 : memref<128x64xf32, #tpu.memory_space<vmem_shared>>)
      tpu.yield
    }) : () -> ()
    %add3A_8 = arith.constant 128 : i32
    %add3A_9 = arith.addi %mul3A_6, %add3A_8 : i32
    "tpu.region"() ({
      %run_scoped3A = tpu.sem_alloc : memref<!tpu.dma_semaphore, #tpu.memory_space<semaphore_mem>>
      %dma_start3A = arith.constant 0 : i32
      %dma_start3A_34 = tpu.memref_slice %arg11[%add3A_9, %dma_start3A] : memref<10240x64xf32, #tpu.memory_space<vmem_shared>> -> memref<128x64xf32, #tpu.memory_space<vmem_shared>>
      %dma_start3A_35 = arith.constant 0 : i32
      %dma_start3A_36 = tpu.memref_slice %arg11[%add3A_9, %dma_start3A_35] : memref<10240x64xf32, #tpu.memory_space<vmem_shared>> -> memref<128x64xf32, #tpu.memory_space<vmem_shared>>
      tpu.enqueue_dma source(%arg10 : memref<128x64xf32, #tpu.memory_space<vmem>>) target(%dma_start3A_36 : memref<128x64xf32, #tpu.memory_space<vmem_shared>>) target_semaphore(%run_scoped3A : memref<!tpu.dma_semaphore, #tpu.memory_space<semaphore_mem>>)
      %dma_wait3A = arith.constant 0 : i32
      %dma_wait3A_37 = tpu.memref_slice %arg11[%add3A_9, %dma_wait3A] : memref<10240x64xf32, #tpu.memory_space<vmem_shared>> -> memref<128x64xf32, #tpu.memory_space<vmem_shared>>
      %dma_wait3A_38 = arith.constant 0 : i32
      %dma_wait3A_39 = tpu.memref_slice %arg11[%add3A_9, %dma_wait3A_38] : memref<10240x64xf32, #tpu.memory_space<vmem_shared>> -> memref<128x64xf32, #tpu.memory_space<vmem_shared>>
      tpu.wait_dma2 semaphore(%run_scoped3A : memref<!tpu.dma_semaphore, #tpu.memory_space<semaphore_mem>>) src(%arg10 : memref<128x64xf32, #tpu.memory_space<vmem>>) dst(%dma_wait3A_39 : memref<128x64xf32, #tpu.memory_space<vmem_shared>>)
      tpu.yield
    }) : () -> ()
    %add3A_10 = arith.constant 256 : i32
    %add3A_11 = arith.addi %mul3A_6, %add3A_10 : i32
    "tpu.region"() ({
      %run_scoped3A = tpu.sem_alloc : memref<!tpu.dma_semaphore, #tpu.memory_space<semaphore_mem>>
      %dma_start3A = arith.constant 0 : i32
      %dma_start3A_34 = tpu.memref_slice %arg11[%add3A_11, %dma_start3A] : memref<10240x64xf32, #tpu.memory_space<vmem_shared>> -> memref<128x64xf32, #tpu.memory_space<vmem_shared>>
      %dma_start3A_35 = arith.constant 0 : i32
      %dma_start3A_36 = tpu.memref_slice %arg11[%add3A_11, %dma_start3A_35] : memref<10240x64xf32, #tpu.memory_space<vmem_shared>> -> memref<128x64xf32, #tpu.memory_space<vmem_shared>>
      tpu.enqueue_dma source(%arg10 : memref<128x64xf32, #tpu.memory_space<vmem>>) target(%dma_start3A_36 : memref<128x64xf32, #tpu.memory_space<vmem_shared>>) target_semaphore(%run_scoped3A : memref<!tpu.dma_semaphore, #tpu.memory_space<semaphore_mem>>)
      %dma_wait3A = arith.constant 0 : i32
      %dma_wait3A_37 = tpu.memref_slice %arg11[%add3A_11, %dma_wait3A] : memref<10240x64xf32, #tpu.memory_space<vmem_shared>> -> memref<128x64xf32, #tpu.memory_space<vmem_shared>>
      %dma_wait3A_38 = arith.constant 0 : i32
      %dma_wait3A_39 = tpu.memref_slice %arg11[%add3A_11, %dma_wait3A_38] : memref<10240x64xf32, #tpu.memory_space<vmem_shared>> -> memref<128x64xf32, #tpu.memory_space<vmem_shared>>
      tpu.wait_dma2 semaphore(%run_scoped3A : memref<!tpu.dma_semaphore, #tpu.memory_space<semaphore_mem>>) src(%arg10 : memref<128x64xf32, #tpu.memory_space<vmem>>) dst(%dma_wait3A_39 : memref<128x64xf32, #tpu.memory_space<vmem_shared>>)
      tpu.yield
    }) : () -> ()
    %add3A_12 = arith.constant 384 : i32
    %add3A_13 = arith.addi %mul3A_6, %add3A_12 : i32
    "tpu.region"() ({
      %run_scoped3A = tpu.sem_alloc : memref<!tpu.dma_semaphore, #tpu.memory_space<semaphore_mem>>
      %dma_start3A = arith.constant 0 : i32
      %dma_start3A_34 = tpu.memref_slice %arg11[%add3A_13, %dma_start3A] : memref<10240x64xf32, #tpu.memory_space<vmem_shared>> -> memref<128x64xf32, #tpu.memory_space<vmem_shared>>
      %dma_start3A_35 = arith.constant 0 : i32
      %dma_start3A_36 = tpu.memref_slice %arg11[%add3A_13, %dma_start3A_35] : memref<10240x64xf32, #tpu.memory_space<vmem_shared>> -> memref<128x64xf32, #tpu.memory_space<vmem_shared>>
      tpu.enqueue_dma source(%arg10 : memref<128x64xf32, #tpu.memory_space<vmem>>) target(%dma_start3A_36 : memref<128x64xf32, #tpu.memory_space<vmem_shared>>) target_semaphore(%run_scoped3A : memref<!tpu.dma_semaphore, #tpu.memory_space<semaphore_mem>>)
      %dma_wait3A = arith.constant 0 : i32
      %dma_wait3A_37 = tpu.memref_slice %arg11[%add3A_13, %dma_wait3A] : memref<10240x64xf32, #tpu.memory_space<vmem_shared>> -> memref<128x64xf32, #tpu.memory_space<vmem_shared>>
      %dma_wait3A_38 = arith.constant 0 : i32
      %dma_wait3A_39 = tpu.memref_slice %arg11[%add3A_13, %dma_wait3A_38] : memref<10240x64xf32, #tpu.memory_space<vmem_shared>> -> memref<128x64xf32, #tpu.memory_space<vmem_shared>>
      tpu.wait_dma2 semaphore(%run_scoped3A : memref<!tpu.dma_semaphore, #tpu.memory_space<semaphore_mem>>) src(%arg10 : memref<128x64xf32, #tpu.memory_space<vmem>>) dst(%dma_wait3A_39 : memref<128x64xf32, #tpu.memory_space<vmem_shared>>)
      tpu.yield
    }) : () -> ()
    %add3A_14 = arith.constant 512 : i32
    %add3A_15 = arith.addi %mul3A_6, %add3A_14 : i32
    "tpu.region"() ({
      %run_scoped3A = tpu.sem_alloc : memref<!tpu.dma_semaphore, #tpu.memory_space<semaphore_mem>>
      %dma_start3A = arith.constant 0 : i32
      %dma_start3A_34 = tpu.memref_slice %arg11[%add3A_15, %dma_start3A] : memref<10240x64xf32, #tpu.memory_space<vmem_shared>> -> memref<128x64xf32, #tpu.memory_space<vmem_shared>>
      %dma_start3A_35 = arith.constant 0 : i32
      %dma_start3A_36 = tpu.memref_slice %arg11[%add3A_15, %dma_start3A_35] : memref<10240x64xf32, #tpu.memory_space<vmem_shared>> -> memref<128x64xf32, #tpu.memory_space<vmem_shared>>
      tpu.enqueue_dma source(%arg10 : memref<128x64xf32, #tpu.memory_space<vmem>>) target(%dma_start3A_36 : memref<128x64xf32, #tpu.memory_space<vmem_shared>>) target_semaphore(%run_scoped3A : memref<!tpu.dma_semaphore, #tpu.memory_space<semaphore_mem>>)
      %dma_wait3A = arith.constant 0 : i32
      %dma_wait3A_37 = tpu.memref_slice %arg11[%add3A_15, %dma_wait3A] : memref<10240x64xf32, #tpu.memory_space<vmem_shared>> -> memref<128x64xf32, #tpu.memory_space<vmem_shared>>
      %dma_wait3A_38 = arith.constant 0 : i32
      %dma_wait3A_39 = tpu.memref_slice %arg11[%add3A_15, %dma_wait3A_38] : memref<10240x64xf32, #tpu.memory_space<vmem_shared>> -> memref<128x64xf32, #tpu.memory_space<vmem_shared>>
      tpu.wait_dma2 semaphore(%run_scoped3A : memref<!tpu.dma_semaphore, #tpu.memory_space<semaphore_mem>>) src(%arg10 : memref<128x64xf32, #tpu.memory_space<vmem>>) dst(%dma_wait3A_39 : memref<128x64xf32, #tpu.memory_space<vmem_shared>>)
      tpu.yield
    }) : () -> ()
    %eq3A = arith.constant 0 : i32
    %eq3A_16 = arith.cmpi eq, %arg0, %eq3A : i32
    %convert_element_type3A = arith.extui %eq3A_16 : i1 to i32
    %cond3A = arith.constant 0 : i32
    %cond3A_17 = arith.cmpi ne, %convert_element_type3A, %cond3A : i32
    scf.if %cond3A_17 {
      %mul3A_34 = arith.constant 160 : i32
      %mul3A_35 = arith.muli %arg1, %mul3A_34 : i32
      "tpu.region"() ({
        %run_scoped3A = tpu.sem_alloc : memref<!tpu.dma_semaphore, #tpu.memory_space<semaphore_mem>>
        %dma_start3A = arith.constant 0 : i32
        %dma_start3A_36 = arith.constant 0 : i32
        %dma_start3A_37 = tpu.memref_slice %arg6[%dma_start3A, %dma_start3A_36] : memref<111x128xi32, #tpu.memory_space<vmem>> -> memref<110x128xi32, #tpu.memory_space<vmem>>
        %dma_start3A_38 = arith.constant 0 : i32
        %dma_start3A_39 = tpu.memref_slice %arg3[%mul3A_35, %dma_start3A_38] : memref<2560x128xi32, #tpu.memory_space<hbm>> -> memref<110x128xi32, #tpu.memory_space<hbm>>
        %dma_start3A_40 = arith.constant 0 : i32
        %dma_start3A_41 = arith.constant 0 : i32
        %dma_start3A_42 = tpu.memref_slice %arg6[%dma_start3A_40, %dma_start3A_41] : memref<111x128xi32, #tpu.memory_space<vmem>> -> memref<110x128xi32, #tpu.memory_space<vmem>>
        %dma_start3A_43 = arith.constant 0 : i32
        %dma_start3A_44 = tpu.memref_slice %arg3[%mul3A_35, %dma_start3A_43] : memref<2560x128xi32, #tpu.memory_space<hbm>> -> memref<110x128xi32, #tpu.memory_space<hbm>>
        tpu.enqueue_dma source(%dma_start3A_44 : memref<110x128xi32, #tpu.memory_space<hbm>>) target(%dma_start3A_42 : memref<110x128xi32, #tpu.memory_space<vmem>>) target_semaphore(%run_scoped3A : memref<!tpu.dma_semaphore, #tpu.memory_space<semaphore_mem>>)
        %dma_wait3A = arith.constant 0 : i32
        %dma_wait3A_45 = arith.constant 0 : i32
        %dma_wait3A_46 = tpu.memref_slice %arg6[%dma_wait3A, %dma_wait3A_45] : memref<111x128xi32, #tpu.memory_space<vmem>> -> memref<110x128xi32, #tpu.memory_space<vmem>>
        %dma_wait3A_47 = arith.constant 0 : i32
        %dma_wait3A_48 = tpu.memref_slice %arg3[%mul3A_35, %dma_wait3A_47] : memref<2560x128xi32, #tpu.memory_space<hbm>> -> memref<110x128xi32, #tpu.memory_space<hbm>>
        %dma_wait3A_49 = arith.constant 0 : i32
        %dma_wait3A_50 = arith.constant 0 : i32
        %dma_wait3A_51 = tpu.memref_slice %arg6[%dma_wait3A_49, %dma_wait3A_50] : memref<111x128xi32, #tpu.memory_space<vmem>> -> memref<110x128xi32, #tpu.memory_space<vmem>>
        %dma_wait3A_52 = arith.constant 0 : i32
        %dma_wait3A_53 = tpu.memref_slice %arg3[%mul3A_35, %dma_wait3A_52] : memref<2560x128xi32, #tpu.memory_space<hbm>> -> memref<110x128xi32, #tpu.memory_space<hbm>>
        tpu.wait_dma2 semaphore(%run_scoped3A : memref<!tpu.dma_semaphore, #tpu.memory_space<semaphore_mem>>) src(%dma_wait3A_53 : memref<110x128xi32, #tpu.memory_space<hbm>>) dst(%dma_wait3A_51 : memref<110x128xi32, #tpu.memory_space<vmem>>)
        tpu.yield
      }) : () -> ()
      "tpu.region"() ({
        %run_scoped3A = tpu.sem_alloc : memref<!tpu.dma_semaphore, #tpu.memory_space<semaphore_mem>>
        %dma_start3A = arith.constant 0 : i32
        %dma_start3A_36 = arith.constant 0 : i32
        %dma_start3A_37 = tpu.memref_slice %arg7[%dma_start3A, %dma_start3A_36] : memref<110x128xi32, #tpu.memory_space<vmem>> -> memref<110x128xi32, #tpu.memory_space<vmem>>
        %dma_start3A_38 = arith.constant 0 : i32
        %dma_start3A_39 = tpu.memref_slice %arg4[%mul3A_35, %dma_start3A_38] : memref<2560x128xi32, #tpu.memory_space<hbm>> -> memref<110x128xi32, #tpu.memory_space<hbm>>
        %dma_start3A_40 = arith.constant 0 : i32
        %dma_start3A_41 = arith.constant 0 : i32
        %dma_start3A_42 = tpu.memref_slice %arg7[%dma_start3A_40, %dma_start3A_41] : memref<110x128xi32, #tpu.memory_space<vmem>> -> memref<110x128xi32, #tpu.memory_space<vmem>>
        %dma_start3A_43 = arith.constant 0 : i32
        %dma_start3A_44 = tpu.memref_slice %arg4[%mul3A_35, %dma_start3A_43] : memref<2560x128xi32, #tpu.memory_space<hbm>> -> memref<110x128xi32, #tpu.memory_space<hbm>>
        tpu.enqueue_dma source(%dma_start3A_44 : memref<110x128xi32, #tpu.memory_space<hbm>>) target(%dma_start3A_42 : memref<110x128xi32, #tpu.memory_space<vmem>>) target_semaphore(%run_scoped3A : memref<!tpu.dma_semaphore, #tpu.memory_space<semaphore_mem>>)
        %dma_wait3A = arith.constant 0 : i32
        %dma_wait3A_45 = arith.constant 0 : i32
        %dma_wait3A_46 = tpu.memref_slice %arg7[%dma_wait3A, %dma_wait3A_45] : memref<110x128xi32, #tpu.memory_space<vmem>> -> memref<110x128xi32, #tpu.memory_space<vmem>>
        %dma_wait3A_47 = arith.constant 0 : i32
        %dma_wait3A_48 = tpu.memref_slice %arg4[%mul3A_35, %dma_wait3A_47] : memref<2560x128xi32, #tpu.memory_space<hbm>> -> memref<110x128xi32, #tpu.memory_space<hbm>>
        %dma_wait3A_49 = arith.constant 0 : i32
        %dma_wait3A_50 = arith.constant 0 : i32
        %dma_wait3A_51 = tpu.memref_slice %arg7[%dma_wait3A_49, %dma_wait3A_50] : memref<110x128xi32, #tpu.memory_space<vmem>> -> memref<110x128xi32, #tpu.memory_space<vmem>>
        %dma_wait3A_52 = arith.constant 0 : i32
        %dma_wait3A_53 = tpu.memref_slice %arg4[%mul3A_35, %dma_wait3A_52] : memref<2560x128xi32, #tpu.memory_space<hbm>> -> memref<110x128xi32, #tpu.memory_space<hbm>>
        tpu.wait_dma2 semaphore(%run_scoped3A : memref<!tpu.dma_semaphore, #tpu.memory_space<semaphore_mem>>) src(%dma_wait3A_53 : memref<110x128xi32, #tpu.memory_space<hbm>>) dst(%dma_wait3A_51 : memref<110x128xi32, #tpu.memory_space<vmem>>)
        tpu.yield
      }) : () -> ()
    } else {
    }
    %eq3A_18 = arith.constant 1 : i32
    %eq3A_19 = arith.cmpi eq, %arg0, %eq3A_18 : i32
    %convert_element_type3A_20 = arith.extui %eq3A_19 : i1 to i32
    %cond3A_21 = arith.constant 0 : i32
    %cond3A_22 = arith.cmpi ne, %convert_element_type3A_20, %cond3A_21 : i32
    scf.if %cond3A_22 {
      %mul3A_34 = arith.constant 160 : i32
      %mul3A_35 = arith.muli %arg1, %mul3A_34 : i32
      %add3A_36 = arith.constant 110 : i32
      %add3A_37 = arith.addi %mul3A_35, %add3A_36 : i32
      "tpu.region"() ({
        %run_scoped3A = tpu.sem_alloc : memref<!tpu.dma_semaphore, #tpu.memory_space<semaphore_mem>>
        %dma_start3A = arith.constant 0 : i32
        %dma_start3A_38 = arith.constant 0 : i32
        %dma_start3A_39 = tpu.memref_slice %arg6[%dma_start3A, %dma_start3A_38] : memref<111x128xi32, #tpu.memory_space<vmem>> -> memref<50x128xi32, #tpu.memory_space<vmem>>
        %dma_start3A_40 = arith.constant 0 : i32
        %dma_start3A_41 = tpu.memref_slice %arg3[%add3A_37, %dma_start3A_40] : memref<2560x128xi32, #tpu.memory_space<hbm>> -> memref<50x128xi32, #tpu.memory_space<hbm>>
        %dma_start3A_42 = arith.constant 0 : i32
        %dma_start3A_43 = arith.constant 0 : i32
        %dma_start3A_44 = tpu.memref_slice %arg6[%dma_start3A_42, %dma_start3A_43] : memref<111x128xi32, #tpu.memory_space<vmem>> -> memref<50x128xi32, #tpu.memory_space<vmem>>
        %dma_start3A_45 = arith.constant 0 : i32
        %dma_start3A_46 = tpu.memref_slice %arg3[%add3A_37, %dma_start3A_45] : memref<2560x128xi32, #tpu.memory_space<hbm>> -> memref<50x128xi32, #tpu.memory_space<hbm>>
        tpu.enqueue_dma source(%dma_start3A_46 : memref<50x128xi32, #tpu.memory_space<hbm>>) target(%dma_start3A_44 : memref<50x128xi32, #tpu.memory_space<vmem>>) target_semaphore(%run_scoped3A : memref<!tpu.dma_semaphore, #tpu.memory_space<semaphore_mem>>)
        %dma_wait3A = arith.constant 0 : i32
        %dma_wait3A_47 = arith.constant 0 : i32
        %dma_wait3A_48 = tpu.memref_slice %arg6[%dma_wait3A, %dma_wait3A_47] : memref<111x128xi32, #tpu.memory_space<vmem>> -> memref<50x128xi32, #tpu.memory_space<vmem>>
        %dma_wait3A_49 = arith.constant 0 : i32
        %dma_wait3A_50 = tpu.memref_slice %arg3[%add3A_37, %dma_wait3A_49] : memref<2560x128xi32, #tpu.memory_space<hbm>> -> memref<50x128xi32, #tpu.memory_space<hbm>>
        %dma_wait3A_51 = arith.constant 0 : i32
        %dma_wait3A_52 = arith.constant 0 : i32
        %dma_wait3A_53 = tpu.memref_slice %arg6[%dma_wait3A_51, %dma_wait3A_52] : memref<111x128xi32, #tpu.memory_space<vmem>> -> memref<50x128xi32, #tpu.memory_space<vmem>>
        %dma_wait3A_54 = arith.constant 0 : i32
        %dma_wait3A_55 = tpu.memref_slice %arg3[%add3A_37, %dma_wait3A_54] : memref<2560x128xi32, #tpu.memory_space<hbm>> -> memref<50x128xi32, #tpu.memory_space<hbm>>
        tpu.wait_dma2 semaphore(%run_scoped3A : memref<!tpu.dma_semaphore, #tpu.memory_space<semaphore_mem>>) src(%dma_wait3A_55 : memref<50x128xi32, #tpu.memory_space<hbm>>) dst(%dma_wait3A_53 : memref<50x128xi32, #tpu.memory_space<vmem>>)
        tpu.yield
      }) : () -> ()
      "tpu.region"() ({
        %run_scoped3A = tpu.sem_alloc : memref<!tpu.dma_semaphore, #tpu.memory_space<semaphore_mem>>
        %dma_start3A = arith.constant 0 : i32
        %dma_start3A_38 = arith.constant 0 : i32
        %dma_start3A_39 = tpu.memref_slice %arg7[%dma_start3A, %dma_start3A_38] : memref<110x128xi32, #tpu.memory_space<vmem>> -> memref<50x128xi32, #tpu.memory_space<vmem>>
        %dma_start3A_40 = arith.constant 0 : i32
        %dma_start3A_41 = tpu.memref_slice %arg4[%add3A_37, %dma_start3A_40] : memref<2560x128xi32, #tpu.memory_space<hbm>> -> memref<50x128xi32, #tpu.memory_space<hbm>>
        %dma_start3A_42 = arith.constant 0 : i32
        %dma_start3A_43 = arith.constant 0 : i32
        %dma_start3A_44 = tpu.memref_slice %arg7[%dma_start3A_42, %dma_start3A_43] : memref<110x128xi32, #tpu.memory_space<vmem>> -> memref<50x128xi32, #tpu.memory_space<vmem>>
        %dma_start3A_45 = arith.constant 0 : i32
        %dma_start3A_46 = tpu.memref_slice %arg4[%add3A_37, %dma_start3A_45] : memref<2560x128xi32, #tpu.memory_space<hbm>> -> memref<50x128xi32, #tpu.memory_space<hbm>>
        tpu.enqueue_dma source(%dma_start3A_46 : memref<50x128xi32, #tpu.memory_space<hbm>>) target(%dma_start3A_44 : memref<50x128xi32, #tpu.memory_space<vmem>>) target_semaphore(%run_scoped3A : memref<!tpu.dma_semaphore, #tpu.memory_space<semaphore_mem>>)
        %dma_wait3A = arith.constant 0 : i32
        %dma_wait3A_47 = arith.constant 0 : i32
        %dma_wait3A_48 = tpu.memref_slice %arg7[%dma_wait3A, %dma_wait3A_47] : memref<110x128xi32, #tpu.memory_space<vmem>> -> memref<50x128xi32, #tpu.memory_space<vmem>>
        %dma_wait3A_49 = arith.constant 0 : i32
        %dma_wait3A_50 = tpu.memref_slice %arg4[%add3A_37, %dma_wait3A_49] : memref<2560x128xi32, #tpu.memory_space<hbm>> -> memref<50x128xi32, #tpu.memory_space<hbm>>
        %dma_wait3A_51 = arith.constant 0 : i32
        %dma_wait3A_52 = arith.constant 0 : i32
        %dma_wait3A_53 = tpu.memref_slice %arg7[%dma_wait3A_51, %dma_wait3A_52] : memref<110x128xi32, #tpu.memory_space<vmem>> -> memref<50x128xi32, #tpu.memory_space<vmem>>
        %dma_wait3A_54 = arith.constant 0 : i32
        %dma_wait3A_55 = tpu.memref_slice %arg4[%add3A_37, %dma_wait3A_54] : memref<2560x128xi32, #tpu.memory_space<hbm>> -> memref<50x128xi32, #tpu.memory_space<hbm>>
        tpu.wait_dma2 semaphore(%run_scoped3A : memref<!tpu.dma_semaphore, #tpu.memory_space<semaphore_mem>>) src(%dma_wait3A_55 : memref<50x128xi32, #tpu.memory_space<hbm>>) dst(%dma_wait3A_53 : memref<50x128xi32, #tpu.memory_space<vmem>>)
        tpu.yield
      }) : () -> ()
    } else {
    }
    %barrier3A = arith.constant 0 : index
    tpu.barrier barrier_id(%barrier3A)
    %eq3A_23 = arith.constant 0 : i32
    %eq3A_24 = arith.cmpi eq, %arg0, %eq3A_23 : i32
    %convert_element_type3A_25 = arith.extui %eq3A_24 : i1 to i32
    %cond3A_26 = arith.constant 0 : i32
    %cond3A_27 = arith.cmpi ne, %convert_element_type3A_25, %cond3A_26 : i32
    scf.if %cond3A_27 {
      %scan3A_34 = arith.constant 0 : i32
      %scan3A_35 = arith.constant 0 : i32
      %scan3A_36 = arith.constant 110 : i32
      %scan3A_37 = arith.addi %scan3A_35, %scan3A_36 : i32
      %scan3A_38 = arith.constant 1 : i32
      scf.for %scan3A_40 = %scan3A_35 to %scan3A_37 step %scan3A_38  : i32 {
        "tpu.region"() ({
          %run_scoped3A = tpu.sem_alloc : memref<!tpu.dma_semaphore, #tpu.memory_space<semaphore_mem>>
          %dma_start3A = arith.constant 0 : i32
          %dma_start3A_41 = tpu.memref_slice %arg6[%scan3A_40, %dma_start3A] : memref<111x128xi32, #tpu.memory_space<vmem>> -> memref<1x128xi32, #tpu.memory_space<vmem>>
          %dma_start3A_42 = tpu.memref_squeeze %dma_start3A_41 : memref<1x128xi32, #tpu.memory_space<vmem>> -> memref<128xi32, #tpu.memory_space<vmem>>
          %dma_start3A_43 = arith.constant 0 : i32
          %dma_start3A_44 = arith.constant 0 : i32
          %dma_start3A_45 = tpu.memref_slice %arg2[%dma_start3A_43, %dma_start3A_44] : memref<10240x64xf32, #tpu.memory_space<hbm>> -> memref<10240x64xf32, #tpu.memory_space<hbm>>
          tpu.enqueue_indirect_dma source(%dma_start3A_45 : memref<10240x64xf32, #tpu.memory_space<hbm>>) target(%arg8 : memref<128x64xf32, #tpu.memory_space<vmem>>) offsets(%dma_start3A_42 : memref<128xi32, #tpu.memory_space<vmem>>) semaphore(%run_scoped3A : memref<!tpu.dma_semaphore, #tpu.memory_space<semaphore_mem>>)
          %dma_wait3A = arith.constant 0 : i32
          %dma_wait3A_46 = tpu.memref_slice %arg6[%scan3A_40, %dma_wait3A] : memref<111x128xi32, #tpu.memory_space<vmem>> -> memref<1x128xi32, #tpu.memory_space<vmem>>
          %dma_wait3A_47 = tpu.memref_squeeze %dma_wait3A_46 : memref<1x128xi32, #tpu.memory_space<vmem>> -> memref<128xi32, #tpu.memory_space<vmem>>
          %dma_wait3A_48 = arith.constant 0 : i32
          %dma_wait3A_49 = arith.constant 0 : i32
          %dma_wait3A_50 = tpu.memref_slice %arg2[%dma_wait3A_48, %dma_wait3A_49] : memref<10240x64xf32, #tpu.memory_space<hbm>> -> memref<10240x64xf32, #tpu.memory_space<hbm>>
          tpu.wait_indirect_dma semaphore(%run_scoped3A : memref<!tpu.dma_semaphore, #tpu.memory_space<semaphore_mem>>) src(%dma_wait3A_50 : memref<10240x64xf32, #tpu.memory_space<hbm>>) dst(%arg8 : memref<128x64xf32, #tpu.memory_space<vmem>>)
          tpu.yield
        }) : () -> ()
        "tpu.region"() ({
          %run_scoped3A = tpu.sem_alloc : memref<!tpu.dma_semaphore, #tpu.memory_space<semaphore_mem>>
          %dma_start3A = arith.constant 0 : i32
          %dma_start3A_41 = tpu.memref_slice %arg7[%scan3A_40, %dma_start3A] : memref<110x128xi32, #tpu.memory_space<vmem>> -> memref<1x128xi32, #tpu.memory_space<vmem>>
          %dma_start3A_42 = tpu.memref_squeeze %dma_start3A_41 : memref<1x128xi32, #tpu.memory_space<vmem>> -> memref<128xi32, #tpu.memory_space<vmem>>
          %dma_start3A_43 = arith.constant 0 : i32
          %dma_start3A_44 = arith.constant 0 : i32
          %dma_start3A_45 = tpu.memref_slice %arg11[%dma_start3A_43, %dma_start3A_44] : memref<10240x64xf32, #tpu.memory_space<vmem_shared>> -> memref<10240x64xf32, #tpu.memory_space<vmem_shared>>
          tpu.enqueue_indirect_dma source(%arg8 : memref<128x64xf32, #tpu.memory_space<vmem>>) target(%dma_start3A_45 : memref<10240x64xf32, #tpu.memory_space<vmem_shared>>) offsets(%dma_start3A_42 : memref<128xi32, #tpu.memory_space<vmem>>) semaphore(%run_scoped3A : memref<!tpu.dma_semaphore, #tpu.memory_space<semaphore_mem>>) {add = true}
          %dma_wait3A = arith.constant 0 : i32
          %dma_wait3A_46 = tpu.memref_slice %arg7[%scan3A_40, %dma_wait3A] : memref<110x128xi32, #tpu.memory_space<vmem>> -> memref<1x128xi32, #tpu.memory_space<vmem>>
          %dma_wait3A_47 = tpu.memref_squeeze %dma_wait3A_46 : memref<1x128xi32, #tpu.memory_space<vmem>> -> memref<128xi32, #tpu.memory_space<vmem>>
          %dma_wait3A_48 = arith.constant 0 : i32
          %dma_wait3A_49 = arith.constant 0 : i32
          %dma_wait3A_50 = tpu.memref_slice %arg11[%dma_wait3A_48, %dma_wait3A_49] : memref<10240x64xf32, #tpu.memory_space<vmem_shared>> -> memref<10240x64xf32, #tpu.memory_space<vmem_shared>>
          tpu.wait_indirect_dma semaphore(%run_scoped3A : memref<!tpu.dma_semaphore, #tpu.memory_space<semaphore_mem>>) src(%arg8 : memref<128x64xf32, #tpu.memory_space<vmem>>) dst(%dma_wait3A_50 : memref<10240x64xf32, #tpu.memory_space<vmem_shared>>)
          tpu.yield
        }) : () -> ()
      }
      %scan3A_39 = arith.constant 110 : i32
    } else {
    }
    %eq3A_28 = arith.constant 1 : i32
    %eq3A_29 = arith.cmpi eq, %arg0, %eq3A_28 : i32
    %convert_element_type3A_30 = arith.extui %eq3A_29 : i1 to i32
    %cond3A_31 = arith.constant 0 : i32
    %cond3A_32 = arith.cmpi ne, %convert_element_type3A_30, %cond3A_31 : i32
    scf.if %cond3A_32 {
      %scan3A_34 = arith.constant 0 : i32
      %scan3A_35 = arith.constant 0 : i32
      %scan3A_36 = arith.constant 50 : i32
      %scan3A_37 = arith.addi %scan3A_35, %scan3A_36 : i32
      %scan3A_38 = arith.constant 1 : i32
      scf.for %scan3A_40 = %scan3A_35 to %scan3A_37 step %scan3A_38  : i32 {
        "tpu.region"() ({
          %run_scoped3A = tpu.sem_alloc : memref<!tpu.dma_semaphore, #tpu.memory_space<semaphore_mem>>
          %dma_start3A = arith.constant 0 : i32
          %dma_start3A_41 = tpu.memref_slice %arg6[%scan3A_40, %dma_start3A] : memref<111x128xi32, #tpu.memory_space<vmem>> -> memref<1x128xi32, #tpu.memory_space<vmem>>
          %dma_start3A_42 = tpu.memref_squeeze %dma_start3A_41 : memref<1x128xi32, #tpu.memory_space<vmem>> -> memref<128xi32, #tpu.memory_space<vmem>>
          %dma_start3A_43 = arith.constant 0 : i32
          %dma_start3A_44 = arith.constant 0 : i32
          %dma_start3A_45 = tpu.memref_slice %arg2[%dma_start3A_43, %dma_start3A_44] : memref<10240x64xf32, #tpu.memory_space<hbm>> -> memref<10240x64xf32, #tpu.memory_space<hbm>>
          tpu.enqueue_indirect_dma source(%dma_start3A_45 : memref<10240x64xf32, #tpu.memory_space<hbm>>) target(%arg8 : memref<128x64xf32, #tpu.memory_space<vmem>>) offsets(%dma_start3A_42 : memref<128xi32, #tpu.memory_space<vmem>>) semaphore(%run_scoped3A : memref<!tpu.dma_semaphore, #tpu.memory_space<semaphore_mem>>)
          %dma_wait3A = arith.constant 0 : i32
          %dma_wait3A_46 = tpu.memref_slice %arg6[%scan3A_40, %dma_wait3A] : memref<111x128xi32, #tpu.memory_space<vmem>> -> memref<1x128xi32, #tpu.memory_space<vmem>>
          %dma_wait3A_47 = tpu.memref_squeeze %dma_wait3A_46 : memref<1x128xi32, #tpu.memory_space<vmem>> -> memref<128xi32, #tpu.memory_space<vmem>>
          %dma_wait3A_48 = arith.constant 0 : i32
          %dma_wait3A_49 = arith.constant 0 : i32
          %dma_wait3A_50 = tpu.memref_slice %arg2[%dma_wait3A_48, %dma_wait3A_49] : memref<10240x64xf32, #tpu.memory_space<hbm>> -> memref<10240x64xf32, #tpu.memory_space<hbm>>
          tpu.wait_indirect_dma semaphore(%run_scoped3A : memref<!tpu.dma_semaphore, #tpu.memory_space<semaphore_mem>>) src(%dma_wait3A_50 : memref<10240x64xf32, #tpu.memory_space<hbm>>) dst(%arg8 : memref<128x64xf32, #tpu.memory_space<vmem>>)
          tpu.yield
        }) : () -> ()
        "tpu.region"() ({
          %run_scoped3A = tpu.sem_alloc : memref<!tpu.dma_semaphore, #tpu.memory_space<semaphore_mem>>
          %dma_start3A = arith.constant 0 : i32
          %dma_start3A_41 = tpu.memref_slice %arg7[%scan3A_40, %dma_start3A] : memref<110x128xi32, #tpu.memory_space<vmem>> -> memref<1x128xi32, #tpu.memory_space<vmem>>
          %dma_start3A_42 = tpu.memref_squeeze %dma_start3A_41 : memref<1x128xi32, #tpu.memory_space<vmem>> -> memref<128xi32, #tpu.memory_space<vmem>>
          %dma_start3A_43 = arith.constant 0 : i32
          %dma_start3A_44 = arith.constant 0 : i32
          %dma_start3A_45 = tpu.memref_slice %arg11[%dma_start3A_43, %dma_start3A_44] : memref<10240x64xf32, #tpu.memory_space<vmem_shared>> -> memref<10240x64xf32, #tpu.memory_space<vmem_shared>>
          tpu.enqueue_indirect_dma source(%arg8 : memref<128x64xf32, #tpu.memory_space<vmem>>) target(%dma_start3A_45 : memref<10240x64xf32, #tpu.memory_space<vmem_shared>>) offsets(%dma_start3A_42 : memref<128xi32, #tpu.memory_space<vmem>>) semaphore(%run_scoped3A : memref<!tpu.dma_semaphore, #tpu.memory_space<semaphore_mem>>) {add = true}
          %dma_wait3A = arith.constant 0 : i32
          %dma_wait3A_46 = tpu.memref_slice %arg7[%scan3A_40, %dma_wait3A] : memref<110x128xi32, #tpu.memory_space<vmem>> -> memref<1x128xi32, #tpu.memory_space<vmem>>
          %dma_wait3A_47 = tpu.memref_squeeze %dma_wait3A_46 : memref<1x128xi32, #tpu.memory_space<vmem>> -> memref<128xi32, #tpu.memory_space<vmem>>
          %dma_wait3A_48 = arith.constant 0 : i32
          %dma_wait3A_49 = arith.constant 0 : i32
          %dma_wait3A_50 = tpu.memref_slice %arg11[%dma_wait3A_48, %dma_wait3A_49] : memref<10240x64xf32, #tpu.memory_space<vmem_shared>> -> memref<10240x64xf32, #tpu.memory_space<vmem_shared>>
          tpu.wait_indirect_dma semaphore(%run_scoped3A : memref<!tpu.dma_semaphore, #tpu.memory_space<semaphore_mem>>) src(%arg8 : memref<128x64xf32, #tpu.memory_space<vmem>>) dst(%dma_wait3A_50 : memref<10240x64xf32, #tpu.memory_space<vmem_shared>>)
          tpu.yield
        }) : () -> ()
      }
      %scan3A_39 = arith.constant 50 : i32
    } else {
    }
    %barrier3A_33 = arith.constant 0 : index
    tpu.barrier barrier_id(%barrier3A_33)
    "tpu.region"() ({
      %run_scoped3A = tpu.sem_alloc : memref<!tpu.dma_semaphore, #tpu.memory_space<semaphore_mem>>
      %dma_start3A = arith.constant 0 : i32
      %dma_start3A_34 = tpu.memref_slice %arg5[%arg0, %mul3A_6, %dma_start3A] : memref<2x10240x64xf32, #tpu.memory_space<hbm>> -> memref<1x640x64xf32, #tpu.memory_space<hbm>>
      %dma_start3A_35 = tpu.memref_squeeze %dma_start3A_34 : memref<1x640x64xf32, #tpu.memory_space<hbm>> -> memref<640x64xf32, #tpu.memory_space<hbm>>
      %dma_start3A_36 = arith.constant 0 : i32
      %dma_start3A_37 = tpu.memref_slice %arg11[%mul3A_6, %dma_start3A_36] : memref<10240x64xf32, #tpu.memory_space<vmem_shared>> -> memref<640x64xf32, #tpu.memory_space<vmem_shared>>
      tpu.enqueue_dma source(%dma_start3A_37 : memref<640x64xf32, #tpu.memory_space<vmem_shared>>) target(%dma_start3A_35 : memref<640x64xf32, #tpu.memory_space<hbm>>) target_semaphore(%run_scoped3A : memref<!tpu.dma_semaphore, #tpu.memory_space<semaphore_mem>>)
      %dma_wait3A = arith.constant 0 : i32
      %dma_wait3A_38 = tpu.memref_slice %arg5[%arg0, %mul3A_6, %dma_wait3A] : memref<2x10240x64xf32, #tpu.memory_space<hbm>> -> memref<1x640x64xf32, #tpu.memory_space<hbm>>
      %dma_wait3A_39 = tpu.memref_squeeze %dma_wait3A_38 : memref<1x640x64xf32, #tpu.memory_space<hbm>> -> memref<640x64xf32, #tpu.memory_space<hbm>>
      %dma_wait3A_40 = arith.constant 0 : i32
      %dma_wait3A_41 = tpu.memref_slice %arg11[%mul3A_6, %dma_wait3A_40] : memref<10240x64xf32, #tpu.memory_space<vmem_shared>> -> memref<640x64xf32, #tpu.memory_space<vmem_shared>>
      tpu.wait_dma2 semaphore(%run_scoped3A : memref<!tpu.dma_semaphore, #tpu.memory_space<semaphore_mem>>) src(%dma_wait3A_41 : memref<640x64xf32, #tpu.memory_space<vmem_shared>>) dst(%dma_wait3A_39 : memref<640x64xf32, #tpu.memory_space<hbm>>)
      tpu.yield
    }) : () -> ()
    return
  }
}

module attributes {stable_mosaic.version = 14 : i64} {
  func.func @_tc_embed_body(%arg0: i32, %arg1: memref<1280x128xf32, #tpu.memory_space<vmem>>, %arg2: memref<16x4xf32, #tpu.memory_space<vmem>>, %arg3: memref<16x4xf32, #tpu.memory_space<vmem>>, %arg4: memref<1280x1xi32, #tpu.memory_space<vmem>>, %arg5: memref<2x1280x16xf32, #tpu.memory_space<vmem>>, %arg6: memref<128x64xf32, #tpu.memory_space<vmem>>, %arg7: memref<1x64xf32, #tpu.memory_space<vmem>>, %arg8: memref<4x64xf32, #tpu.memory_space<vmem>>, %arg9: memref<1x64xf32, #tpu.memory_space<vmem>>, %arg10: memref<64x64xf32, #tpu.memory_space<vmem>>, %arg11: memref<1280x64xf32, #tpu.memory_space<vmem>>, %arg12: memref<1280x1xf32, #tpu.memory_space<vmem>>) attributes {dimension_semantics = [#tpu.dimension_semantics<arbitrary>], iteration_bounds = array<i64: 8>, scalar_prefetch = 0 : i64, scratch_operands = 0 : i64, tpu.core_type = #tpu.core_type<tc>, window_params = [{transform_indices = @transform_0, window_bounds = array<i64: 1280, 128>}, {pipeline_mode = #tpu.pipeline_mode<synchronous>, transform_indices = @transform_1, window_bounds = array<i64: 16, 4>}, {pipeline_mode = #tpu.pipeline_mode<synchronous>, transform_indices = @transform_2, window_bounds = array<i64: 16, 4>}, {transform_indices = @transform_3, window_bounds = array<i64: 1280, 1>}, {transform_indices = @transform_4, window_bounds = array<i64: 2, 1280, 16>}, {pipeline_mode = #tpu.pipeline_mode<synchronous>, transform_indices = @transform_5, window_bounds = array<i64: 128, 64>}, {pipeline_mode = #tpu.pipeline_mode<synchronous>, transform_indices = @transform_6, window_bounds = array<i64: 1, 64>}, {pipeline_mode = #tpu.pipeline_mode<synchronous>, transform_indices = @transform_7, window_bounds = array<i64: 4, 64>}, {pipeline_mode = #tpu.pipeline_mode<synchronous>, transform_indices = @transform_8, window_bounds = array<i64: 1, 64>}, {pipeline_mode = #tpu.pipeline_mode<synchronous>, transform_indices = @transform_9, window_bounds = array<i64: 64, 64>}, {transform_indices = @transform_10, window_bounds = array<i64: 1280, 64>}, {transform_indices = @transform_11, window_bounds = array<i64: 1280, 1>}]} {
    %get3A = arith.constant 0 : index
    %get3A_0 = arith.constant 0 : index
    %get3A_1 = vector.load %arg4[%get3A, %get3A_0] : memref<1280x1xi32, #tpu.memory_space<vmem>>, vector<1280x1xi32>
    %iota3A = tpu.iota {dimensions = array<i32: 1>} : vector<1280x16xi32>
    %eq3A = vector.broadcast %get3A_1 : vector<1280x1xi32> to vector<1280x16xi32>
    %eq3A_2 = arith.cmpi eq, %eq3A, %iota3A : vector<1280x16xi32>
    %convert_element_type3A = arith.extui %eq3A_2 : vector<1280x16xi1> to vector<1280x16xi32>
    %convert_element_type3A_3 = arith.sitofp %convert_element_type3A : vector<1280x16xi32> to vector<1280x16xf32>
    %get3A_4 = arith.constant 0 : index
    %get3A_5 = arith.constant 0 : index
    %get3A_6 = vector.load %arg2[%get3A_4, %get3A_5] : memref<16x4xf32, #tpu.memory_space<vmem>>, vector<16x1xf32>
    %get3A_7 = arith.constant 0 : index
    %get3A_8 = arith.constant 0 : index
    %get3A_9 = vector.load %arg7[%get3A_7, %get3A_8] : memref<1x64xf32, #tpu.memory_space<vmem>>, vector<1x64xf32>
    %mul3A = vector.broadcast %get3A_6 : vector<16x1xf32> to vector<16x64xf32>
    %mul3A_10 = vector.broadcast %get3A_9 : vector<1x64xf32> to vector<16x64xf32>
    %mul3A_11 = arith.mulf %mul3A, %mul3A_10 : vector<16x64xf32>
    %get3A_12 = arith.constant 0 : index
    %get3A_13 = arith.constant 0 : index
    %get3A_14 = vector.load %arg3[%get3A_12, %get3A_13] : memref<16x4xf32, #tpu.memory_space<vmem>>, vector<16x4xf32>
    %get3A_15 = arith.constant 0 : index
    %get3A_16 = arith.constant 0 : index
    %get3A_17 = vector.load %arg8[%get3A_15, %get3A_16] : memref<4x64xf32, #tpu.memory_space<vmem>>, vector<4x64xf32>
    %dot_general3A = arith.constant dense<0.000000e+00> : vector<16x64xf32>
    %dot_general3A_18 = tpu.matmul %get3A_14, %get3A_17, %dot_general3A {dimension_numbers = #tpu.dot_dimension_numbers<[1], [0], [0], [1], [0, 0, 1, 1], [], []>, precision = #tpu.contract_precision<fp32>, transpose_lhs_hint = false} : vector<16x4xf32>, vector<4x64xf32>, vector<16x64xf32> -> vector<16x64xf32>
    %add3A = arith.addf %mul3A_11, %dot_general3A_18 : vector<16x64xf32>
    %get3A_19 = arith.constant 0 : index
    %get3A_20 = arith.constant 0 : index
    %get3A_21 = vector.load %arg1[%get3A_19, %get3A_20] : memref<1280x128xf32, #tpu.memory_space<vmem>>, vector<1280x128xf32>
    %get3A_22 = arith.constant 0 : index
    %get3A_23 = arith.constant 0 : index
    %get3A_24 = vector.load %arg6[%get3A_22, %get3A_23] : memref<128x64xf32, #tpu.memory_space<vmem>>, vector<128x64xf32>
    %dot_general3A_25 = arith.constant dense<0.000000e+00> : vector<1280x64xf32>
    %dot_general3A_26 = tpu.matmul %get3A_21, %get3A_24, %dot_general3A_25 {dimension_numbers = #tpu.dot_dimension_numbers<[1], [0], [0], [1], [0, 0, 1, 1], [], []>, precision = #tpu.contract_precision<fp32>, transpose_lhs_hint = false} : vector<1280x128xf32>, vector<128x64xf32>, vector<1280x64xf32> -> vector<1280x64xf32>
    %dot_general3A_27 = arith.constant dense<0.000000e+00> : vector<1280x64xf32>
    %dot_general3A_28 = tpu.matmul %convert_element_type3A_3, %add3A, %dot_general3A_27 {dimension_numbers = #tpu.dot_dimension_numbers<[1], [0], [0], [1], [0, 0, 1, 1], [], []>, precision = #tpu.contract_precision<fp32>, transpose_lhs_hint = false} : vector<1280x16xf32>, vector<16x64xf32>, vector<1280x64xf32> -> vector<1280x64xf32>
    %add3A_29 = arith.addf %dot_general3A_26, %dot_general3A_28 : vector<1280x64xf32>
    %get3A_30 = arith.constant 0 : index
    %get3A_31 = arith.constant 0 : index
    %get3A_32 = vector.load %arg9[%get3A_30, %get3A_31] : memref<1x64xf32, #tpu.memory_space<vmem>>, vector<1x64xf32>
    %add3A_33 = vector.broadcast %get3A_32 : vector<1x64xf32> to vector<1280x64xf32>
    %add3A_34 = arith.addf %add3A_29, %add3A_33 : vector<1280x64xf32>
    %get3A_35 = arith.constant 0 : index
    %get3A_36 = arith.constant 0 : index
    %get3A_37 = arith.constant 0 : index
    %get3A_38 = vector.load %arg5[%get3A_35, %get3A_36, %get3A_37] : memref<2x1280x16xf32, #tpu.memory_space<vmem>>, vector<1x1280x1xf32>
    %get3A_39 = vector.shape_cast %get3A_38 : vector<1x1280x1xf32> to vector<1280x1xf32>
    %get3A_40 = arith.constant 1 : index
    %get3A_41 = arith.constant 0 : index
    %get3A_42 = arith.constant 0 : index
    %get3A_43 = vector.load %arg5[%get3A_40, %get3A_41, %get3A_42] : memref<2x1280x16xf32, #tpu.memory_space<vmem>>, vector<1x1280x1xf32>
    %get3A_44 = vector.shape_cast %get3A_43 : vector<1x1280x1xf32> to vector<1280x1xf32>
    %add3A_45 = arith.addf %get3A_39, %get3A_44 : vector<1280x1xf32>
    %add3A_46 = arith.constant 1.000000e+00 : f32
    %add3A_47 = vector.broadcast %add3A_46 : f32 to vector<1280x1xf32>
    %add3A_48 = arith.addf %add3A_45, %add3A_47 : vector<1280x1xf32>
    %sqrt3A = math.sqrt %add3A_48 : vector<1280x1xf32>
    %div3A = arith.constant 1.000000e+00 : f32
    %div3A_49 = vector.broadcast %div3A : f32 to vector<1280x1xf32>
    %div3A_50 = arith.divf %div3A_49, %sqrt3A : vector<1280x1xf32>
    %swap3A = arith.constant 0 : index
    %swap3A_51 = arith.constant 0 : index
    %swap3A_52 = vector.load %arg12[%swap3A, %swap3A_51] : memref<1280x1xf32, #tpu.memory_space<vmem>>, vector<1280x1xf32>
    tpu.vector_store %arg12[%swap3A, %swap3A_51], %div3A_50 {strides = array<i32>} : memref<1280x1xf32, #tpu.memory_space<vmem>>, vector<1280x1xf32>,
    %get3A_53 = arith.constant 0 : index
    %get3A_54 = arith.constant 0 : index
    %get3A_55 = vector.load %arg10[%get3A_53, %get3A_54] : memref<64x64xf32, #tpu.memory_space<vmem>>, vector<64x64xf32>
    %dot_general3A_56 = arith.constant dense<0.000000e+00> : vector<1280x64xf32>
    %dot_general3A_57 = tpu.matmul %add3A_34, %get3A_55, %dot_general3A_56 {dimension_numbers = #tpu.dot_dimension_numbers<[1], [0], [0], [1], [0, 0, 1, 1], [], []>, precision = #tpu.contract_precision<fp32>, transpose_lhs_hint = false} : vector<1280x64xf32>, vector<64x64xf32>, vector<1280x64xf32> -> vector<1280x64xf32>
    %mul3A_58 = vector.broadcast %div3A_50 : vector<1280x1xf32> to vector<1280x64xf32>
    %mul3A_59 = arith.mulf %mul3A_58, %dot_general3A_57 : vector<1280x64xf32>
    %swap3A_60 = arith.constant 0 : index
    %swap3A_61 = arith.constant 0 : index
    %swap3A_62 = vector.load %arg11[%swap3A_60, %swap3A_61] : memref<1280x64xf32, #tpu.memory_space<vmem>>, vector<1280x64xf32>
    tpu.vector_store %arg11[%swap3A_60, %swap3A_61], %mul3A_59 {strides = array<i32>} : memref<1280x64xf32, #tpu.memory_space<vmem>>, vector<1280x64xf32>,
    return
  }
  func.func @transform_0(%arg0: i32) -> (i32, i32) {
    %c0_i32 = arith.constant 0 : i32
    %c0_i32_0 = arith.constant 0 : i32
    return %arg0, %c0_i32 : i32, i32
  }
  func.func @transform_1(%arg0: i32) -> (i32, i32) {
    %c0_i32 = arith.constant 0 : i32
    %c0_i32_0 = arith.constant 0 : i32
    %c0_i32_1 = arith.constant 0 : i32
    return %c0_i32, %c0_i32_0 : i32, i32
  }
  func.func @transform_2(%arg0: i32) -> (i32, i32) {
    %c0_i32 = arith.constant 0 : i32
    %c0_i32_0 = arith.constant 0 : i32
    %c0_i32_1 = arith.constant 0 : i32
    return %c0_i32, %c0_i32_0 : i32, i32
  }
  func.func @transform_3(%arg0: i32) -> (i32, i32) {
    %c0_i32 = arith.constant 0 : i32
    %c0_i32_0 = arith.constant 0 : i32
    return %arg0, %c0_i32 : i32, i32
  }
  func.func @transform_4(%arg0: i32) -> (i32, i32, i32) {
    %c0_i32 = arith.constant 0 : i32
    %c0_i32_0 = arith.constant 0 : i32
    %c0_i32_1 = arith.constant 0 : i32
    return %c0_i32, %arg0, %c0_i32_0 : i32, i32, i32
  }
  func.func @transform_5(%arg0: i32) -> (i32, i32) {
    %c0_i32 = arith.constant 0 : i32
    %c0_i32_0 = arith.constant 0 : i32
    %c0_i32_1 = arith.constant 0 : i32
    return %c0_i32, %c0_i32_0 : i32, i32
  }
  func.func @transform_6(%arg0: i32) -> (i32, i32) {
    %c0_i32 = arith.constant 0 : i32
    %c0_i32_0 = arith.constant 0 : i32
    %c0_i32_1 = arith.constant 0 : i32
    return %c0_i32, %c0_i32_0 : i32, i32
  }
  func.func @transform_7(%arg0: i32) -> (i32, i32) {
    %c0_i32 = arith.constant 0 : i32
    %c0_i32_0 = arith.constant 0 : i32
    %c0_i32_1 = arith.constant 0 : i32
    return %c0_i32, %c0_i32_0 : i32, i32
  }
  func.func @transform_8(%arg0: i32) -> (i32, i32) {
    %c0_i32 = arith.constant 0 : i32
    %c0_i32_0 = arith.constant 0 : i32
    %c0_i32_1 = arith.constant 0 : i32
    return %c0_i32, %c0_i32_0 : i32, i32
  }
  func.func @transform_9(%arg0: i32) -> (i32, i32) {
    %c0_i32 = arith.constant 0 : i32
    %c0_i32_0 = arith.constant 0 : i32
    %c0_i32_1 = arith.constant 0 : i32
    return %c0_i32, %c0_i32_0 : i32, i32
  }
  func.func @transform_10(%arg0: i32) -> (i32, i32) {
    %c0_i32 = arith.constant 0 : i32
    %c0_i32_0 = arith.constant 0 : i32
    return %arg0, %c0_i32 : i32, i32
  }
  func.func @transform_11(%arg0: i32) -> (i32, i32) {
    %c0_i32 = arith.constant 0 : i32
    %c0_i32_0 = arith.constant 0 : i32
    return %arg0, %c0_i32 : i32, i32
  }
}

module attributes {stable_mosaic.version = 14 : i64} {
  func.func @_tc_layer_body(%arg0: i32, %arg1: memref<2x1280x64xf32, #tpu.memory_space<vmem>>, %arg2: memref<1280x64xf32, #tpu.memory_space<vmem>>, %arg3: memref<1280x1xf32, #tpu.memory_space<vmem>>, %arg4: memref<1280x1xi32, #tpu.memory_space<vmem>>, %arg5: memref<1x64xf32, #tpu.memory_space<vmem>>, %arg6: memref<64x64xf32, #tpu.memory_space<vmem>>, %arg7: memref<16x128xf32, #tpu.memory_space<vmem>>, %arg8: memref<1280x64xf32, #tpu.memory_space<vmem>>, %arg9: memref<16x64xf32, #tpu.memory_space<vmem>>, %arg10: memref<16x1xf32, #tpu.memory_space<vmem>>, %arg11: memref<16x64xf32, #tpu.memory_space<vmem>>) attributes {dimension_semantics = [#tpu.dimension_semantics<arbitrary>], iteration_bounds = array<i64: 8>, scalar_prefetch = 0 : i64, scratch_operands = 3 : i64, tpu.core_type = #tpu.core_type<tc>, window_params = [{transform_indices = @transform_0, window_bounds = array<i64: 2, 1280, 64>}, {transform_indices = @transform_1, window_bounds = array<i64: 1280, 64>}, {transform_indices = @transform_2, window_bounds = array<i64: 1280, 1>}, {transform_indices = @transform_3, window_bounds = array<i64: 1280, 1>}, {pipeline_mode = #tpu.pipeline_mode<synchronous>, transform_indices = @transform_4, window_bounds = array<i64: 1, 64>}, {pipeline_mode = #tpu.pipeline_mode<synchronous>, transform_indices = @transform_5, window_bounds = array<i64: 64, 64>}, {pipeline_mode = #tpu.pipeline_mode<synchronous>, transform_indices = @transform_6, window_bounds = array<i64: 16, 128>}, {transform_indices = @transform_7, window_bounds = array<i64: 1280, 64>}]} {
    %get3A = arith.constant 0 : index
    %get3A_0 = arith.constant 0 : index
    %get3A_1 = vector.load %arg3[%get3A, %get3A_0] : memref<1280x1xf32, #tpu.memory_space<vmem>>, vector<1280x1xf32>
    %get3A_2 = arith.constant 0 : index
    %get3A_3 = arith.constant 0 : index
    %get3A_4 = arith.constant 0 : index
    %get3A_5 = vector.load %arg1[%get3A_2, %get3A_3, %get3A_4] : memref<2x1280x64xf32, #tpu.memory_space<vmem>>, vector<1x1280x64xf32>
    %get3A_6 = vector.shape_cast %get3A_5 : vector<1x1280x64xf32> to vector<1280x64xf32>
    %get3A_7 = arith.constant 1 : index
    %get3A_8 = arith.constant 0 : index
    %get3A_9 = arith.constant 0 : index
    %get3A_10 = vector.load %arg1[%get3A_7, %get3A_8, %get3A_9] : memref<2x1280x64xf32, #tpu.memory_space<vmem>>, vector<1x1280x64xf32>
    %get3A_11 = vector.shape_cast %get3A_10 : vector<1x1280x64xf32> to vector<1280x64xf32>
    %add3A = arith.addf %get3A_6, %get3A_11 : vector<1280x64xf32>
    %get3A_12 = arith.constant 0 : index
    %get3A_13 = arith.constant 0 : index
    %get3A_14 = vector.load %arg2[%get3A_12, %get3A_13] : memref<1280x64xf32, #tpu.memory_space<vmem>>, vector<1280x64xf32>
    %add3A_15 = arith.addf %add3A, %get3A_14 : vector<1280x64xf32>
    %mul3A = vector.broadcast %get3A_1 : vector<1280x1xf32> to vector<1280x64xf32>
    %mul3A_16 = arith.mulf %mul3A, %add3A_15 : vector<1280x64xf32>
    %get3A_17 = arith.constant 0 : index
    %get3A_18 = arith.constant 0 : index
    %get3A_19 = vector.load %arg5[%get3A_17, %get3A_18] : memref<1x64xf32, #tpu.memory_space<vmem>>, vector<1x64xf32>
    %add3A_20 = vector.broadcast %get3A_19 : vector<1x64xf32> to vector<1280x64xf32>
    %add3A_21 = arith.addf %mul3A_16, %add3A_20 : vector<1280x64xf32>
    %max3A = arith.constant 0.000000e+00 : f32
    %max3A_22 = vector.broadcast %max3A : f32 to vector<1280x64xf32>
    %max3A_23 = arith.maximumf %add3A_21, %max3A_22 : vector<1280x64xf32>
    %get3A_24 = arith.constant 0 : index
    %get3A_25 = arith.constant 0 : index
    %get3A_26 = vector.load %arg4[%get3A_24, %get3A_25] : memref<1280x1xi32, #tpu.memory_space<vmem>>, vector<1280x1xi32>
    %iota3A = tpu.iota {dimensions = array<i32: 1>} : vector<1280x16xi32>
    %eq3A = vector.broadcast %get3A_26 : vector<1280x1xi32> to vector<1280x16xi32>
    %eq3A_27 = arith.cmpi eq, %eq3A, %iota3A : vector<1280x16xi32>
    %convert_element_type3A = arith.extui %eq3A_27 : vector<1280x16xi1> to vector<1280x16xi32>
    %convert_element_type3A_28 = arith.sitofp %convert_element_type3A : vector<1280x16xi32> to vector<1280x16xf32>
    %dot_general3A = arith.constant dense<0.000000e+00> : vector<16x64xf32>
    %dot_general3A_29 = tpu.matmul %convert_element_type3A_28, %max3A_23, %dot_general3A {dimension_numbers = #tpu.dot_dimension_numbers<[0], [0], [1], [1], [0, 1, 1, 1], [], []>, precision = #tpu.contract_precision<fp32>, transpose_lhs_hint = false} : vector<1280x16xf32>, vector<1280x64xf32>, vector<16x64xf32> -> vector<16x64xf32>
    %broadcast_in_dim3A = arith.constant 1.000000e+00 : f32
    %broadcast_in_dim3A_30 = vector.broadcast %broadcast_in_dim3A : f32 to vector<1280x1xf32>
    %dot_general3A_31 = arith.constant dense<0.000000e+00> : vector<16x1xf32>
    %dot_general3A_32 = tpu.matmul %convert_element_type3A_28, %broadcast_in_dim3A_30, %dot_general3A_31 {dimension_numbers = #tpu.dot_dimension_numbers<[0], [0], [1], [1], [0, 1, 1, 1], [], []>, precision = #tpu.contract_precision<fp32>, transpose_lhs_hint = false} : vector<1280x16xf32>, vector<1280x1xf32>, vector<16x1xf32> -> vector<16x1xf32>
    %eq3A_33 = arith.constant 0 : i32
    %eq3A_34 = vector.broadcast %eq3A_33 : i32 to vector<1280x1xi32>
    %eq3A_35 = arith.cmpi eq, %get3A_26, %eq3A_34 : vector<1280x1xi32>
    %jit3A = arith.constant 0xFF800000 : f32
    %broadcast_in_dim3A_36 = vector.shape_cast %eq3A_35 : vector<1280x1xi1> to vector<1280x1xi1>
    %broadcast_in_dim3A_37 = vector.broadcast %broadcast_in_dim3A_36 : vector<1280x1xi1> to vector<1280x64xi1>
    %broadcast_in_dim3A_38 = vector.broadcast %jit3A : f32 to vector<1280x64xf32>
    %select_n3A = arith.select %broadcast_in_dim3A_37, %max3A_23, %broadcast_in_dim3A_38 : vector<1280x64xi1>, vector<1280x64xf32>
    %reduce_max3A = arith.constant dense<0xFF800000> : vector<64xf32>
    %reduce_max3A_39 = vector.multi_reduction <maximumf>, %select_n3A, %reduce_max3A [0] : vector<1280x64xf32> to vector<64xf32>
    %broadcast_in_dim3A_40 = vector.shape_cast %reduce_max3A_39 : vector<64xf32> to vector<1x64xf32>
    %eq3A_41 = arith.constant 1 : i32
    %eq3A_42 = vector.broadcast %eq3A_41 : i32 to vector<1280x1xi32>
    %eq3A_43 = arith.cmpi eq, %get3A_26, %eq3A_42 : vector<1280x1xi32>
    %jit3A_44 = arith.constant 0xFF800000 : f32
    %broadcast_in_dim3A_45 = vector.shape_cast %eq3A_43 : vector<1280x1xi1> to vector<1280x1xi1>
    %broadcast_in_dim3A_46 = vector.broadcast %broadcast_in_dim3A_45 : vector<1280x1xi1> to vector<1280x64xi1>
    %broadcast_in_dim3A_47 = vector.broadcast %jit3A_44 : f32 to vector<1280x64xf32>
    %select_n3A_48 = arith.select %broadcast_in_dim3A_46, %max3A_23, %broadcast_in_dim3A_47 : vector<1280x64xi1>, vector<1280x64xf32>
    %reduce_max3A_49 = arith.constant dense<0xFF800000> : vector<64xf32>
    %reduce_max3A_50 = vector.multi_reduction <maximumf>, %select_n3A_48, %reduce_max3A_49 [0] : vector<1280x64xf32> to vector<64xf32>
    %broadcast_in_dim3A_51 = vector.shape_cast %reduce_max3A_50 : vector<64xf32> to vector<1x64xf32>
    %eq3A_52 = arith.constant 2 : i32
    %eq3A_53 = vector.broadcast %eq3A_52 : i32 to vector<1280x1xi32>
    %eq3A_54 = arith.cmpi eq, %get3A_26, %eq3A_53 : vector<1280x1xi32>
    %jit3A_55 = arith.constant 0xFF800000 : f32
    %broadcast_in_dim3A_56 = vector.shape_cast %eq3A_54 : vector<1280x1xi1> to vector<1280x1xi1>
    %broadcast_in_dim3A_57 = vector.broadcast %broadcast_in_dim3A_56 : vector<1280x1xi1> to vector<1280x64xi1>
    %broadcast_in_dim3A_58 = vector.broadcast %jit3A_55 : f32 to vector<1280x64xf32>
    %select_n3A_59 = arith.select %broadcast_in_dim3A_57, %max3A_23, %broadcast_in_dim3A_58 : vector<1280x64xi1>, vector<1280x64xf32>
    %reduce_max3A_60 = arith.constant dense<0xFF800000> : vector<64xf32>
    %reduce_max3A_61 = vector.multi_reduction <maximumf>, %select_n3A_59, %reduce_max3A_60 [0] : vector<1280x64xf32> to vector<64xf32>
    %broadcast_in_dim3A_62 = vector.shape_cast %reduce_max3A_61 : vector<64xf32> to vector<1x64xf32>
    %eq3A_63 = arith.constant 3 : i32
    %eq3A_64 = vector.broadcast %eq3A_63 : i32 to vector<1280x1xi32>
    %eq3A_65 = arith.cmpi eq, %get3A_26, %eq3A_64 : vector<1280x1xi32>
    %jit3A_66 = arith.constant 0xFF800000 : f32
    %broadcast_in_dim3A_67 = vector.shape_cast %eq3A_65 : vector<1280x1xi1> to vector<1280x1xi1>
    %broadcast_in_dim3A_68 = vector.broadcast %broadcast_in_dim3A_67 : vector<1280x1xi1> to vector<1280x64xi1>
    %broadcast_in_dim3A_69 = vector.broadcast %jit3A_66 : f32 to vector<1280x64xf32>
    %select_n3A_70 = arith.select %broadcast_in_dim3A_68, %max3A_23, %broadcast_in_dim3A_69 : vector<1280x64xi1>, vector<1280x64xf32>
    %reduce_max3A_71 = arith.constant dense<0xFF800000> : vector<64xf32>
    %reduce_max3A_72 = vector.multi_reduction <maximumf>, %select_n3A_70, %reduce_max3A_71 [0] : vector<1280x64xf32> to vector<64xf32>
    %broadcast_in_dim3A_73 = vector.shape_cast %reduce_max3A_72 : vector<64xf32> to vector<1x64xf32>
    %eq3A_74 = arith.constant 4 : i32
    %eq3A_75 = vector.broadcast %eq3A_74 : i32 to vector<1280x1xi32>
    %eq3A_76 = arith.cmpi eq, %get3A_26, %eq3A_75 : vector<1280x1xi32>
    %jit3A_77 = arith.constant 0xFF800000 : f32
    %broadcast_in_dim3A_78 = vector.shape_cast %eq3A_76 : vector<1280x1xi1> to vector<1280x1xi1>
    %broadcast_in_dim3A_79 = vector.broadcast %broadcast_in_dim3A_78 : vector<1280x1xi1> to vector<1280x64xi1>
    %broadcast_in_dim3A_80 = vector.broadcast %jit3A_77 : f32 to vector<1280x64xf32>
    %select_n3A_81 = arith.select %broadcast_in_dim3A_79, %max3A_23, %broadcast_in_dim3A_80 : vector<1280x64xi1>, vector<1280x64xf32>
    %reduce_max3A_82 = arith.constant dense<0xFF800000> : vector<64xf32>
    %reduce_max3A_83 = vector.multi_reduction <maximumf>, %select_n3A_81, %reduce_max3A_82 [0] : vector<1280x64xf32> to vector<64xf32>
    %broadcast_in_dim3A_84 = vector.shape_cast %reduce_max3A_83 : vector<64xf32> to vector<1x64xf32>
    %eq3A_85 = arith.constant 5 : i32
    %eq3A_86 = vector.broadcast %eq3A_85 : i32 to vector<1280x1xi32>
    %eq3A_87 = arith.cmpi eq, %get3A_26, %eq3A_86 : vector<1280x1xi32>
    %jit3A_88 = arith.constant 0xFF800000 : f32
    %broadcast_in_dim3A_89 = vector.shape_cast %eq3A_87 : vector<1280x1xi1> to vector<1280x1xi1>
    %broadcast_in_dim3A_90 = vector.broadcast %broadcast_in_dim3A_89 : vector<1280x1xi1> to vector<1280x64xi1>
    %broadcast_in_dim3A_91 = vector.broadcast %jit3A_88 : f32 to vector<1280x64xf32>
    %select_n3A_92 = arith.select %broadcast_in_dim3A_90, %max3A_23, %broadcast_in_dim3A_91 : vector<1280x64xi1>, vector<1280x64xf32>
    %reduce_max3A_93 = arith.constant dense<0xFF800000> : vector<64xf32>
    %reduce_max3A_94 = vector.multi_reduction <maximumf>, %select_n3A_92, %reduce_max3A_93 [0] : vector<1280x64xf32> to vector<64xf32>
    %broadcast_in_dim3A_95 = vector.shape_cast %reduce_max3A_94 : vector<64xf32> to vector<1x64xf32>
    %eq3A_96 = arith.constant 6 : i32
    %eq3A_97 = vector.broadcast %eq3A_96 : i32 to vector<1280x1xi32>
    %eq3A_98 = arith.cmpi eq, %get3A_26, %eq3A_97 : vector<1280x1xi32>
    %jit3A_99 = arith.constant 0xFF800000 : f32
    %broadcast_in_dim3A_100 = vector.shape_cast %eq3A_98 : vector<1280x1xi1> to vector<1280x1xi1>
    %broadcast_in_dim3A_101 = vector.broadcast %broadcast_in_dim3A_100 : vector<1280x1xi1> to vector<1280x64xi1>
    %broadcast_in_dim3A_102 = vector.broadcast %jit3A_99 : f32 to vector<1280x64xf32>
    %select_n3A_103 = arith.select %broadcast_in_dim3A_101, %max3A_23, %broadcast_in_dim3A_102 : vector<1280x64xi1>, vector<1280x64xf32>
    %reduce_max3A_104 = arith.constant dense<0xFF800000> : vector<64xf32>
    %reduce_max3A_105 = vector.multi_reduction <maximumf>, %select_n3A_103, %reduce_max3A_104 [0] : vector<1280x64xf32> to vector<64xf32>
    %broadcast_in_dim3A_106 = vector.shape_cast %reduce_max3A_105 : vector<64xf32> to vector<1x64xf32>
    %eq3A_107 = arith.constant 7 : i32
    %eq3A_108 = vector.broadcast %eq3A_107 : i32 to vector<1280x1xi32>
    %eq3A_109 = arith.cmpi eq, %get3A_26, %eq3A_108 : vector<1280x1xi32>
    %jit3A_110 = arith.constant 0xFF800000 : f32
    %broadcast_in_dim3A_111 = vector.shape_cast %eq3A_109 : vector<1280x1xi1> to vector<1280x1xi1>
    %broadcast_in_dim3A_112 = vector.broadcast %broadcast_in_dim3A_111 : vector<1280x1xi1> to vector<1280x64xi1>
    %broadcast_in_dim3A_113 = vector.broadcast %jit3A_110 : f32 to vector<1280x64xf32>
    %select_n3A_114 = arith.select %broadcast_in_dim3A_112, %max3A_23, %broadcast_in_dim3A_113 : vector<1280x64xi1>, vector<1280x64xf32>
    %reduce_max3A_115 = arith.constant dense<0xFF800000> : vector<64xf32>
    %reduce_max3A_116 = vector.multi_reduction <maximumf>, %select_n3A_114, %reduce_max3A_115 [0] : vector<1280x64xf32> to vector<64xf32>
    %broadcast_in_dim3A_117 = vector.shape_cast %reduce_max3A_116 : vector<64xf32> to vector<1x64xf32>
    %eq3A_118 = arith.constant 8 : i32
    %eq3A_119 = vector.broadcast %eq3A_118 : i32 to vector<1280x1xi32>
    %eq3A_120 = arith.cmpi eq, %get3A_26, %eq3A_119 : vector<1280x1xi32>
    %jit3A_121 = arith.constant 0xFF800000 : f32
    %broadcast_in_dim3A_122 = vector.shape_cast %eq3A_120 : vector<1280x1xi1> to vector<1280x1xi1>
    %broadcast_in_dim3A_123 = vector.broadcast %broadcast_in_dim3A_122 : vector<1280x1xi1> to vector<1280x64xi1>
    %broadcast_in_dim3A_124 = vector.broadcast %jit3A_121 : f32 to vector<1280x64xf32>
    %select_n3A_125 = arith.select %broadcast_in_dim3A_123, %max3A_23, %broadcast_in_dim3A_124 : vector<1280x64xi1>, vector<1280x64xf32>
    %reduce_max3A_126 = arith.constant dense<0xFF800000> : vector<64xf32>
    %reduce_max3A_127 = vector.multi_reduction <maximumf>, %select_n3A_125, %reduce_max3A_126 [0] : vector<1280x64xf32> to vector<64xf32>
    %broadcast_in_dim3A_128 = vector.shape_cast %reduce_max3A_127 : vector<64xf32> to vector<1x64xf32>
    %eq3A_129 = arith.constant 9 : i32
    %eq3A_130 = vector.broadcast %eq3A_129 : i32 to vector<1280x1xi32>
    %eq3A_131 = arith.cmpi eq, %get3A_26, %eq3A_130 : vector<1280x1xi32>
    %jit3A_132 = arith.constant 0xFF800000 : f32
    %broadcast_in_dim3A_133 = vector.shape_cast %eq3A_131 : vector<1280x1xi1> to vector<1280x1xi1>
    %broadcast_in_dim3A_134 = vector.broadcast %broadcast_in_dim3A_133 : vector<1280x1xi1> to vector<1280x64xi1>
    %broadcast_in_dim3A_135 = vector.broadcast %jit3A_132 : f32 to vector<1280x64xf32>
    %select_n3A_136 = arith.select %broadcast_in_dim3A_134, %max3A_23, %broadcast_in_dim3A_135 : vector<1280x64xi1>, vector<1280x64xf32>
    %reduce_max3A_137 = arith.constant dense<0xFF800000> : vector<64xf32>
    %reduce_max3A_138 = vector.multi_reduction <maximumf>, %select_n3A_136, %reduce_max3A_137 [0] : vector<1280x64xf32> to vector<64xf32>
    %broadcast_in_dim3A_139 = vector.shape_cast %reduce_max3A_138 : vector<64xf32> to vector<1x64xf32>
    %eq3A_140 = arith.constant 10 : i32
    %eq3A_141 = vector.broadcast %eq3A_140 : i32 to vector<1280x1xi32>
    %eq3A_142 = arith.cmpi eq, %get3A_26, %eq3A_141 : vector<1280x1xi32>
    %jit3A_143 = arith.constant 0xFF800000 : f32
    %broadcast_in_dim3A_144 = vector.shape_cast %eq3A_142 : vector<1280x1xi1> to vector<1280x1xi1>
    %broadcast_in_dim3A_145 = vector.broadcast %broadcast_in_dim3A_144 : vector<1280x1xi1> to vector<1280x64xi1>
    %broadcast_in_dim3A_146 = vector.broadcast %jit3A_143 : f32 to vector<1280x64xf32>
    %select_n3A_147 = arith.select %broadcast_in_dim3A_145, %max3A_23, %broadcast_in_dim3A_146 : vector<1280x64xi1>, vector<1280x64xf32>
    %reduce_max3A_148 = arith.constant dense<0xFF800000> : vector<64xf32>
    %reduce_max3A_149 = vector.multi_reduction <maximumf>, %select_n3A_147, %reduce_max3A_148 [0] : vector<1280x64xf32> to vector<64xf32>
    %broadcast_in_dim3A_150 = vector.shape_cast %reduce_max3A_149 : vector<64xf32> to vector<1x64xf32>
    %eq3A_151 = arith.constant 11 : i32
    %eq3A_152 = vector.broadcast %eq3A_151 : i32 to vector<1280x1xi32>
    %eq3A_153 = arith.cmpi eq, %get3A_26, %eq3A_152 : vector<1280x1xi32>
    %jit3A_154 = arith.constant 0xFF800000 : f32
    %broadcast_in_dim3A_155 = vector.shape_cast %eq3A_153 : vector<1280x1xi1> to vector<1280x1xi1>
    %broadcast_in_dim3A_156 = vector.broadcast %broadcast_in_dim3A_155 : vector<1280x1xi1> to vector<1280x64xi1>
    %broadcast_in_dim3A_157 = vector.broadcast %jit3A_154 : f32 to vector<1280x64xf32>
    %select_n3A_158 = arith.select %broadcast_in_dim3A_156, %max3A_23, %broadcast_in_dim3A_157 : vector<1280x64xi1>, vector<1280x64xf32>
    %reduce_max3A_159 = arith.constant dense<0xFF800000> : vector<64xf32>
    %reduce_max3A_160 = vector.multi_reduction <maximumf>, %select_n3A_158, %reduce_max3A_159 [0] : vector<1280x64xf32> to vector<64xf32>
    %broadcast_in_dim3A_161 = vector.shape_cast %reduce_max3A_160 : vector<64xf32> to vector<1x64xf32>
    %eq3A_162 = arith.constant 12 : i32
    %eq3A_163 = vector.broadcast %eq3A_162 : i32 to vector<1280x1xi32>
    %eq3A_164 = arith.cmpi eq, %get3A_26, %eq3A_163 : vector<1280x1xi32>
    %jit3A_165 = arith.constant 0xFF800000 : f32
    %broadcast_in_dim3A_166 = vector.shape_cast %eq3A_164 : vector<1280x1xi1> to vector<1280x1xi1>
    %broadcast_in_dim3A_167 = vector.broadcast %broadcast_in_dim3A_166 : vector<1280x1xi1> to vector<1280x64xi1>
    %broadcast_in_dim3A_168 = vector.broadcast %jit3A_165 : f32 to vector<1280x64xf32>
    %select_n3A_169 = arith.select %broadcast_in_dim3A_167, %max3A_23, %broadcast_in_dim3A_168 : vector<1280x64xi1>, vector<1280x64xf32>
    %reduce_max3A_170 = arith.constant dense<0xFF800000> : vector<64xf32>
    %reduce_max3A_171 = vector.multi_reduction <maximumf>, %select_n3A_169, %reduce_max3A_170 [0] : vector<1280x64xf32> to vector<64xf32>
    %broadcast_in_dim3A_172 = vector.shape_cast %reduce_max3A_171 : vector<64xf32> to vector<1x64xf32>
    %eq3A_173 = arith.constant 13 : i32
    %eq3A_174 = vector.broadcast %eq3A_173 : i32 to vector<1280x1xi32>
    %eq3A_175 = arith.cmpi eq, %get3A_26, %eq3A_174 : vector<1280x1xi32>
    %jit3A_176 = arith.constant 0xFF800000 : f32
    %broadcast_in_dim3A_177 = vector.shape_cast %eq3A_175 : vector<1280x1xi1> to vector<1280x1xi1>
    %broadcast_in_dim3A_178 = vector.broadcast %broadcast_in_dim3A_177 : vector<1280x1xi1> to vector<1280x64xi1>
    %broadcast_in_dim3A_179 = vector.broadcast %jit3A_176 : f32 to vector<1280x64xf32>
    %select_n3A_180 = arith.select %broadcast_in_dim3A_178, %max3A_23, %broadcast_in_dim3A_179 : vector<1280x64xi1>, vector<1280x64xf32>
    %reduce_max3A_181 = arith.constant dense<0xFF800000> : vector<64xf32>
    %reduce_max3A_182 = vector.multi_reduction <maximumf>, %select_n3A_180, %reduce_max3A_181 [0] : vector<1280x64xf32> to vector<64xf32>
    %broadcast_in_dim3A_183 = vector.shape_cast %reduce_max3A_182 : vector<64xf32> to vector<1x64xf32>
    %eq3A_184 = arith.constant 14 : i32
    %eq3A_185 = vector.broadcast %eq3A_184 : i32 to vector<1280x1xi32>
    %eq3A_186 = arith.cmpi eq, %get3A_26, %eq3A_185 : vector<1280x1xi32>
    %jit3A_187 = arith.constant 0xFF800000 : f32
    %broadcast_in_dim3A_188 = vector.shape_cast %eq3A_186 : vector<1280x1xi1> to vector<1280x1xi1>
    %broadcast_in_dim3A_189 = vector.broadcast %broadcast_in_dim3A_188 : vector<1280x1xi1> to vector<1280x64xi1>
    %broadcast_in_dim3A_190 = vector.broadcast %jit3A_187 : f32 to vector<1280x64xf32>
    %select_n3A_191 = arith.select %broadcast_in_dim3A_189, %max3A_23, %broadcast_in_dim3A_190 : vector<1280x64xi1>, vector<1280x64xf32>
    %reduce_max3A_192 = arith.constant dense<0xFF800000> : vector<64xf32>
    %reduce_max3A_193 = vector.multi_reduction <maximumf>, %select_n3A_191, %reduce_max3A_192 [0] : vector<1280x64xf32> to vector<64xf32>
    %broadcast_in_dim3A_194 = vector.shape_cast %reduce_max3A_193 : vector<64xf32> to vector<1x64xf32>
    %eq3A_195 = arith.constant 15 : i32
    %eq3A_196 = vector.broadcast %eq3A_195 : i32 to vector<1280x1xi32>
    %eq3A_197 = arith.cmpi eq, %get3A_26, %eq3A_196 : vector<1280x1xi32>
    %jit3A_198 = arith.constant 0xFF800000 : f32
    %broadcast_in_dim3A_199 = vector.shape_cast %eq3A_197 : vector<1280x1xi1> to vector<1280x1xi1>
    %broadcast_in_dim3A_200 = vector.broadcast %broadcast_in_dim3A_199 : vector<1280x1xi1> to vector<1280x64xi1>
    %broadcast_in_dim3A_201 = vector.broadcast %jit3A_198 : f32 to vector<1280x64xf32>
    %select_n3A_202 = arith.select %broadcast_in_dim3A_200, %max3A_23, %broadcast_in_dim3A_201 : vector<1280x64xi1>, vector<1280x64xf32>
    %reduce_max3A_203 = arith.constant dense<0xFF800000> : vector<64xf32>
    %reduce_max3A_204 = vector.multi_reduction <maximumf>, %select_n3A_202, %reduce_max3A_203 [0] : vector<1280x64xf32> to vector<64xf32>
    %broadcast_in_dim3A_205 = vector.shape_cast %reduce_max3A_204 : vector<64xf32> to vector<1x64xf32>
    %concatenate3A = tpu.concatenate %broadcast_in_dim3A_40, %broadcast_in_dim3A_51, %broadcast_in_dim3A_62, %broadcast_in_dim3A_73, %broadcast_in_dim3A_84, %broadcast_in_dim3A_95, %broadcast_in_dim3A_106, %broadcast_in_dim3A_117, %broadcast_in_dim3A_128, %broadcast_in_dim3A_139, %broadcast_in_dim3A_150, %broadcast_in_dim3A_161, %broadcast_in_dim3A_172, %broadcast_in_dim3A_183, %broadcast_in_dim3A_194, %broadcast_in_dim3A_205 in 0 : vector<1x64xf32>, vector<1x64xf32>, vector<1x64xf32>, vector<1x64xf32>, vector<1x64xf32>, vector<1x64xf32>, vector<1x64xf32>, vector<1x64xf32>, vector<1x64xf32>, vector<1x64xf32>, vector<1x64xf32>, vector<1x64xf32>, vector<1x64xf32>, vector<1x64xf32>, vector<1x64xf32>, vector<1x64xf32> -> vector<16x64xf32>
    %eq3A_206 = arith.constant 0 : i32
    %eq3A_207 = arith.cmpi eq, %arg0, %eq3A_206 : i32
    %convert_element_type3A_208 = arith.extui %eq3A_207 : i1 to i32
    %cond3A = arith.constant 0 : i32
    %cond3A_209 = arith.cmpi ne, %convert_element_type3A_208, %cond3A : i32
    scf.if %cond3A_209 {
      %swap3A_231 = arith.constant 0 : index
      %swap3A_232 = arith.constant 0 : index
      %swap3A_233 = vector.load %arg9[%swap3A_231, %swap3A_232] : memref<16x64xf32, #tpu.memory_space<vmem>>, vector<16x64xf32>
      tpu.vector_store %arg9[%swap3A_231, %swap3A_232], %dot_general3A_29 {strides = array<i32>} : memref<16x64xf32, #tpu.memory_space<vmem>>, vector<16x64xf32>,
      %swap3A_234 = arith.constant 0 : index
      %swap3A_235 = arith.constant 0 : index
      %swap3A_236 = vector.load %arg10[%swap3A_234, %swap3A_235] : memref<16x1xf32, #tpu.memory_space<vmem>>, vector<16x1xf32>
      tpu.vector_store %arg10[%swap3A_234, %swap3A_235], %dot_general3A_32 {strides = array<i32>} : memref<16x1xf32, #tpu.memory_space<vmem>>, vector<16x1xf32>,
      %swap3A_237 = arith.constant 0 : index
      %swap3A_238 = arith.constant 0 : index
      %swap3A_239 = vector.load %arg11[%swap3A_237, %swap3A_238] : memref<16x64xf32, #tpu.memory_space<vmem>>, vector<16x64xf32>
      tpu.vector_store %arg11[%swap3A_237, %swap3A_238], %concatenate3A {strides = array<i32>} : memref<16x64xf32, #tpu.memory_space<vmem>>, vector<16x64xf32>,
    } else {
    }
    %gt3A = arith.constant 0 : i32
    %gt3A_210 = arith.cmpi sgt, %arg0, %gt3A : i32
    %convert_element_type3A_211 = arith.extui %gt3A_210 : i1 to i32
    %cond3A_212 = arith.constant 0 : i32
    %cond3A_213 = arith.cmpi ne, %convert_element_type3A_211, %cond3A_212 : i32
    scf.if %cond3A_213 {
      %get3A_231 = arith.constant 0 : index
      %get3A_232 = arith.constant 0 : index
      %get3A_233 = vector.load %arg9[%get3A_231, %get3A_232] : memref<16x64xf32, #tpu.memory_space<vmem>>, vector<16x64xf32>
      %add3A_234 = arith.addf %get3A_233, %dot_general3A_29 : vector<16x64xf32>
      %swap3A_235 = arith.constant 0 : index
      %swap3A_236 = arith.constant 0 : index
      %swap3A_237 = vector.load %arg9[%swap3A_235, %swap3A_236] : memref<16x64xf32, #tpu.memory_space<vmem>>, vector<16x64xf32>
      tpu.vector_store %arg9[%swap3A_235, %swap3A_236], %add3A_234 {strides = array<i32>} : memref<16x64xf32, #tpu.memory_space<vmem>>, vector<16x64xf32>,
      %get3A_238 = arith.constant 0 : index
      %get3A_239 = arith.constant 0 : index
      %get3A_240 = vector.load %arg10[%get3A_238, %get3A_239] : memref<16x1xf32, #tpu.memory_space<vmem>>, vector<16x1xf32>
      %add3A_241 = arith.addf %get3A_240, %dot_general3A_32 : vector<16x1xf32>
      %swap3A_242 = arith.constant 0 : index
      %swap3A_243 = arith.constant 0 : index
      %swap3A_244 = vector.load %arg10[%swap3A_242, %swap3A_243] : memref<16x1xf32, #tpu.memory_space<vmem>>, vector<16x1xf32>
      tpu.vector_store %arg10[%swap3A_242, %swap3A_243], %add3A_241 {strides = array<i32>} : memref<16x1xf32, #tpu.memory_space<vmem>>, vector<16x1xf32>,
      %get3A_245 = arith.constant 0 : index
      %get3A_246 = arith.constant 0 : index
      %get3A_247 = vector.load %arg11[%get3A_245, %get3A_246] : memref<16x64xf32, #tpu.memory_space<vmem>>, vector<16x64xf32>
      %max3A_248 = arith.maximumf %get3A_247, %concatenate3A : vector<16x64xf32>
      %swap3A_249 = arith.constant 0 : index
      %swap3A_250 = arith.constant 0 : index
      %swap3A_251 = vector.load %arg11[%swap3A_249, %swap3A_250] : memref<16x64xf32, #tpu.memory_space<vmem>>, vector<16x64xf32>
      tpu.vector_store %arg11[%swap3A_249, %swap3A_250], %max3A_248 {strides = array<i32>} : memref<16x64xf32, #tpu.memory_space<vmem>>, vector<16x64xf32>,
    } else {
    }
    %get3A_214 = arith.constant 0 : index
    %get3A_215 = arith.constant 0 : index
    %get3A_216 = vector.load %arg3[%get3A_214, %get3A_215] : memref<1280x1xf32, #tpu.memory_space<vmem>>, vector<1280x1xf32>
    %get3A_217 = arith.constant 0 : index
    %get3A_218 = arith.constant 0 : index
    %get3A_219 = vector.load %arg6[%get3A_217, %get3A_218] : memref<64x64xf32, #tpu.memory_space<vmem>>, vector<64x64xf32>
    %dot_general3A_220 = arith.constant dense<0.000000e+00> : vector<1280x64xf32>
    %dot_general3A_221 = tpu.matmul %max3A_23, %get3A_219, %dot_general3A_220 {dimension_numbers = #tpu.dot_dimension_numbers<[1], [0], [0], [1], [0, 0, 1, 1], [], []>, precision = #tpu.contract_precision<fp32>, transpose_lhs_hint = false} : vector<1280x64xf32>, vector<64x64xf32>, vector<1280x64xf32> -> vector<1280x64xf32>
    %mul3A_222 = vector.broadcast %get3A_216 : vector<1280x1xf32> to vector<1280x64xf32>
    %mul3A_223 = arith.mulf %mul3A_222, %dot_general3A_221 : vector<1280x64xf32>
    %swap3A = arith.constant 0 : index
    %swap3A_224 = arith.constant 0 : index
    %swap3A_225 = vector.load %arg8[%swap3A, %swap3A_224] : memref<1280x64xf32, #tpu.memory_space<vmem>>, vector<1280x64xf32>
    tpu.vector_store %arg8[%swap3A, %swap3A_224], %mul3A_223 {strides = array<i32>} : memref<1280x64xf32, #tpu.memory_space<vmem>>, vector<1280x64xf32>,
    %eq3A_226 = arith.constant 7 : i32
    %eq3A_227 = arith.cmpi eq, %arg0, %eq3A_226 : i32
    %convert_element_type3A_228 = arith.extui %eq3A_227 : i1 to i32
    %cond3A_229 = arith.constant 0 : i32
    %cond3A_230 = arith.cmpi ne, %convert_element_type3A_228, %cond3A_229 : i32
    scf.if %cond3A_230 {
      %get3A_231 = arith.constant 0 : index
      %get3A_232 = arith.constant 0 : index
      %get3A_233 = vector.load %arg9[%get3A_231, %get3A_232] : memref<16x64xf32, #tpu.memory_space<vmem>>, vector<16x64xf32>
      %get3A_234 = arith.constant 0 : index
      %get3A_235 = arith.constant 0 : index
      %get3A_236 = vector.load %arg10[%get3A_234, %get3A_235] : memref<16x1xf32, #tpu.memory_space<vmem>>, vector<16x1xf32>
      %max3A_237 = arith.constant 1.000000e+00 : f32
      %max3A_238 = vector.broadcast %max3A_237 : f32 to vector<16x1xf32>
      %max3A_239 = arith.maximumf %get3A_236, %max3A_238 : vector<16x1xf32>
      %div3A = vector.broadcast %max3A_239 : vector<16x1xf32> to vector<16x64xf32>
      %div3A_240 = arith.divf %get3A_233, %div3A : vector<16x64xf32>
      %get3A_241 = arith.constant 0 : index
      %get3A_242 = arith.constant 0 : index
      %get3A_243 = vector.load %arg11[%get3A_241, %get3A_242] : memref<16x64xf32, #tpu.memory_space<vmem>>, vector<16x64xf32>
      %concatenate3A_244 = tpu.concatenate %div3A_240, %get3A_243 in 1 : vector<16x64xf32>, vector<16x64xf32> -> vector<16x128xf32>
      %swap3A_245 = arith.constant 0 : index
      %swap3A_246 = arith.constant 0 : index
      %swap3A_247 = vector.load %arg7[%swap3A_245, %swap3A_246] : memref<16x128xf32, #tpu.memory_space<vmem>>, vector<16x128xf32>
      tpu.vector_store %arg7[%swap3A_245, %swap3A_246], %concatenate3A_244 {strides = array<i32>} : memref<16x128xf32, #tpu.memory_space<vmem>>, vector<16x128xf32>,
    } else {
    }
    return
  }
  func.func @transform_0(%arg0: i32) -> (i32, i32, i32) {
    %c0_i32 = arith.constant 0 : i32
    %c0_i32_0 = arith.constant 0 : i32
    %c0_i32_1 = arith.constant 0 : i32
    return %c0_i32, %arg0, %c0_i32_0 : i32, i32, i32
  }
  func.func @transform_1(%arg0: i32) -> (i32, i32) {
    %c0_i32 = arith.constant 0 : i32
    %c0_i32_0 = arith.constant 0 : i32
    return %arg0, %c0_i32 : i32, i32
  }
  func.func @transform_2(%arg0: i32) -> (i32, i32) {
    %c0_i32 = arith.constant 0 : i32
    %c0_i32_0 = arith.constant 0 : i32
    return %arg0, %c0_i32 : i32, i32
  }
  func.func @transform_3(%arg0: i32) -> (i32, i32) {
    %c0_i32 = arith.constant 0 : i32
    %c0_i32_0 = arith.constant 0 : i32
    return %arg0, %c0_i32 : i32, i32
  }
  func.func @transform_4(%arg0: i32) -> (i32, i32) {
    %c0_i32 = arith.constant 0 : i32
    %c0_i32_0 = arith.constant 0 : i32
    %c0_i32_1 = arith.constant 0 : i32
    return %c0_i32, %c0_i32_0 : i32, i32
  }
  func.func @transform_5(%arg0: i32) -> (i32, i32) {
    %c0_i32 = arith.constant 0 : i32
    %c0_i32_0 = arith.constant 0 : i32
    %c0_i32_1 = arith.constant 0 : i32
    return %c0_i32, %c0_i32_0 : i32, i32
  }
  func.func @transform_6(%arg0: i32) -> (i32, i32) {
    %c0_i32 = arith.constant 0 : i32
    %c0_i32_0 = arith.constant 0 : i32
    %c0_i32_1 = arith.constant 0 : i32
    return %c0_i32, %c0_i32_0 : i32, i32
  }
  func.func @transform_7(%arg0: i32) -> (i32, i32) {
    %c0_i32 = arith.constant 0 : i32
    %c0_i32_0 = arith.constant 0 : i32
    return %arg0, %c0_i32 : i32, i32
  }
}

module attributes {stable_mosaic.version = 14 : i64} {
  func.func @_tc_head_body(%arg0: i32, %arg1: memref<2x1280x64xf32, #tpu.memory_space<vmem>>, %arg2: memref<1280x64xf32, #tpu.memory_space<vmem>>, %arg3: memref<1280x1xf32, #tpu.memory_space<vmem>>, %arg4: memref<1280x1xi32, #tpu.memory_space<vmem>>, %arg5: memref<1x64xf32, #tpu.memory_space<vmem>>, %arg6: memref<16x128xf32, #tpu.memory_space<vmem>>, %arg7: memref<16x128xf32, #tpu.memory_space<vmem>>, %arg8: memref<128x64xf32, #tpu.memory_space<vmem>>, %arg9: memref<1x64xf32, #tpu.memory_space<vmem>>, %arg10: memref<64x1xf32, #tpu.memory_space<vmem>>, %arg11: memref<1x1xf32, #tpu.memory_space<vmem>>, %arg12: memref<16x1xf32, #tpu.memory_space<vmem>>, %arg13: memref<16x64xf32, #tpu.memory_space<vmem>>, %arg14: memref<16x1xf32, #tpu.memory_space<vmem>>, %arg15: memref<16x64xf32, #tpu.memory_space<vmem>>) attributes {dimension_semantics = [#tpu.dimension_semantics<arbitrary>], iteration_bounds = array<i64: 8>, scalar_prefetch = 0 : i64, scratch_operands = 3 : i64, tpu.core_type = #tpu.core_type<tc>, window_params = [{transform_indices = @transform_0, window_bounds = array<i64: 2, 1280, 64>}, {transform_indices = @transform_1, window_bounds = array<i64: 1280, 64>}, {transform_indices = @transform_2, window_bounds = array<i64: 1280, 1>}, {transform_indices = @transform_3, window_bounds = array<i64: 1280, 1>}, {pipeline_mode = #tpu.pipeline_mode<synchronous>, transform_indices = @transform_4, window_bounds = array<i64: 1, 64>}, {pipeline_mode = #tpu.pipeline_mode<synchronous>, transform_indices = @transform_5, window_bounds = array<i64: 16, 128>}, {pipeline_mode = #tpu.pipeline_mode<synchronous>, transform_indices = @transform_6, window_bounds = array<i64: 16, 128>}, {pipeline_mode = #tpu.pipeline_mode<synchronous>, transform_indices = @transform_7, window_bounds = array<i64: 128, 64>}, {pipeline_mode = #tpu.pipeline_mode<synchronous>, transform_indices = @transform_8, window_bounds = array<i64: 1, 64>}, {pipeline_mode = #tpu.pipeline_mode<synchronous>, transform_indices = @transform_9, window_bounds = array<i64: 64, 1>}, {pipeline_mode = #tpu.pipeline_mode<synchronous>, transform_indices = @transform_10, window_bounds = array<i64: 1, 1>}, {pipeline_mode = #tpu.pipeline_mode<synchronous>, transform_indices = @transform_11, window_bounds = array<i64: 16, 1>}]} {
    %get3A = arith.constant 0 : index
    %get3A_0 = arith.constant 0 : index
    %get3A_1 = vector.load %arg3[%get3A, %get3A_0] : memref<1280x1xf32, #tpu.memory_space<vmem>>, vector<1280x1xf32>
    %get3A_2 = arith.constant 0 : index
    %get3A_3 = arith.constant 0 : index
    %get3A_4 = arith.constant 0 : index
    %get3A_5 = vector.load %arg1[%get3A_2, %get3A_3, %get3A_4] : memref<2x1280x64xf32, #tpu.memory_space<vmem>>, vector<1x1280x64xf32>
    %get3A_6 = vector.shape_cast %get3A_5 : vector<1x1280x64xf32> to vector<1280x64xf32>
    %get3A_7 = arith.constant 1 : index
    %get3A_8 = arith.constant 0 : index
    %get3A_9 = arith.constant 0 : index
    %get3A_10 = vector.load %arg1[%get3A_7, %get3A_8, %get3A_9] : memref<2x1280x64xf32, #tpu.memory_space<vmem>>, vector<1x1280x64xf32>
    %get3A_11 = vector.shape_cast %get3A_10 : vector<1x1280x64xf32> to vector<1280x64xf32>
    %add3A = arith.addf %get3A_6, %get3A_11 : vector<1280x64xf32>
    %get3A_12 = arith.constant 0 : index
    %get3A_13 = arith.constant 0 : index
    %get3A_14 = vector.load %arg2[%get3A_12, %get3A_13] : memref<1280x64xf32, #tpu.memory_space<vmem>>, vector<1280x64xf32>
    %add3A_15 = arith.addf %add3A, %get3A_14 : vector<1280x64xf32>
    %mul3A = vector.broadcast %get3A_1 : vector<1280x1xf32> to vector<1280x64xf32>
    %mul3A_16 = arith.mulf %mul3A, %add3A_15 : vector<1280x64xf32>
    %get3A_17 = arith.constant 0 : index
    %get3A_18 = arith.constant 0 : index
    %get3A_19 = vector.load %arg5[%get3A_17, %get3A_18] : memref<1x64xf32, #tpu.memory_space<vmem>>, vector<1x64xf32>
    %add3A_20 = vector.broadcast %get3A_19 : vector<1x64xf32> to vector<1280x64xf32>
    %add3A_21 = arith.addf %mul3A_16, %add3A_20 : vector<1280x64xf32>
    %max3A = arith.constant 0.000000e+00 : f32
    %max3A_22 = vector.broadcast %max3A : f32 to vector<1280x64xf32>
    %max3A_23 = arith.maximumf %add3A_21, %max3A_22 : vector<1280x64xf32>
    %get3A_24 = arith.constant 0 : index
    %get3A_25 = arith.constant 0 : index
    %get3A_26 = vector.load %arg4[%get3A_24, %get3A_25] : memref<1280x1xi32, #tpu.memory_space<vmem>>, vector<1280x1xi32>
    %iota3A = tpu.iota {dimensions = array<i32: 1>} : vector<1280x16xi32>
    %eq3A = vector.broadcast %get3A_26 : vector<1280x1xi32> to vector<1280x16xi32>
    %eq3A_27 = arith.cmpi eq, %eq3A, %iota3A : vector<1280x16xi32>
    %convert_element_type3A = arith.extui %eq3A_27 : vector<1280x16xi1> to vector<1280x16xi32>
    %convert_element_type3A_28 = arith.sitofp %convert_element_type3A : vector<1280x16xi32> to vector<1280x16xf32>
    %dot_general3A = arith.constant dense<0.000000e+00> : vector<16x64xf32>
    %dot_general3A_29 = tpu.matmul %convert_element_type3A_28, %max3A_23, %dot_general3A {dimension_numbers = #tpu.dot_dimension_numbers<[0], [0], [1], [1], [0, 1, 1, 1], [], []>, precision = #tpu.contract_precision<fp32>, transpose_lhs_hint = false} : vector<1280x16xf32>, vector<1280x64xf32>, vector<16x64xf32> -> vector<16x64xf32>
    %broadcast_in_dim3A = arith.constant 1.000000e+00 : f32
    %broadcast_in_dim3A_30 = vector.broadcast %broadcast_in_dim3A : f32 to vector<1280x1xf32>
    %dot_general3A_31 = arith.constant dense<0.000000e+00> : vector<16x1xf32>
    %dot_general3A_32 = tpu.matmul %convert_element_type3A_28, %broadcast_in_dim3A_30, %dot_general3A_31 {dimension_numbers = #tpu.dot_dimension_numbers<[0], [0], [1], [1], [0, 1, 1, 1], [], []>, precision = #tpu.contract_precision<fp32>, transpose_lhs_hint = false} : vector<1280x16xf32>, vector<1280x1xf32>, vector<16x1xf32> -> vector<16x1xf32>
    %eq3A_33 = arith.constant 0 : i32
    %eq3A_34 = vector.broadcast %eq3A_33 : i32 to vector<1280x1xi32>
    %eq3A_35 = arith.cmpi eq, %get3A_26, %eq3A_34 : vector<1280x1xi32>
    %jit3A = arith.constant 0xFF800000 : f32
    %broadcast_in_dim3A_36 = vector.shape_cast %eq3A_35 : vector<1280x1xi1> to vector<1280x1xi1>
    %broadcast_in_dim3A_37 = vector.broadcast %broadcast_in_dim3A_36 : vector<1280x1xi1> to vector<1280x64xi1>
    %broadcast_in_dim3A_38 = vector.broadcast %jit3A : f32 to vector<1280x64xf32>
    %select_n3A = arith.select %broadcast_in_dim3A_37, %max3A_23, %broadcast_in_dim3A_38 : vector<1280x64xi1>, vector<1280x64xf32>
    %reduce_max3A = arith.constant dense<0xFF800000> : vector<64xf32>
    %reduce_max3A_39 = vector.multi_reduction <maximumf>, %select_n3A, %reduce_max3A [0] : vector<1280x64xf32> to vector<64xf32>
    %broadcast_in_dim3A_40 = vector.shape_cast %reduce_max3A_39 : vector<64xf32> to vector<1x64xf32>
    %eq3A_41 = arith.constant 1 : i32
    %eq3A_42 = vector.broadcast %eq3A_41 : i32 to vector<1280x1xi32>
    %eq3A_43 = arith.cmpi eq, %get3A_26, %eq3A_42 : vector<1280x1xi32>
    %jit3A_44 = arith.constant 0xFF800000 : f32
    %broadcast_in_dim3A_45 = vector.shape_cast %eq3A_43 : vector<1280x1xi1> to vector<1280x1xi1>
    %broadcast_in_dim3A_46 = vector.broadcast %broadcast_in_dim3A_45 : vector<1280x1xi1> to vector<1280x64xi1>
    %broadcast_in_dim3A_47 = vector.broadcast %jit3A_44 : f32 to vector<1280x64xf32>
    %select_n3A_48 = arith.select %broadcast_in_dim3A_46, %max3A_23, %broadcast_in_dim3A_47 : vector<1280x64xi1>, vector<1280x64xf32>
    %reduce_max3A_49 = arith.constant dense<0xFF800000> : vector<64xf32>
    %reduce_max3A_50 = vector.multi_reduction <maximumf>, %select_n3A_48, %reduce_max3A_49 [0] : vector<1280x64xf32> to vector<64xf32>
    %broadcast_in_dim3A_51 = vector.shape_cast %reduce_max3A_50 : vector<64xf32> to vector<1x64xf32>
    %eq3A_52 = arith.constant 2 : i32
    %eq3A_53 = vector.broadcast %eq3A_52 : i32 to vector<1280x1xi32>
    %eq3A_54 = arith.cmpi eq, %get3A_26, %eq3A_53 : vector<1280x1xi32>
    %jit3A_55 = arith.constant 0xFF800000 : f32
    %broadcast_in_dim3A_56 = vector.shape_cast %eq3A_54 : vector<1280x1xi1> to vector<1280x1xi1>
    %broadcast_in_dim3A_57 = vector.broadcast %broadcast_in_dim3A_56 : vector<1280x1xi1> to vector<1280x64xi1>
    %broadcast_in_dim3A_58 = vector.broadcast %jit3A_55 : f32 to vector<1280x64xf32>
    %select_n3A_59 = arith.select %broadcast_in_dim3A_57, %max3A_23, %broadcast_in_dim3A_58 : vector<1280x64xi1>, vector<1280x64xf32>
    %reduce_max3A_60 = arith.constant dense<0xFF800000> : vector<64xf32>
    %reduce_max3A_61 = vector.multi_reduction <maximumf>, %select_n3A_59, %reduce_max3A_60 [0] : vector<1280x64xf32> to vector<64xf32>
    %broadcast_in_dim3A_62 = vector.shape_cast %reduce_max3A_61 : vector<64xf32> to vector<1x64xf32>
    %eq3A_63 = arith.constant 3 : i32
    %eq3A_64 = vector.broadcast %eq3A_63 : i32 to vector<1280x1xi32>
    %eq3A_65 = arith.cmpi eq, %get3A_26, %eq3A_64 : vector<1280x1xi32>
    %jit3A_66 = arith.constant 0xFF800000 : f32
    %broadcast_in_dim3A_67 = vector.shape_cast %eq3A_65 : vector<1280x1xi1> to vector<1280x1xi1>
    %broadcast_in_dim3A_68 = vector.broadcast %broadcast_in_dim3A_67 : vector<1280x1xi1> to vector<1280x64xi1>
    %broadcast_in_dim3A_69 = vector.broadcast %jit3A_66 : f32 to vector<1280x64xf32>
    %select_n3A_70 = arith.select %broadcast_in_dim3A_68, %max3A_23, %broadcast_in_dim3A_69 : vector<1280x64xi1>, vector<1280x64xf32>
    %reduce_max3A_71 = arith.constant dense<0xFF800000> : vector<64xf32>
    %reduce_max3A_72 = vector.multi_reduction <maximumf>, %select_n3A_70, %reduce_max3A_71 [0] : vector<1280x64xf32> to vector<64xf32>
    %broadcast_in_dim3A_73 = vector.shape_cast %reduce_max3A_72 : vector<64xf32> to vector<1x64xf32>
    %eq3A_74 = arith.constant 4 : i32
    %eq3A_75 = vector.broadcast %eq3A_74 : i32 to vector<1280x1xi32>
    %eq3A_76 = arith.cmpi eq, %get3A_26, %eq3A_75 : vector<1280x1xi32>
    %jit3A_77 = arith.constant 0xFF800000 : f32
    %broadcast_in_dim3A_78 = vector.shape_cast %eq3A_76 : vector<1280x1xi1> to vector<1280x1xi1>
    %broadcast_in_dim3A_79 = vector.broadcast %broadcast_in_dim3A_78 : vector<1280x1xi1> to vector<1280x64xi1>
    %broadcast_in_dim3A_80 = vector.broadcast %jit3A_77 : f32 to vector<1280x64xf32>
    %select_n3A_81 = arith.select %broadcast_in_dim3A_79, %max3A_23, %broadcast_in_dim3A_80 : vector<1280x64xi1>, vector<1280x64xf32>
    %reduce_max3A_82 = arith.constant dense<0xFF800000> : vector<64xf32>
    %reduce_max3A_83 = vector.multi_reduction <maximumf>, %select_n3A_81, %reduce_max3A_82 [0] : vector<1280x64xf32> to vector<64xf32>
    %broadcast_in_dim3A_84 = vector.shape_cast %reduce_max3A_83 : vector<64xf32> to vector<1x64xf32>
    %eq3A_85 = arith.constant 5 : i32
    %eq3A_86 = vector.broadcast %eq3A_85 : i32 to vector<1280x1xi32>
    %eq3A_87 = arith.cmpi eq, %get3A_26, %eq3A_86 : vector<1280x1xi32>
    %jit3A_88 = arith.constant 0xFF800000 : f32
    %broadcast_in_dim3A_89 = vector.shape_cast %eq3A_87 : vector<1280x1xi1> to vector<1280x1xi1>
    %broadcast_in_dim3A_90 = vector.broadcast %broadcast_in_dim3A_89 : vector<1280x1xi1> to vector<1280x64xi1>
    %broadcast_in_dim3A_91 = vector.broadcast %jit3A_88 : f32 to vector<1280x64xf32>
    %select_n3A_92 = arith.select %broadcast_in_dim3A_90, %max3A_23, %broadcast_in_dim3A_91 : vector<1280x64xi1>, vector<1280x64xf32>
    %reduce_max3A_93 = arith.constant dense<0xFF800000> : vector<64xf32>
    %reduce_max3A_94 = vector.multi_reduction <maximumf>, %select_n3A_92, %reduce_max3A_93 [0] : vector<1280x64xf32> to vector<64xf32>
    %broadcast_in_dim3A_95 = vector.shape_cast %reduce_max3A_94 : vector<64xf32> to vector<1x64xf32>
    %eq3A_96 = arith.constant 6 : i32
    %eq3A_97 = vector.broadcast %eq3A_96 : i32 to vector<1280x1xi32>
    %eq3A_98 = arith.cmpi eq, %get3A_26, %eq3A_97 : vector<1280x1xi32>
    %jit3A_99 = arith.constant 0xFF800000 : f32
    %broadcast_in_dim3A_100 = vector.shape_cast %eq3A_98 : vector<1280x1xi1> to vector<1280x1xi1>
    %broadcast_in_dim3A_101 = vector.broadcast %broadcast_in_dim3A_100 : vector<1280x1xi1> to vector<1280x64xi1>
    %broadcast_in_dim3A_102 = vector.broadcast %jit3A_99 : f32 to vector<1280x64xf32>
    %select_n3A_103 = arith.select %broadcast_in_dim3A_101, %max3A_23, %broadcast_in_dim3A_102 : vector<1280x64xi1>, vector<1280x64xf32>
    %reduce_max3A_104 = arith.constant dense<0xFF800000> : vector<64xf32>
    %reduce_max3A_105 = vector.multi_reduction <maximumf>, %select_n3A_103, %reduce_max3A_104 [0] : vector<1280x64xf32> to vector<64xf32>
    %broadcast_in_dim3A_106 = vector.shape_cast %reduce_max3A_105 : vector<64xf32> to vector<1x64xf32>
    %eq3A_107 = arith.constant 7 : i32
    %eq3A_108 = vector.broadcast %eq3A_107 : i32 to vector<1280x1xi32>
    %eq3A_109 = arith.cmpi eq, %get3A_26, %eq3A_108 : vector<1280x1xi32>
    %jit3A_110 = arith.constant 0xFF800000 : f32
    %broadcast_in_dim3A_111 = vector.shape_cast %eq3A_109 : vector<1280x1xi1> to vector<1280x1xi1>
    %broadcast_in_dim3A_112 = vector.broadcast %broadcast_in_dim3A_111 : vector<1280x1xi1> to vector<1280x64xi1>
    %broadcast_in_dim3A_113 = vector.broadcast %jit3A_110 : f32 to vector<1280x64xf32>
    %select_n3A_114 = arith.select %broadcast_in_dim3A_112, %max3A_23, %broadcast_in_dim3A_113 : vector<1280x64xi1>, vector<1280x64xf32>
    %reduce_max3A_115 = arith.constant dense<0xFF800000> : vector<64xf32>
    %reduce_max3A_116 = vector.multi_reduction <maximumf>, %select_n3A_114, %reduce_max3A_115 [0] : vector<1280x64xf32> to vector<64xf32>
    %broadcast_in_dim3A_117 = vector.shape_cast %reduce_max3A_116 : vector<64xf32> to vector<1x64xf32>
    %eq3A_118 = arith.constant 8 : i32
    %eq3A_119 = vector.broadcast %eq3A_118 : i32 to vector<1280x1xi32>
    %eq3A_120 = arith.cmpi eq, %get3A_26, %eq3A_119 : vector<1280x1xi32>
    %jit3A_121 = arith.constant 0xFF800000 : f32
    %broadcast_in_dim3A_122 = vector.shape_cast %eq3A_120 : vector<1280x1xi1> to vector<1280x1xi1>
    %broadcast_in_dim3A_123 = vector.broadcast %broadcast_in_dim3A_122 : vector<1280x1xi1> to vector<1280x64xi1>
    %broadcast_in_dim3A_124 = vector.broadcast %jit3A_121 : f32 to vector<1280x64xf32>
    %select_n3A_125 = arith.select %broadcast_in_dim3A_123, %max3A_23, %broadcast_in_dim3A_124 : vector<1280x64xi1>, vector<1280x64xf32>
    %reduce_max3A_126 = arith.constant dense<0xFF800000> : vector<64xf32>
    %reduce_max3A_127 = vector.multi_reduction <maximumf>, %select_n3A_125, %reduce_max3A_126 [0] : vector<1280x64xf32> to vector<64xf32>
    %broadcast_in_dim3A_128 = vector.shape_cast %reduce_max3A_127 : vector<64xf32> to vector<1x64xf32>
    %eq3A_129 = arith.constant 9 : i32
    %eq3A_130 = vector.broadcast %eq3A_129 : i32 to vector<1280x1xi32>
    %eq3A_131 = arith.cmpi eq, %get3A_26, %eq3A_130 : vector<1280x1xi32>
    %jit3A_132 = arith.constant 0xFF800000 : f32
    %broadcast_in_dim3A_133 = vector.shape_cast %eq3A_131 : vector<1280x1xi1> to vector<1280x1xi1>
    %broadcast_in_dim3A_134 = vector.broadcast %broadcast_in_dim3A_133 : vector<1280x1xi1> to vector<1280x64xi1>
    %broadcast_in_dim3A_135 = vector.broadcast %jit3A_132 : f32 to vector<1280x64xf32>
    %select_n3A_136 = arith.select %broadcast_in_dim3A_134, %max3A_23, %broadcast_in_dim3A_135 : vector<1280x64xi1>, vector<1280x64xf32>
    %reduce_max3A_137 = arith.constant dense<0xFF800000> : vector<64xf32>
    %reduce_max3A_138 = vector.multi_reduction <maximumf>, %select_n3A_136, %reduce_max3A_137 [0] : vector<1280x64xf32> to vector<64xf32>
    %broadcast_in_dim3A_139 = vector.shape_cast %reduce_max3A_138 : vector<64xf32> to vector<1x64xf32>
    %eq3A_140 = arith.constant 10 : i32
    %eq3A_141 = vector.broadcast %eq3A_140 : i32 to vector<1280x1xi32>
    %eq3A_142 = arith.cmpi eq, %get3A_26, %eq3A_141 : vector<1280x1xi32>
    %jit3A_143 = arith.constant 0xFF800000 : f32
    %broadcast_in_dim3A_144 = vector.shape_cast %eq3A_142 : vector<1280x1xi1> to vector<1280x1xi1>
    %broadcast_in_dim3A_145 = vector.broadcast %broadcast_in_dim3A_144 : vector<1280x1xi1> to vector<1280x64xi1>
    %broadcast_in_dim3A_146 = vector.broadcast %jit3A_143 : f32 to vector<1280x64xf32>
    %select_n3A_147 = arith.select %broadcast_in_dim3A_145, %max3A_23, %broadcast_in_dim3A_146 : vector<1280x64xi1>, vector<1280x64xf32>
    %reduce_max3A_148 = arith.constant dense<0xFF800000> : vector<64xf32>
    %reduce_max3A_149 = vector.multi_reduction <maximumf>, %select_n3A_147, %reduce_max3A_148 [0] : vector<1280x64xf32> to vector<64xf32>
    %broadcast_in_dim3A_150 = vector.shape_cast %reduce_max3A_149 : vector<64xf32> to vector<1x64xf32>
    %eq3A_151 = arith.constant 11 : i32
    %eq3A_152 = vector.broadcast %eq3A_151 : i32 to vector<1280x1xi32>
    %eq3A_153 = arith.cmpi eq, %get3A_26, %eq3A_152 : vector<1280x1xi32>
    %jit3A_154 = arith.constant 0xFF800000 : f32
    %broadcast_in_dim3A_155 = vector.shape_cast %eq3A_153 : vector<1280x1xi1> to vector<1280x1xi1>
    %broadcast_in_dim3A_156 = vector.broadcast %broadcast_in_dim3A_155 : vector<1280x1xi1> to vector<1280x64xi1>
    %broadcast_in_dim3A_157 = vector.broadcast %jit3A_154 : f32 to vector<1280x64xf32>
    %select_n3A_158 = arith.select %broadcast_in_dim3A_156, %max3A_23, %broadcast_in_dim3A_157 : vector<1280x64xi1>, vector<1280x64xf32>
    %reduce_max3A_159 = arith.constant dense<0xFF800000> : vector<64xf32>
    %reduce_max3A_160 = vector.multi_reduction <maximumf>, %select_n3A_158, %reduce_max3A_159 [0] : vector<1280x64xf32> to vector<64xf32>
    %broadcast_in_dim3A_161 = vector.shape_cast %reduce_max3A_160 : vector<64xf32> to vector<1x64xf32>
    %eq3A_162 = arith.constant 12 : i32
    %eq3A_163 = vector.broadcast %eq3A_162 : i32 to vector<1280x1xi32>
    %eq3A_164 = arith.cmpi eq, %get3A_26, %eq3A_163 : vector<1280x1xi32>
    %jit3A_165 = arith.constant 0xFF800000 : f32
    %broadcast_in_dim3A_166 = vector.shape_cast %eq3A_164 : vector<1280x1xi1> to vector<1280x1xi1>
    %broadcast_in_dim3A_167 = vector.broadcast %broadcast_in_dim3A_166 : vector<1280x1xi1> to vector<1280x64xi1>
    %broadcast_in_dim3A_168 = vector.broadcast %jit3A_165 : f32 to vector<1280x64xf32>
    %select_n3A_169 = arith.select %broadcast_in_dim3A_167, %max3A_23, %broadcast_in_dim3A_168 : vector<1280x64xi1>, vector<1280x64xf32>
    %reduce_max3A_170 = arith.constant dense<0xFF800000> : vector<64xf32>
    %reduce_max3A_171 = vector.multi_reduction <maximumf>, %select_n3A_169, %reduce_max3A_170 [0] : vector<1280x64xf32> to vector<64xf32>
    %broadcast_in_dim3A_172 = vector.shape_cast %reduce_max3A_171 : vector<64xf32> to vector<1x64xf32>
    %eq3A_173 = arith.constant 13 : i32
    %eq3A_174 = vector.broadcast %eq3A_173 : i32 to vector<1280x1xi32>
    %eq3A_175 = arith.cmpi eq, %get3A_26, %eq3A_174 : vector<1280x1xi32>
    %jit3A_176 = arith.constant 0xFF800000 : f32
    %broadcast_in_dim3A_177 = vector.shape_cast %eq3A_175 : vector<1280x1xi1> to vector<1280x1xi1>
    %broadcast_in_dim3A_178 = vector.broadcast %broadcast_in_dim3A_177 : vector<1280x1xi1> to vector<1280x64xi1>
    %broadcast_in_dim3A_179 = vector.broadcast %jit3A_176 : f32 to vector<1280x64xf32>
    %select_n3A_180 = arith.select %broadcast_in_dim3A_178, %max3A_23, %broadcast_in_dim3A_179 : vector<1280x64xi1>, vector<1280x64xf32>
    %reduce_max3A_181 = arith.constant dense<0xFF800000> : vector<64xf32>
    %reduce_max3A_182 = vector.multi_reduction <maximumf>, %select_n3A_180, %reduce_max3A_181 [0] : vector<1280x64xf32> to vector<64xf32>
    %broadcast_in_dim3A_183 = vector.shape_cast %reduce_max3A_182 : vector<64xf32> to vector<1x64xf32>
    %eq3A_184 = arith.constant 14 : i32
    %eq3A_185 = vector.broadcast %eq3A_184 : i32 to vector<1280x1xi32>
    %eq3A_186 = arith.cmpi eq, %get3A_26, %eq3A_185 : vector<1280x1xi32>
    %jit3A_187 = arith.constant 0xFF800000 : f32
    %broadcast_in_dim3A_188 = vector.shape_cast %eq3A_186 : vector<1280x1xi1> to vector<1280x1xi1>
    %broadcast_in_dim3A_189 = vector.broadcast %broadcast_in_dim3A_188 : vector<1280x1xi1> to vector<1280x64xi1>
    %broadcast_in_dim3A_190 = vector.broadcast %jit3A_187 : f32 to vector<1280x64xf32>
    %select_n3A_191 = arith.select %broadcast_in_dim3A_189, %max3A_23, %broadcast_in_dim3A_190 : vector<1280x64xi1>, vector<1280x64xf32>
    %reduce_max3A_192 = arith.constant dense<0xFF800000> : vector<64xf32>
    %reduce_max3A_193 = vector.multi_reduction <maximumf>, %select_n3A_191, %reduce_max3A_192 [0] : vector<1280x64xf32> to vector<64xf32>
    %broadcast_in_dim3A_194 = vector.shape_cast %reduce_max3A_193 : vector<64xf32> to vector<1x64xf32>
    %eq3A_195 = arith.constant 15 : i32
    %eq3A_196 = vector.broadcast %eq3A_195 : i32 to vector<1280x1xi32>
    %eq3A_197 = arith.cmpi eq, %get3A_26, %eq3A_196 : vector<1280x1xi32>
    %jit3A_198 = arith.constant 0xFF800000 : f32
    %broadcast_in_dim3A_199 = vector.shape_cast %eq3A_197 : vector<1280x1xi1> to vector<1280x1xi1>
    %broadcast_in_dim3A_200 = vector.broadcast %broadcast_in_dim3A_199 : vector<1280x1xi1> to vector<1280x64xi1>
    %broadcast_in_dim3A_201 = vector.broadcast %jit3A_198 : f32 to vector<1280x64xf32>
    %select_n3A_202 = arith.select %broadcast_in_dim3A_200, %max3A_23, %broadcast_in_dim3A_201 : vector<1280x64xi1>, vector<1280x64xf32>
    %reduce_max3A_203 = arith.constant dense<0xFF800000> : vector<64xf32>
    %reduce_max3A_204 = vector.multi_reduction <maximumf>, %select_n3A_202, %reduce_max3A_203 [0] : vector<1280x64xf32> to vector<64xf32>
    %broadcast_in_dim3A_205 = vector.shape_cast %reduce_max3A_204 : vector<64xf32> to vector<1x64xf32>
    %concatenate3A = tpu.concatenate %broadcast_in_dim3A_40, %broadcast_in_dim3A_51, %broadcast_in_dim3A_62, %broadcast_in_dim3A_73, %broadcast_in_dim3A_84, %broadcast_in_dim3A_95, %broadcast_in_dim3A_106, %broadcast_in_dim3A_117, %broadcast_in_dim3A_128, %broadcast_in_dim3A_139, %broadcast_in_dim3A_150, %broadcast_in_dim3A_161, %broadcast_in_dim3A_172, %broadcast_in_dim3A_183, %broadcast_in_dim3A_194, %broadcast_in_dim3A_205 in 0 : vector<1x64xf32>, vector<1x64xf32>, vector<1x64xf32>, vector<1x64xf32>, vector<1x64xf32>, vector<1x64xf32>, vector<1x64xf32>, vector<1x64xf32>, vector<1x64xf32>, vector<1x64xf32>, vector<1x64xf32>, vector<1x64xf32>, vector<1x64xf32>, vector<1x64xf32>, vector<1x64xf32>, vector<1x64xf32> -> vector<16x64xf32>
    %eq3A_206 = arith.constant 0 : i32
    %eq3A_207 = arith.cmpi eq, %arg0, %eq3A_206 : i32
    %convert_element_type3A_208 = arith.extui %eq3A_207 : i1 to i32
    %cond3A = arith.constant 0 : i32
    %cond3A_209 = arith.cmpi ne, %convert_element_type3A_208, %cond3A : i32
    scf.if %cond3A_209 {
      %swap3A = arith.constant 0 : index
      %swap3A_219 = arith.constant 0 : index
      %swap3A_220 = vector.load %arg13[%swap3A, %swap3A_219] : memref<16x64xf32, #tpu.memory_space<vmem>>, vector<16x64xf32>
      tpu.vector_store %arg13[%swap3A, %swap3A_219], %dot_general3A_29 {strides = array<i32>} : memref<16x64xf32, #tpu.memory_space<vmem>>, vector<16x64xf32>,
      %swap3A_221 = arith.constant 0 : index
      %swap3A_222 = arith.constant 0 : index
      %swap3A_223 = vector.load %arg14[%swap3A_221, %swap3A_222] : memref<16x1xf32, #tpu.memory_space<vmem>>, vector<16x1xf32>
      tpu.vector_store %arg14[%swap3A_221, %swap3A_222], %dot_general3A_32 {strides = array<i32>} : memref<16x1xf32, #tpu.memory_space<vmem>>, vector<16x1xf32>,
      %swap3A_224 = arith.constant 0 : index
      %swap3A_225 = arith.constant 0 : index
      %swap3A_226 = vector.load %arg15[%swap3A_224, %swap3A_225] : memref<16x64xf32, #tpu.memory_space<vmem>>, vector<16x64xf32>
      tpu.vector_store %arg15[%swap3A_224, %swap3A_225], %concatenate3A {strides = array<i32>} : memref<16x64xf32, #tpu.memory_space<vmem>>, vector<16x64xf32>,
    } else {
    }
    %gt3A = arith.constant 0 : i32
    %gt3A_210 = arith.cmpi sgt, %arg0, %gt3A : i32
    %convert_element_type3A_211 = arith.extui %gt3A_210 : i1 to i32
    %cond3A_212 = arith.constant 0 : i32
    %cond3A_213 = arith.cmpi ne, %convert_element_type3A_211, %cond3A_212 : i32
    scf.if %cond3A_213 {
      %get3A_219 = arith.constant 0 : index
      %get3A_220 = arith.constant 0 : index
      %get3A_221 = vector.load %arg13[%get3A_219, %get3A_220] : memref<16x64xf32, #tpu.memory_space<vmem>>, vector<16x64xf32>
      %add3A_222 = arith.addf %get3A_221, %dot_general3A_29 : vector<16x64xf32>
      %swap3A = arith.constant 0 : index
      %swap3A_223 = arith.constant 0 : index
      %swap3A_224 = vector.load %arg13[%swap3A, %swap3A_223] : memref<16x64xf32, #tpu.memory_space<vmem>>, vector<16x64xf32>
      tpu.vector_store %arg13[%swap3A, %swap3A_223], %add3A_222 {strides = array<i32>} : memref<16x64xf32, #tpu.memory_space<vmem>>, vector<16x64xf32>,
      %get3A_225 = arith.constant 0 : index
      %get3A_226 = arith.constant 0 : index
      %get3A_227 = vector.load %arg14[%get3A_225, %get3A_226] : memref<16x1xf32, #tpu.memory_space<vmem>>, vector<16x1xf32>
      %add3A_228 = arith.addf %get3A_227, %dot_general3A_32 : vector<16x1xf32>
      %swap3A_229 = arith.constant 0 : index
      %swap3A_230 = arith.constant 0 : index
      %swap3A_231 = vector.load %arg14[%swap3A_229, %swap3A_230] : memref<16x1xf32, #tpu.memory_space<vmem>>, vector<16x1xf32>
      tpu.vector_store %arg14[%swap3A_229, %swap3A_230], %add3A_228 {strides = array<i32>} : memref<16x1xf32, #tpu.memory_space<vmem>>, vector<16x1xf32>,
      %get3A_232 = arith.constant 0 : index
      %get3A_233 = arith.constant 0 : index
      %get3A_234 = vector.load %arg15[%get3A_232, %get3A_233] : memref<16x64xf32, #tpu.memory_space<vmem>>, vector<16x64xf32>
      %max3A_235 = arith.maximumf %get3A_234, %concatenate3A : vector<16x64xf32>
      %swap3A_236 = arith.constant 0 : index
      %swap3A_237 = arith.constant 0 : index
      %swap3A_238 = vector.load %arg15[%swap3A_236, %swap3A_237] : memref<16x64xf32, #tpu.memory_space<vmem>>, vector<16x64xf32>
      tpu.vector_store %arg15[%swap3A_236, %swap3A_237], %max3A_235 {strides = array<i32>} : memref<16x64xf32, #tpu.memory_space<vmem>>, vector<16x64xf32>,
    } else {
    }
    %eq3A_214 = arith.constant 7 : i32
    %eq3A_215 = arith.cmpi eq, %arg0, %eq3A_214 : i32
    %convert_element_type3A_216 = arith.extui %eq3A_215 : i1 to i32
    %cond3A_217 = arith.constant 0 : i32
    %cond3A_218 = arith.cmpi ne, %convert_element_type3A_216, %cond3A_217 : i32
    scf.if %cond3A_218 {
      %get3A_219 = arith.constant 0 : index
      %get3A_220 = arith.constant 0 : index
      %get3A_221 = vector.load %arg13[%get3A_219, %get3A_220] : memref<16x64xf32, #tpu.memory_space<vmem>>, vector<16x64xf32>
      %get3A_222 = arith.constant 0 : index
      %get3A_223 = arith.constant 0 : index
      %get3A_224 = vector.load %arg14[%get3A_222, %get3A_223] : memref<16x1xf32, #tpu.memory_space<vmem>>, vector<16x1xf32>
      %max3A_225 = arith.constant 1.000000e+00 : f32
      %max3A_226 = vector.broadcast %max3A_225 : f32 to vector<16x1xf32>
      %max3A_227 = arith.maximumf %get3A_224, %max3A_226 : vector<16x1xf32>
      %div3A = vector.broadcast %max3A_227 : vector<16x1xf32> to vector<16x64xf32>
      %div3A_228 = arith.divf %get3A_221, %div3A : vector<16x64xf32>
      %get3A_229 = arith.constant 0 : index
      %get3A_230 = arith.constant 0 : index
      %get3A_231 = vector.load %arg15[%get3A_229, %get3A_230] : memref<16x64xf32, #tpu.memory_space<vmem>>, vector<16x64xf32>
      %concatenate3A_232 = tpu.concatenate %div3A_228, %get3A_231 in 1 : vector<16x64xf32>, vector<16x64xf32> -> vector<16x128xf32>
      %get3A_233 = arith.constant 0 : index
      %get3A_234 = arith.constant 0 : index
      %get3A_235 = vector.load %arg6[%get3A_233, %get3A_234] : memref<16x128xf32, #tpu.memory_space<vmem>>, vector<16x128xf32>
      %get3A_236 = arith.constant 0 : index
      %get3A_237 = arith.constant 0 : index
      %get3A_238 = vector.load %arg7[%get3A_236, %get3A_237] : memref<16x128xf32, #tpu.memory_space<vmem>>, vector<16x128xf32>
      %add3A_239 = arith.addf %get3A_235, %get3A_238 : vector<16x128xf32>
      %add3A_240 = arith.addf %add3A_239, %concatenate3A_232 : vector<16x128xf32>
      %get3A_241 = arith.constant 0 : index
      %get3A_242 = arith.constant 0 : index
      %get3A_243 = vector.load %arg8[%get3A_241, %get3A_242] : memref<128x64xf32, #tpu.memory_space<vmem>>, vector<128x64xf32>
      %dot_general3A_244 = arith.constant dense<0.000000e+00> : vector<16x64xf32>
      %dot_general3A_245 = tpu.matmul %add3A_240, %get3A_243, %dot_general3A_244 {dimension_numbers = #tpu.dot_dimension_numbers<[1], [0], [0], [1], [0, 0, 1, 1], [], []>, precision = #tpu.contract_precision<fp32>, transpose_lhs_hint = false} : vector<16x128xf32>, vector<128x64xf32>, vector<16x64xf32> -> vector<16x64xf32>
      %get3A_246 = arith.constant 0 : index
      %get3A_247 = arith.constant 0 : index
      %get3A_248 = vector.load %arg9[%get3A_246, %get3A_247] : memref<1x64xf32, #tpu.memory_space<vmem>>, vector<1x64xf32>
      %add3A_249 = vector.broadcast %get3A_248 : vector<1x64xf32> to vector<16x64xf32>
      %add3A_250 = arith.addf %dot_general3A_245, %add3A_249 : vector<16x64xf32>
      %max3A_251 = arith.constant 0.000000e+00 : f32
      %max3A_252 = vector.broadcast %max3A_251 : f32 to vector<16x64xf32>
      %max3A_253 = arith.maximumf %add3A_250, %max3A_252 : vector<16x64xf32>
      %get3A_254 = arith.constant 0 : index
      %get3A_255 = arith.constant 0 : index
      %get3A_256 = vector.load %arg10[%get3A_254, %get3A_255] : memref<64x1xf32, #tpu.memory_space<vmem>>, vector<64x1xf32>
      %dot_general3A_257 = arith.constant dense<0.000000e+00> : vector<16x1xf32>
      %dot_general3A_258 = tpu.matmul %max3A_253, %get3A_256, %dot_general3A_257 {dimension_numbers = #tpu.dot_dimension_numbers<[1], [0], [0], [1], [0, 0, 1, 1], [], []>, precision = #tpu.contract_precision<fp32>, transpose_lhs_hint = false} : vector<16x64xf32>, vector<64x1xf32>, vector<16x1xf32> -> vector<16x1xf32>
      %get3A_259 = arith.constant 0 : index
      %get3A_260 = arith.constant 0 : index
      %get3A_261 = vector.load %arg11[%get3A_259, %get3A_260] : memref<1x1xf32, #tpu.memory_space<vmem>>, vector<1x1xf32>
      %add3A_262 = vector.broadcast %get3A_261 : vector<1x1xf32> to vector<16x1xf32>
      %add3A_263 = arith.addf %dot_general3A_258, %add3A_262 : vector<16x1xf32>
      %swap3A = arith.constant 0 : index
      %swap3A_264 = arith.constant 0 : index
      %swap3A_265 = vector.load %arg12[%swap3A, %swap3A_264] : memref<16x1xf32, #tpu.memory_space<vmem>>, vector<16x1xf32>
      tpu.vector_store %arg12[%swap3A, %swap3A_264], %add3A_263 {strides = array<i32>} : memref<16x1xf32, #tpu.memory_space<vmem>>, vector<16x1xf32>,
    } else {
    }
    return
  }
  func.func @transform_0(%arg0: i32) -> (i32, i32, i32) {
    %c0_i32 = arith.constant 0 : i32
    %c0_i32_0 = arith.constant 0 : i32
    %c0_i32_1 = arith.constant 0 : i32
    return %c0_i32, %arg0, %c0_i32_0 : i32, i32, i32
  }
  func.func @transform_1(%arg0: i32) -> (i32, i32) {
    %c0_i32 = arith.constant 0 : i32
    %c0_i32_0 = arith.constant 0 : i32
    return %arg0, %c0_i32 : i32, i32
  }
  func.func @transform_2(%arg0: i32) -> (i32, i32) {
    %c0_i32 = arith.constant 0 : i32
    %c0_i32_0 = arith.constant 0 : i32
    return %arg0, %c0_i32 : i32, i32
  }
  func.func @transform_3(%arg0: i32) -> (i32, i32) {
    %c0_i32 = arith.constant 0 : i32
    %c0_i32_0 = arith.constant 0 : i32
    return %arg0, %c0_i32 : i32, i32
  }
  func.func @transform_4(%arg0: i32) -> (i32, i32) {
    %c0_i32 = arith.constant 0 : i32
    %c0_i32_0 = arith.constant 0 : i32
    %c0_i32_1 = arith.constant 0 : i32
    return %c0_i32, %c0_i32_0 : i32, i32
  }
  func.func @transform_5(%arg0: i32) -> (i32, i32) {
    %c0_i32 = arith.constant 0 : i32
    %c0_i32_0 = arith.constant 0 : i32
    %c0_i32_1 = arith.constant 0 : i32
    return %c0_i32, %c0_i32_0 : i32, i32
  }
  func.func @transform_6(%arg0: i32) -> (i32, i32) {
    %c0_i32 = arith.constant 0 : i32
    %c0_i32_0 = arith.constant 0 : i32
    %c0_i32_1 = arith.constant 0 : i32
    return %c0_i32, %c0_i32_0 : i32, i32
  }
  func.func @transform_7(%arg0: i32) -> (i32, i32) {
    %c0_i32 = arith.constant 0 : i32
    %c0_i32_0 = arith.constant 0 : i32
    %c0_i32_1 = arith.constant 0 : i32
    return %c0_i32, %c0_i32_0 : i32, i32
  }
  func.func @transform_8(%arg0: i32) -> (i32, i32) {
    %c0_i32 = arith.constant 0 : i32
    %c0_i32_0 = arith.constant 0 : i32
    %c0_i32_1 = arith.constant 0 : i32
    return %c0_i32, %c0_i32_0 : i32, i32
  }
  func.func @transform_9(%arg0: i32) -> (i32, i32) {
    %c0_i32 = arith.constant 0 : i32
    %c0_i32_0 = arith.constant 0 : i32
    %c0_i32_1 = arith.constant 0 : i32
    return %c0_i32, %c0_i32_0 : i32, i32
  }
  func.func @transform_10(%arg0: i32) -> (i32, i32) {
    %c0_i32 = arith.constant 0 : i32
    %c0_i32_0 = arith.constant 0 : i32
    %c0_i32_1 = arith.constant 0 : i32
    return %c0_i32, %c0_i32_0 : i32, i32
  }
  func.func @transform_11(%arg0: i32) -> (i32, i32) {
    %c0_i32 = arith.constant 0 : i32
    %c0_i32_0 = arith.constant 0 : i32
    %c0_i32_1 = arith.constant 0 : i32
    return %c0_i32, %c0_i32_0 : i32, i32
  }
}

</mosaic_0001>

<sc_bundles>
// kernel: kernel.10.cloned.1.call-start
scs
__scs_entry_jumppad:
0x0: {  	(pc) =	sbr.rel $0x88, $3  }
0x1: {  	(tag) =	ssettag $0x0;
	lr =	simm.s32 $0x1  }
0x2: {  	[smem:$0x3F90] =	sst lr;
	_ =	strace $0xD0000000  }
0x3: {  	_ = 	snop  }
0x4: {  	_ = 	snop  }
0x5: {  	_ = 	snop  }
0x6: {  	_ = 	snop  }
0x7: {  	_ = 	snop  }
__scs_overlays_trampoline_lowered:
0x8: {  	[smem:$0x3F9F] =	sst s0  }
0x9: {  	[smem:$0x3FA0] =	sst s1  }
0xa: {  	[smem:$0x3FA1] =	sst s2  }
0xb: {  	[smem:$0x3FA2] =	sst s3  }
0xc: {  	[smem:$0x3FA3] =	sst s4  }
0xd: {  	[smem:$0x3FA4] =	sst s5  }
0xe: {  	[smem:$0x3FA5] =	sst s6  }
0xf: {  	[smem:$0x3FA6] =	sst s7  }
0x10: {  	[smem:$0x3FA7] =	sst s8  }
0x11: {  	[smem:$0x3FA8] =	sst s9;
	s0 =	simm.s32 @!p0 $0x0  }
0x12: {  	s1 =	sld [smem:$0x3F8E];
	s0 =	simm.s32 @p0 $0x1  }
0x13: {  	[smem:$0x3FA9] =	sst s0;
	s0 =	simm.s32 @!p1 $0x0  }
0x14: {  	s2 =	sld [smem:$0x3F8D];
	s0 =	simm.s32 @p1 $0x1  }
0x15: {  	[smem:$0x3FAA] =	sst s0;
	s0 =	simm.s32 @!p2 $0x0  }
0x16: {  	s3 =	sld [smem:$0x3FDB];
	s0 =	simm.s32 @p2 $0x1  }
0x17: {  	s4 =	simm.s32 $0x1BF5;
	[smem:$0x3FAC] =	sst s0  }
0x18: {  	s0 =	sld [smem:$0x3F8F];
	_ =	swait.ge [sflag:s4], $0x0  }
0x19: {  	s7 =	sld [smem:$0x3F90]  }
0x1a: {  	s8 =	sadd.s32 $0xFFFFE003, lr  }
0x1b: {  	s9 =	sadd.s32 $0xFFFFFEF7, lr;
	s5 =	simm.s32 $0xFFFFFFFF;
	p2 =	slt.u32 s8, $0xFFFFF086  }
0x1c: {  	p1 =	slt.u32 s9, $0xF7A;
	s5 =	simm.s32 @!p2 $0x0  }
0x1d: {  	s5 =	simm.s32 @p1 $0x1;
	p0 =	seq.s32 s7, s2  }
0x1e: {  	s7 =	smul.u32 @!p0 $0xF7A, s2;
	p2 =	seq.s32 @!p0 s5, $0x0  }
0x1f: {  	s9 =	smul.u32 $0xF7A, s1;
	s8 =	simm.s32 @!p0 $0x1BF5;
	p2 =	por !p2, p0  }
0x20: {  	[sflag:s8] =	ssyncset.s32 @!p0 $0xFFFFF086;
	s6 =	sadd.s32 @!p0 s3, s7;
	s7 =	simm.s32 @!p0 $0x108  }
0x21: {  	s3 =	sadd.s32 s3, s9;
	s6 =	sadd.s32 @!p0 $0x88, s6;
	s7 =	simm.s32 @p2 $0x1082  }
0x22: {  	[simem:s7], [sflag:s8] =	dma.local @!p0 [hbm:s6], $0xF7A  }
0x23: {  	s9 =	sor.u32 $0xD0000000, s2;
	s6 =	simm.s32 $0x108;
	_ =	swait.ge @!p0 [sflag:s8], $0x0  }
0x24: {  	s3 =	sadd.s32 $0x88, s3;
	s6 =	simm.s32 @!p1 $0x1082;
	[sflag:s4] =	ssyncset.s32 $0xFFFFF086  }
0x25: {  	[simem:s6], [sflag:s4] =	dma.local [hbm:s3], $0xF7A  }
0x26: {  	[smem:$0x3F90] =	sst s1;
	(tag) =	ssettag s2;
	_ =	strace s9  }
0x27: {  	s1 =	sld [smem:$0x3FA0]  }
0x28: {  	s2 =	sld [smem:$0x3FA1]  }
0x29: {  	s4 =	sld [smem:$0x3FA3]  }
0x2a: {  	p0 =	seq.s32 s5, $0x0;
	s5 =	sld [smem:$0x3FA4]  }
0x2b: {  	s6 =	sld [smem:$0x3FA5]  }
0x2c: {  	s7 =	sld [smem:$0x3FA6]  }
0x2d: {  	s3 =	simm.s32 $0x108;
	s8 =	sld [smem:$0x3FA7]  }
0x2e: {  	s3 =	simm.s32 @!p0 $0x1082;
	s9 =	sld [smem:$0x3FA8]  }
0x2f: {  	lr =	sadd.s32 s0, s3;
	s0 =	sld [smem:$0x3F9F]  }
0x30: {  	s3 =	sld [smem:$0x3FA2]  }
0x31: {  	[smem:$0x3FAB] =	sst s10  }
0x32: {  	s10 =	sld [smem:$0x3FA9];
	_ =	sdelay $0x3  }
0x33: {  	p0 =	seq.s32 s10, $0x1;
	s10 =	sld [smem:$0x3FAB];
	_ =	sdelay $0x3  }
0x34: {  	[smem:$0x3FAB] =	sst s10  }
0x35: {  	s10 =	sld [smem:$0x3FAA];
	_ =	sdelay $0x3  }
0x36: {  	p1 =	seq.s32 s10, $0x1;
	s10 =	sld [smem:$0x3FAB];
	_ =	sdelay $0x3  }
0x37: {  	[smem:$0x3FAB] =	sst s10  }
0x38: {  	s10 =	sld [smem:$0x3FAC]  }
0x39: {  	_ = 	snop;
	(pc) =	sbr.ind lr, $3  }
0x3a: {  	_ = 	snop  }
0x3b: {  	_ = 	snop  }
0x3c: {  	p2 =	seq.s32 s10, $0x1;
	s10 =	sld [smem:$0x3FAB]  }
0x3d: {  	_ =	shalt  }
0x3e: {  	_ =	shalt  }
0x3f: {  	_ =	shalt  }
0x40: {  	_ =	shalt  }
0x41: {  	_ =	shalt  }
0x42: {  	_ =	shalt  }
0x43: {  	_ =	shalt  }
0x44: {  	_ =	shalt  }
0x45: {  	_ =	shalt  }
0x46: {  	_ =	shalt  }
0x47: {  	_ =	shalt  }
0x48: {  	_ =	shalt  }
0x49: {  	_ =	shalt  }
0x4a: {  	_ =	shalt  }
0x4b: {  	_ =	shalt  }
0x4c: {  	_ =	shalt  }
0x4d: {  	_ =	shalt  }
0x4e: {  	_ =	shalt  }
0x4f: {  	_ =	shalt  }
0x50: {  	_ =	shalt  }
0x51: {  	_ =	shalt  }
0x52: {  	_ =	shalt  }
0x53: {  	_ =	shalt  }
0x54: {  	_ =	shalt  }
0x55: {  	_ =	shalt  }
0x56: {  	_ =	shalt  }
0x57: {  	_ =	shalt  }
0x58: {  	_ =	shalt  }
0x59: {  	_ =	shalt  }
0x5a: {  	_ =	shalt  }
0x5b: {  	_ =	shalt  }
0x5c: {  	_ =	shalt  }
0x5d: {  	_ =	shalt  }
0x5e: {  	_ =	shalt  }
0x5f: {  	_ =	shalt  }
0x60: {  	_ =	shalt  }
0x61: {  	_ =	shalt  }
0x62: {  	_ =	shalt  }
0x63: {  	_ =	shalt  }
0x64: {  	_ =	shalt  }
0x65: {  	_ =	shalt  }
0x66: {  	_ =	shalt  }
0x67: {  	_ =	shalt  }
0x68: {  	_ =	shalt  }
0x69: {  	_ =	shalt  }
0x6a: {  	_ =	shalt  }
0x6b: {  	_ =	shalt  }
0x6c: {  	_ =	shalt  }
0x6d: {  	_ =	shalt  }
0x6e: {  	_ =	shalt  }
0x6f: {  	_ =	shalt  }
0x70: {  	_ =	shalt  }
0x71: {  	_ =	shalt  }
0x72: {  	_ =	shalt  }
0x73: {  	_ =	shalt  }
0x74: {  	_ =	shalt  }
0x75: {  	_ =	shalt  }
0x76: {  	_ =	shalt  }
0x77: {  	_ =	shalt  }
0x78: {  	_ =	shalt  }
0x79: {  	_ =	shalt  }
0x7a: {  	_ =	shalt  }
0x7b: {  	_ =	shalt  }
0x7c: {  	_ =	shalt  }
0x7d: {  	_ =	shalt  }
0x7e: {  	_ =	shalt  }
0x7f: {  	_ =	shalt  }
0x80: {  	_ =	shalt  }
0x81: {  	_ =	shalt  }
0x82: {  	_ =	shalt  }
0x83: {  	_ =	shalt  }
0x84: {  	_ =	shalt  }
0x85: {  	_ =	shalt  }
0x86: {  	_ =	shalt  }
0x87: {  	_ =	shalt  }
.Lfunc_end0:
.L_simem_size_0:
called_computation_lowered:
.L_overlay_start_0:
0x88: {  	s2 =	sld [smem:$0x3FD9]  }
0x89: {  	s3 =	sld [smem:$0x3FFE];
	_ =	sdelay $0x1  }
0x8a: {  	s1 =	srdreg.scid  }
0x8b: {  	s0 =	sand.u32 $0x1, s1  }
0x8c: {  	s16 =	sshll.u32 s0, $0xA;
	s2 =	sadd.s32 s3, s2  }
0x8d: {  	s2 =	sadd.s32 s2, s16  }
0x8e: {  	[smem:$0x3FB7] =	sst s2  }
0x8f: {  	_ = 	snop  }
0x90: {  	(tm) =	ssettm $0x1  }
0x91: {  	s17 =	sld [smem:$0x3FFB];
	_ =	sdelay $0x3  }
0x92: {  	_ =	strace s17  }
0x93: {  	s2 =	sld [smem:$0x3FFC];
	_ =	sdelay $0x3  }
0x94: {  	_ =	strace s2  }
0x95: {  	s2 =	sld [smem:$0x3FFD];
	_ =	sdelay $0x3  }
0x96: {  	_ =	strace s2  }
0x97: {  	_ =	strace $0x8FFFFFFF  }
0x98: {  	s18 =	sld [smem:$0x3FDB];
	_ =	sdelay $0x1  }
0x99: {  	s19 =	simm.s32 $_scs_section_size  }
0x9a: {  	s4 =	simm.s32 $_size__tile_overlayer_lowered;
	s5 =	simm.s32 $_tile_overlayer_lowered  }
0x9b: {  	s22 =	simm.s32 $0x1BFF;
	s21 =	sshll.u32 s5, $0x1;
	s2 =	sadd.s32 s19, s18  }
0x9c: {  	s6 =	simm.s32 $0x0;
	s20 =	sshll.u32 s4, $0x1;
	s4 =	sadd.s32 s21, s2  }
0x9d: {  	[timem:s6], [sflag:s22] =	dma.local [hbm:s4], s20  }
0x9e: {  	_ =	swait.ge [sflag:s22], s20  }
0x9f: {  	s3 =	ssub.s32 $0x0, s20;
	[sflag:s22] =	ssyncset.done $0x0  }
0xa0: {  	[sflag:s22] =	ssyncadd.s32 s3;
	_ =	sdelay $0x1  }
0xa1: {  	s23 =	simm.s32 $0x1B8B  }
0xa2: {  	_ =	swait.ge [sflag:s23], $0x1  }
0xa3: {  	[sflag:s23] =	ssyncset.done $0x0  }
0xa4: {  	s25 =	simm.s32 $0x1B8E;
	s24 =	sld [smem:$0x3FFE];
	[sflag:s23] =	ssyncadd.s32 $0xFFFFFFFF  }
0xa5: {  	s26 =	simm.s32 $execute0_lowered;
	[smem:$0x3FD2] =	sst s25  }
0xa6: {  	s4 =	sshll.u32 s26, $0x1;
	_ =	strace $0x80000046;
	[dreg:$0x1] =	wrdreg $0xFFFFFFFF  }
0xa7: {  	s28 =	simm.s32 $_size_execute0_lowered;
	s2 =	sadd.s32 s2, s4;
	[dreg:$0x0] =	wrdreg $0x0  }
0xa8: {  	s4 =	sshll.u32 s28, $0x1;
	[dreg:$0x2] =	wrdreg s2  }
0xa9: {  	[dreg:$0x3] =	wrdreg s4  }
0xaa: {  	[dreg:$0x4] =	wrdreg $0xC0  }
0xab: {  	_ =	task [dreg:s6], $0x5FFFF  }
0xac: {  	[dreg:$0x1] =	wrdreg $0xFFFFFFFF  }
0xad: {  	[dreg:$0x0] =	wrdreg $0x60  }
0xae: {  	[dreg:$0x2] =	wrdreg s24  }
0xaf: {  	[dreg:$0x3] =	wrdreg $0x38000  }
0xb0: {  	[dreg:$0x4] =	wrdreg $0x9  }
0xb1: {  	_ =	task.clear_ibuf [dreg:s6], $0x5FFFF;
	_ =	strace $0x90000046  }
0xb2: {  	s29 =	simm.s32 $0x9;
	_ =	strace $0x80000048  }
0xb3: {  	_ =	swait.ge [sflag:s29], $0x1  }
0xb4: {  	[sflag:s29] =	ssyncadd.s32 $0xFFFFFFFF  }
0xb5: {  	_ =	strace $0x90000048  }
0xb6: {  	_ =	sfence  }
0xb7: {  	s30 =	sld [smem:$0x0];
	_ =	sdelay $0x2  }
0xb8: {  	s31 =	sshll.u32 s1, $0xD;
	s1 =	sshrl.u32 s1, $0x2  }
0xb9: {  	s3 =	sand.u32 $0x4000, s31;
	s1 =	sadd.s32 s1, s30  }
0xba: {  	s0 =	sor.u32 s3, s0;
	s1 =	sshll.u32 s1, $0x11  }
0xbb: {  	s0 =	sor.u32 s1, s0  }
0xbc: {  	s0 =	sadd.s32 $0x8F2B, s0  }
0xbd: {  	[sflag:s0] =	ssyncadd.remote.s32 $0x1  }
0xbe: {  	_ =	sfence.sel $0xFFFF  }
0xbf: {  	[dreg:$0x0] =	wrdreg $0xFFFFFFFF;
	(pc) =	sbr.abs _section_cstart, $3  }
0xc0: {  	[dreg:$0x1] =	wrdreg $0xFFFFFFFF  }
0xc1: {  	_ =	task.clear_ibuf [dreg:s6], $0x2FFFF;
	_ =	strace $0x9FFFFFFF  }
0xc2: {  	(tm) =	ssettm $0x7FFFFFFF  }
0xc3: {  	_ =	shalt  }
tec
execute0_lowered:
.L_overlay_start_1:
0x0: {  	(tag) =	ssettag $0x1  }
0x1: {  	s1 =	srdreg.scid  }
0x2: {  	s0 =	stileid.u32;
	s5 =	rddreg [dreg:$0x0]  }
0x3: {  	s2 =	rddreg [dreg:$0x1];
	s3 =	simm.s32 $0x0;
	s13 =	simm.s32 $0x1  }
0x4: {  	s14 =	simm.s32 $0x80;
	s15 =	simm.s32 $0x2800;
	s4 =	sand.u32 $0x1, s1  }
0x5: {  	s28 =	sshll.u32 s0, $0x1;
	s7 =	smul.u32 $0x2800, s0;
	[smem:$0x7FF] =	sst s3  }
0x6: {  	s9 =	smul.u32 $0xA000, s0;
	s16 =	sshll.u32 s0, $0x6;
	s1 =	sor.u32 s4, s28  }
0x7: {  	s8 =	smul.u32 $0x28000, s4;
	s4 =	ssub.s32 $0x2, s4;
	s16 =	sor.u32 $0x1C01, s16  }
0x8: {  	s6 =	smul.u32 $0x500, s1;
	s1 =	rddreg [dreg:$0x2];
	_ =	strace $0x80000047  }
0x9: {  	s30 =	sshrl.u32 s4, $0x1;
	s9 =	sshrl.u32 s9, $0x2;
	s29 =	sadd.s32 s7, s8  }
0xa: {  	s12 =	ssub.s32 s4, s30;
	s31 =	sadd.s32 s9, s2;
	s4 =	sadd.s32 s7, s2  }
0xb: {  	s10 =	sadd.s32 s6, s5;
	s6 =	sshrl.u32 s29, $0x3;
	s7 =	sadd.s32 $0x1800, s31  }
0xc: {  	s8 =	sadd.s32 $0x2000, s31;
	s17 =	sshrl.u32 s4, $0x3;
	s11 =	sadd.s32 s6, s5  }
0xd: {  	s5 =	sadd.s32 $0x800, s31;
	s6 =	sadd.s32 $0x1000, s31;
	s9 =	sadd.s32 $0x3400, s10  }
0xe: {  	v0 =	vimm.f32 $0.0e+00;
	v1 =	vimm.f32 $1.000000000e+00;
	s10 =	sadd.s32 $0xD400, s11;
	s11 =	smax.u32 s12, $0x1;
	s12 =	simm.s32 $0x3000  }
.LBB2_1:
0xf: {  	s18 =	simm.s32 $0x0  }
.LBB2_2:
0x10: {  	p0 =	sne.s32 s18, $0x1FC0  }
.Ltmp0:
0x11: {  	_ = 	snop;
	(pc) =	sbr.rel @p0 .LBB2_2-.Ltmp0, $3  }
0x12: {  	_ =	sdelay $0x1  }
0x13: {  	s19 =	sshra.s32 s18, $0x2  }
0x14: {  	s18 =	sadd.s32 $0x40, s18;
	[tilespmem:s19+$0x3000] =	vst v0  }
0x15: {  	s18 =	simm.s32 $0x40;
	s19 =	simm.s32 $0x0  }
.LBB2_4:
0x16: {  	p0 =	sne.s32 s18, $0x1FC0;
	[tilespmem:s19+$0x2800] =	vst v1;
	s19 =	smov.u32 s18;
	s18 =	sadd.s32 $0x40, s18  }
.Ltmp1:
0x17: {  	(pc) =	sbr.rel @p0 .LBB2_4-.Ltmp1, $2  }
0x18: {  	_ =	sdelay $0x2  }
0x19: {  	s19 =	sshra.s32 s19, $0x2  }
0x1a: {  	[tilespmem:s19+$0x2800] =	vst v1  }
0x1b: {  	[spmem:s4] =	stream.linear.scatter [tilespmem:s12], [sflag:$0x1], $0x800, $0x38;
	[tilespmem:$0x6000] =	vst v63  }
0x1c: {  	_ =	swait.ge [sflag:s13], $0x800  }
0x1d: {  	[sflag:s13] =	ssyncset.done $0x0  }
0x1e: {  	[sflag:s13] =	ssyncadd.s32 $0xFFFFF800  }
0x1f: {  	[spmem:s5] =	stream.linear.scatter [tilespmem:s12], [sflag:$0x1], $0x800, $0x38;
	[tilespmem:$0x6000] =	vst v63  }
0x20: {  	_ =	swait.ge [sflag:s13], $0x800  }
0x21: {  	[sflag:s13] =	ssyncset.done $0x0  }
0x22: {  	[sflag:s13] =	ssyncadd.s32 $0xFFFFF800  }
0x23: {  	[spmem:s6] =	stream.linear.scatter [tilespmem:s12], [sflag:$0x1], $0x800, $0x38;
	[tilespmem:$0x6000] =	vst v63  }
0x24: {  	_ =	swait.ge [sflag:s13], $0x800  }
0x25: {  	[sflag:s13] =	ssyncset.done $0x0  }
0x26: {  	[sflag:s13] =	ssyncadd.s32 $0xFFFFF800  }
0x27: {  	[spmem:s7] =	stream.linear.scatter [tilespmem:s12], [sflag:$0x1], $0x800, $0x38;
	[tilespmem:$0x6000] =	vst v63  }
0x28: {  	_ =	swait.ge [sflag:s13], $0x800  }
0x29: {  	[sflag:s13] =	ssyncset.done $0x0  }
0x2a: {  	[sflag:s13] =	ssyncadd.s32 $0xFFFFF800  }
0x2b: {  	[spmem:s8] =	stream.linear.scatter [tilespmem:s12], [sflag:$0x1], $0x800, $0x38;
	[tilespmem:$0x6000] =	vst v63  }
0x2c: {  	_ =	swait.ge [sflag:s13], $0x800  }
0x2d: {  	[sflag:s13] =	ssyncset.done $0x0  }
0x2e: {  	s18 =	simm.s32 $0x0;
	[sflag:s13] =	ssyncadd.s32 $0xFFFFF800  }
0x2f: {  	[tilespmem:s18], [sflag:$0x1] =	stream.linear.gather [hbm4b:s9+s18], $0x2800, $0x38;
	[tilespmem:$0x6000] =	vst v63  }
0x30: {  	_ =	swait.ge [sflag:s13], $0x2800  }
0x31: {  	[sflag:s13] =	ssyncset.done $0x0  }
0x32: {  	[sflag:s13] =	ssyncadd.s32 $0xFFFFD800  }
0x33: {  	s31 =	simm.s32 $0x0;
	[bflag:$0x0] =	sbarrier.arrive $0xFFFF  }
0x34: {  	[spmem:s2] =	stream.indirect.scatter.add.f32 [tilespmem:s15], [sflag:$0x1], $0x10, s31, s14, $0xb8;
	[tilespmem:$0x6000] =	vst v63  }
0x35: {  	_ =	swait.ge [sflag:s13], $0x800  }
0x36: {  	s18 =	simm.s32 $0x200;
	[sflag:s13] =	ssyncset.done $0x0  }
.LBB2_6:
0x37: {  	s19 =	sshra.s32 s18, $0x2;
	[sflag:s13] =	ssyncadd.s32 $0xFFFFF800;
	p0 =	sne.s32 s18, $0x9E00  }
0x38: {  	[spmem:s2] =	stream.indirect.scatter.add.f32 [tilespmem:s15], [sflag:$0x1], $0x10, s19, s14, $0xb8;
	[tilespmem:$0x6000] =	vst v63  }
.Ltmp2:
0x39: {  	_ = 	snop;
	(pc) =	sbr.rel @p0 .LBB2_6-.Ltmp2, $4  }
0x3a: {  	_ = 	snop  }
0x3b: {  	s18 =	sadd.s32 $0x200, s18  }
0x3c: {  	_ =	swait.ge [sflag:s13], $0x800  }
0x3d: {  	[sflag:s13] =	ssyncset.done $0x0  }
0x3e: {  	s3 =	sadd.s32 $0x1, s3  }
0x3f: {  	[sflag:s13] =	ssyncadd.s32 $0xFFFFF800;
	p0 =	sne.s32 s3, s11  }
.Ltmp3:
0x40: {  	[bflag:$0x0] =	sbarrier.arrive $0xFFFF;
	(pc) =	sbr.rel @p0 .LBB2_1-.Ltmp3, $4  }
0x41: {  	[hbm:s10], [sflag:s16] =	dma.local [spmem:s17], $0x500  }
0x42: {  	_ =	swait.ge [sflag:s13], $0x500  }
0x43: {  	[sflag:s13] =	ssyncset.done $0x0  }
0x44: {  	[sflag:s13] =	ssyncadd.s32 $0xFFFFFB00  }
0x45: {  	_ =	sfence.sel $0x180000  }
0x46: {  	[bflag:$0x0] =	sbarrier.arrive $0xFFFF  }
0x47: {  	p0 =	sne.s32 s0, $0x0;
	_ =	strace $0x90000047  }
0x48: {  	s0 =	sadd.s32 @!p0 $0x100000, s1;
	[bflag:$0x2] =	sbarrier.arrive $0xFFFF  }
0x49: {  	[sflag:s0] =	ssyncadd.tile.s32 @!p0 $0x1;
	_ =	shalt  }
.Lfunc_end2:
_tile_overlayer_lowered:
.L_overlay_start_2:
0x4a: {  	(tag) =	ssettag $0x2  }
0x4b: {  	s0 =	rddreg [dreg:$0x0];
	s2 =	stileid.u32  }
0x4c: {  	s1 =	rddreg [dreg:$0x1];
	p0 =	sne.s32 s2, $0x0  }
0x4d: {  	s3 =	rddreg [dreg:$0x2];
	[bflag:$0x3] =	sbarrier.arrive $0xFFFF;
	s2 =	simm.s32 @!p0 $0x1C01  }
0x4e: {  	[timem:s3], [sflag:s2] =	dma.local @!p0 [hbm:s0], s1  }
0x4f: {  	s0 =	simm.s32 @!p0 $0x1  }
0x50: {  	_ =	swait.ge @!p0 [sflag:s0], s1  }
0x51: {  	s1 =	ssub.s32 @!p0 $0x0, s1;
	[sflag:s0] =	ssyncset.done @!p0 $0x0  }
0x52: {  	[sflag:s0] =	ssyncadd.s32 @!p0 s1  }
0x53: {  	[bflag:$0x3] =	sbarrier.arrive $0xFFFF  }
0x54: {  	_ =	shalt  }

// kernel: kernel.13.cloned.1.call-start
scs
__scs_entry_jumppad:
0x0: {  	(pc) =	sbr.rel $0x88, $3  }
0x1: {  	(tag) =	ssettag $0x0;
	lr =	simm.s32 $0x1  }
0x2: {  	[smem:$0x3F90] =	sst lr;
	_ =	strace $0xD0000000  }
0x3: {  	_ = 	snop  }
0x4: {  	_ = 	snop  }
0x5: {  	_ = 	snop  }
0x6: {  	_ = 	snop  }
0x7: {  	_ = 	snop  }
__scs_overlays_trampoline_lowered:
0x8: {  	[smem:$0x3F9F] =	sst s0  }
0x9: {  	[smem:$0x3FA0] =	sst s1  }
0xa: {  	[smem:$0x3FA1] =	sst s2  }
0xb: {  	[smem:$0x3FA2] =	sst s3  }
0xc: {  	[smem:$0x3FA3] =	sst s4  }
0xd: {  	[smem:$0x3FA4] =	sst s5  }
0xe: {  	[smem:$0x3FA5] =	sst s6  }
0xf: {  	[smem:$0x3FA6] =	sst s7  }
0x10: {  	[smem:$0x3FA7] =	sst s8  }
0x11: {  	[smem:$0x3FA8] =	sst s9;
	s0 =	simm.s32 @!p0 $0x0  }
0x12: {  	s1 =	sld [smem:$0x3F8E];
	s0 =	simm.s32 @p0 $0x1  }
0x13: {  	[smem:$0x3FA9] =	sst s0;
	s0 =	simm.s32 @!p1 $0x0  }
0x14: {  	s2 =	sld [smem:$0x3F8D];
	s0 =	simm.s32 @p1 $0x1  }
0x15: {  	[smem:$0x3FAA] =	sst s0;
	s0 =	simm.s32 @!p2 $0x0  }
0x16: {  	s3 =	sld [smem:$0x3FDB];
	s0 =	simm.s32 @p2 $0x1  }
0x17: {  	s4 =	simm.s32 $0x1BF5;
	[smem:$0x3FAC] =	sst s0  }
0x18: {  	s0 =	sld [smem:$0x3F8F];
	_ =	swait.ge [sflag:s4], $0x0  }
0x19: {  	s7 =	sld [smem:$0x3F90]  }
0x1a: {  	s8 =	sadd.s32 $0xFFFFE003, lr  }
0x1b: {  	s9 =	sadd.s32 $0xFFFFFEF7, lr;
	s5 =	simm.s32 $0xFFFFFFFF;
	p2 =	slt.u32 s8, $0xFFFFF086  }
0x1c: {  	p1 =	slt.u32 s9, $0xF7A;
	s5 =	simm.s32 @!p2 $0x0  }
0x1d: {  	s5 =	simm.s32 @p1 $0x1;
	p0 =	seq.s32 s7, s2  }
0x1e: {  	s7 =	smul.u32 @!p0 $0xF7A, s2;
	p2 =	seq.s32 @!p0 s5, $0x0  }
0x1f: {  	s9 =	smul.u32 $0xF7A, s1;
	s8 =	simm.s32 @!p0 $0x1BF5;
	p2 =	por !p2, p0  }
0x20: {  	[sflag:s8] =	ssyncset.s32 @!p0 $0xFFFFF086;
	s6 =	sadd.s32 @!p0 s3, s7;
	s7 =	simm.s32 @!p0 $0x108  }
0x21: {  	s3 =	sadd.s32 s3, s9;
	s6 =	sadd.s32 @!p0 $0x88, s6;
	s7 =	simm.s32 @p2 $0x1082  }
0x22: {  	[simem:s7], [sflag:s8] =	dma.local @!p0 [hbm:s6], $0xF7A  }
0x23: {  	s9 =	sor.u32 $0xD0000000, s2;
	s6 =	simm.s32 $0x108;
	_ =	swait.ge @!p0 [sflag:s8], $0x0  }
0x24: {  	s3 =	sadd.s32 $0x88, s3;
	s6 =	simm.s32 @!p1 $0x1082;
	[sflag:s4] =	ssyncset.s32 $0xFFFFF086  }
0x25: {  	[simem:s6], [sflag:s4] =	dma.local [hbm:s3], $0xF7A  }
0x26: {  	[smem:$0x3F90] =	sst s1;
	(tag) =	ssettag s2;
	_ =	strace s9  }
0x27: {  	s1 =	sld [smem:$0x3FA0]  }
0x28: {  	s2 =	sld [smem:$0x3FA1]  }
0x29: {  	s4 =	sld [smem:$0x3FA3]  }
0x2a: {  	p0 =	seq.s32 s5, $0x0;
	s5 =	sld [smem:$0x3FA4]  }
0x2b: {  	s6 =	sld [smem:$0x3FA5]  }
0x2c: {  	s7 =	sld [smem:$0x3FA6]  }
0x2d: {  	s3 =	simm.s32 $0x108;
	s8 =	sld [smem:$0x3FA7]  }
0x2e: {  	s3 =	simm.s32 @!p0 $0x1082;
	s9 =	sld [smem:$0x3FA8]  }
0x2f: {  	lr =	sadd.s32 s0, s3;
	s0 =	sld [smem:$0x3F9F]  }
0x30: {  	s3 =	sld [smem:$0x3FA2]  }
0x31: {  	[smem:$0x3FAB] =	sst s10  }
0x32: {  	s10 =	sld [smem:$0x3FA9];
	_ =	sdelay $0x3  }
0x33: {  	p0 =	seq.s32 s10, $0x1;
	s10 =	sld [smem:$0x3FAB];
	_ =	sdelay $0x3  }
0x34: {  	[smem:$0x3FAB] =	sst s10  }
0x35: {  	s10 =	sld [smem:$0x3FAA];
	_ =	sdelay $0x3  }
0x36: {  	p1 =	seq.s32 s10, $0x1;
	s10 =	sld [smem:$0x3FAB];
	_ =	sdelay $0x3  }
0x37: {  	[smem:$0x3FAB] =	sst s10  }
0x38: {  	s10 =	sld [smem:$0x3FAC]  }
0x39: {  	_ = 	snop;
	(pc) =	sbr.ind lr, $3  }
0x3a: {  	_ = 	snop  }
0x3b: {  	_ = 	snop  }
0x3c: {  	p2 =	seq.s32 s10, $0x1;
	s10 =	sld [smem:$0x3FAB]  }
0x3d: {  	_ =	shalt  }
0x3e: {  	_ =	shalt  }
0x3f: {  	_ =	shalt  }
0x40: {  	_ =	shalt  }
0x41: {  	_ =	shalt  }
0x42: {  	_ =	shalt  }
0x43: {  	_ =	shalt  }
0x44: {  	_ =	shalt  }
0x45: {  	_ =	shalt  }
0x46: {  	_ =	shalt  }
0x47: {  	_ =	shalt  }
0x48: {  	_ =	shalt  }
0x49: {  	_ =	shalt  }
0x4a: {  	_ =	shalt  }
0x4b: {  	_ =	shalt  }
0x4c: {  	_ =	shalt  }
0x4d: {  	_ =	shalt  }
0x4e: {  	_ =	shalt  }
0x4f: {  	_ =	shalt  }
0x50: {  	_ =	shalt  }
0x51: {  	_ =	shalt  }
0x52: {  	_ =	shalt  }
0x53: {  	_ =	shalt  }
0x54: {  	_ =	shalt  }
0x55: {  	_ =	shalt  }
0x56: {  	_ =	shalt  }
0x57: {  	_ =	shalt  }
0x58: {  	_ =	shalt  }
0x59: {  	_ =	shalt  }
0x5a: {  	_ =	shalt  }
0x5b: {  	_ =	shalt  }
0x5c: {  	_ =	shalt  }
0x5d: {  	_ =	shalt  }
0x5e: {  	_ =	shalt  }
0x5f: {  	_ =	shalt  }
0x60: {  	_ =	shalt  }
0x61: {  	_ =	shalt  }
0x62: {  	_ =	shalt  }
0x63: {  	_ =	shalt  }
0x64: {  	_ =	shalt  }
0x65: {  	_ =	shalt  }
0x66: {  	_ =	shalt  }
0x67: {  	_ =	shalt  }
0x68: {  	_ =	shalt  }
0x69: {  	_ =	shalt  }
0x6a: {  	_ =	shalt  }
0x6b: {  	_ =	shalt  }
0x6c: {  	_ =	shalt  }
0x6d: {  	_ =	shalt  }
0x6e: {  	_ =	shalt  }
0x6f: {  	_ =	shalt  }
0x70: {  	_ =	shalt  }
0x71: {  	_ =	shalt  }
0x72: {  	_ =	shalt  }
0x73: {  	_ =	shalt  }
0x74: {  	_ =	shalt  }
0x75: {  	_ =	shalt  }
0x76: {  	_ =	shalt  }
0x77: {  	_ =	shalt  }
0x78: {  	_ =	shalt  }
0x79: {  	_ =	shalt  }
0x7a: {  	_ =	shalt  }
0x7b: {  	_ =	shalt  }
0x7c: {  	_ =	shalt  }
0x7d: {  	_ =	shalt  }
0x7e: {  	_ =	shalt  }
0x7f: {  	_ =	shalt  }
0x80: {  	_ =	shalt  }
0x81: {  	_ =	shalt  }
0x82: {  	_ =	shalt  }
0x83: {  	_ =	shalt  }
0x84: {  	_ =	shalt  }
0x85: {  	_ =	shalt  }
0x86: {  	_ =	shalt  }
0x87: {  	_ =	shalt  }
.Lfunc_end0:
.L_simem_size_0:
called_computation.1_lowered:
.L_overlay_start_0:
0x88: {  	s2 =	sld [smem:$0x3FD9]  }
0x89: {  	s3 =	sld [smem:$0x3FFE];
	_ =	sdelay $0x1  }
0x8a: {  	s1 =	srdreg.scid  }
0x8b: {  	s0 =	sand.u32 $0x1, s1  }
0x8c: {  	s16 =	sshll.u32 s0, $0xA;
	s2 =	sadd.s32 s3, s2  }
0x8d: {  	s2 =	sadd.s32 s2, s16  }
0x8e: {  	[smem:$0x3FB7] =	sst s2  }
0x8f: {  	_ = 	snop  }
0x90: {  	(tm) =	ssettm $0x1  }
0x91: {  	s17 =	sld [smem:$0x3FFB];
	_ =	sdelay $0x3  }
0x92: {  	_ =	strace s17  }
0x93: {  	s2 =	sld [smem:$0x3FFC];
	_ =	sdelay $0x3  }
0x94: {  	_ =	strace s2  }
0x95: {  	s2 =	sld [smem:$0x3FFD];
	_ =	sdelay $0x3  }
0x96: {  	_ =	strace s2  }
0x97: {  	_ =	strace $0x8FFFFFFF  }
0x98: {  	s18 =	sld [smem:$0x3FDB];
	_ =	sdelay $0x1  }
0x99: {  	s19 =	simm.s32 $_scs_section_size  }
0x9a: {  	s4 =	simm.s32 $_size__tile_overlayer_lowered;
	s5 =	simm.s32 $_tile_overlayer_lowered  }
0x9b: {  	s22 =	simm.s32 $0x1BFF;
	s21 =	sshll.u32 s5, $0x1;
	s2 =	sadd.s32 s19, s18  }
0x9c: {  	s6 =	simm.s32 $0x0;
	s20 =	sshll.u32 s4, $0x1;
	s4 =	sadd.s32 s21, s2  }
0x9d: {  	[timem:s6], [sflag:s22] =	dma.local [hbm:s4], s20  }
0x9e: {  	_ =	swait.ge [sflag:s22], s20  }
0x9f: {  	s3 =	ssub.s32 $0x0, s20;
	[sflag:s22] =	ssyncset.done $0x0  }
0xa0: {  	[sflag:s22] =	ssyncadd.s32 s3;
	_ =	sdelay $0x1  }
0xa1: {  	s23 =	simm.s32 $0x1B8B  }
0xa2: {  	_ =	swait.ge [sflag:s23], $0x1  }
0xa3: {  	[sflag:s23] =	ssyncset.done $0x0  }
0xa4: {  	s25 =	simm.s32 $0x1B8E;
	s24 =	sld [smem:$0x3FFE];
	[sflag:s23] =	ssyncadd.s32 $0xFFFFFFFF  }
0xa5: {  	s26 =	simm.s32 $execute0_lowered;
	[smem:$0x3FD2] =	sst s25  }
0xa6: {  	s4 =	sshll.u32 s26, $0x1;
	_ =	strace $0x80000049;
	[dreg:$0x1] =	wrdreg $0xFFFFFFFF  }
0xa7: {  	s28 =	simm.s32 $_size_execute0_lowered;
	s2 =	sadd.s32 s2, s4;
	[dreg:$0x0] =	wrdreg $0x0  }
0xa8: {  	s4 =	sshll.u32 s28, $0x1;
	[dreg:$0x2] =	wrdreg s2  }
0xa9: {  	[dreg:$0x3] =	wrdreg s4  }
0xaa: {  	[dreg:$0x4] =	wrdreg $0xC0  }
0xab: {  	_ =	task [dreg:s6], $0x5FFFF  }
0xac: {  	[dreg:$0x1] =	wrdreg $0xFFFFFFFF  }
0xad: {  	[dreg:$0x0] =	wrdreg $0x60  }
0xae: {  	[dreg:$0x2] =	wrdreg s24  }
0xaf: {  	[dreg:$0x3] =	wrdreg $0xAE800  }
0xb0: {  	[dreg:$0x4] =	wrdreg $0x9  }
0xb1: {  	_ =	task.clear_ibuf [dreg:s6], $0x5FFFF;
	_ =	strace $0x90000049  }
0xb2: {  	s29 =	simm.s32 $0x9;
	_ =	strace $0x8000004B  }
0xb3: {  	_ =	swait.ge [sflag:s29], $0x1  }
0xb4: {  	[sflag:s29] =	ssyncadd.s32 $0xFFFFFFFF  }
0xb5: {  	_ =	strace $0x9000004B  }
0xb6: {  	_ =	sfence  }
0xb7: {  	s30 =	sld [smem:$0x0];
	_ =	sdelay $0x2  }
0xb8: {  	s31 =	sshll.u32 s1, $0xD;
	s1 =	sshrl.u32 s1, $0x2  }
0xb9: {  	s3 =	sand.u32 $0x4000, s31;
	s1 =	sadd.s32 s1, s30  }
0xba: {  	s0 =	sor.u32 s3, s0;
	s1 =	sshll.u32 s1, $0x11  }
0xbb: {  	s0 =	sor.u32 s1, s0  }
0xbc: {  	s0 =	sadd.s32 $0x8F2B, s0  }
0xbd: {  	[sflag:s0] =	ssyncadd.remote.s32 $0x1  }
0xbe: {  	_ =	sfence.sel $0xFFFF  }
0xbf: {  	[dreg:$0x0] =	wrdreg $0xFFFFFFFF;
	(pc) =	sbr.abs _section_cstart, $3  }
0xc0: {  	[dreg:$0x1] =	wrdreg $0xFFFFFFFF  }
0xc1: {  	_ =	task.clear_ibuf [dreg:s6], $0x2FFFF;
	_ =	strace $0x9FFFFFFF  }
0xc2: {  	(tm) =	ssettm $0x7FFFFFFF  }
0xc3: {  	_ =	shalt  }
tec
execute0_lowered:
.L_overlay_start_1:
0x0: {  	(tag) =	ssettag $0x1  }
0x1: {  	s5 =	rddreg [dreg:$0x0]  }
0x2: {  	s2 =	rddreg [dreg:$0x1]  }
0x3: {  	s0 =	rddreg [dreg:$0x2]  }
0x4: {  	s4 =	srdreg.scid;
	s1 =	stileid.u32;
	s3 =	simm.s32 $0x0  }
0x5: {  	s18 =	simm.s32 $0x3780;
	s19 =	simm.s32 $0x80;
	s6 =	smul.u32 $0xA000, s1  }
0x6: {  	s20 =	simm.s32 $0x6E80;
	s16 =	sand.u32 $0x1, s4;
	s8 =	smul.u32 $0x28000, s1  }
0x7: {  	[smem:$0x7FF] =	sst s3;
	s4 =	sadd.s32 $0x21400, s5;
	s10 =	smul.u32 $0x5000, s1  }
0x8: {  	s12 =	sadd.s32 $0x17400, s5;
	s13 =	sadd.s32 $0x3400, s5;
	s17 =	smul.u32 $0xA00, s1  }
0x9: {  	s7 =	smul.u32 $0xA0000, s16;
	_ =	strace $0x8000004A;
	s29 =	ssub.s32 $0x2, s16  }
0xa: {  	p0 =	sne.s32 s16, $0x0;
	s16 =	simm.s32 $0x8E80;
	s30 =	sshrl.u32 s8, $0x2  }
0xb: {  	s31 =	sshrl.u32 s29, $0x1;
	s10 =	sshrl.u32 s10, $0x3;
	s7 =	sadd.s32 s6, s7  }
0xc: {  	s9 =	sadd.s32 s30, s2;
	s15 =	ssub.s32 s29, s31;
	s11 =	sadd.s32 $0x6E0, s10  }
.Ltmp0:
0xd: {  	s7 =	sshrl.u32 s7, $0x3;
	s8 =	sadd.s32 $0x6000, s9;
	(pc) =	sbr.rel .LBB2_1-.Ltmp0, $4  }
0xe: {  	s10 =	sadd.s32 s12, s11;
	s11 =	sadd.s32 s13, s11;
	s12 =	sadd.s32 s12, s17  }
0xf: {  	s13 =	sadd.s32 s13, s17;
	s15 =	smax.u32 s15, $0x1;
	s17 =	simm.s32 $0x1  }
0x10: {  	s14 =	sadd.s32 s7, s5;
	s5 =	sadd.s32 s6, s2;
	s6 =	sadd.s32 $0x2000, s9  }
0x11: {  	v0 =	vimm.f32 $0.0e+00;
	s7 =	sadd.s32 $0x4000, s9;
	s9 =	sadd.s32 $0x8000, s9;
	s14 =	sadd.s32 $0x35400, s14  }
.LBB2_9:
0x12: {  	s21 =	sshra.s32 s21, $0x2;
	[sflag:s17] =	ssyncadd.s32 $0xFFFFE000  }
0x13: {  	[tilespmem:s20], [sflag:$0x1] =	stream.indirect.gather [hbm4b:s4+s19], $0x40, s21, s19, $0xb8;
	[tilespmem:$0x14E80] =	vst v63  }
0x14: {  	_ =	swait.ge [sflag:s17], $0x2000  }
0x15: {  	[sflag:s17] =	ssyncset.done $0x0  }
0x16: {  	s21 =	sadd.s32 $0x3780, s21;
	[sflag:s17] =	ssyncadd.s32 $0xFFFFE000  }
0x17: {  	[spmem:s2] =	stream.indirect.scatter.add.f32 [tilespmem:s20], [sflag:$0x1], $0x40, s21, s19, $0xb8;
	[tilespmem:$0x14E80] =	vst v63  }
0x18: {  	_ =	swait.ge [sflag:s17], $0x2000  }
0x19: {  	[sflag:s17] =	ssyncset.done $0x0  }
0x1a: {  	[sflag:s17] =	ssyncadd.s32 $0xFFFFE000  }
.LBB2_10:
0x1b: {  	s3 =	sadd.s32 $0x1, s3  }
0x1c: {  	s21 =	sshll.u32 s1, $0x6;
	[bflag:$0x0] =	sbarrier.arrive $0xFFFF;
	p1 =	sne.s32 s3, s15  }
.Ltmp1:
0x1d: {  	s22 =	sshrl.u32 s5, $0x3;
	s21 =	sor.u32 $0x1C01, s21;
	(pc) =	sbr.rel @!p1 .LBB2_11-.Ltmp1, $4  }
0x1e: {  	[hbm:s14], [sflag:s21] =	dma.local [spmem:s22], $0x1400  }
0x1f: {  	_ =	swait.ge [sflag:s17], $0x1400  }
0x20: {  	[sflag:s17] =	ssyncset.done $0x0  }
0x21: {  	[sflag:s17] =	ssyncadd.s32 $0xFFFFEC00  }
.LBB2_1:
0x22: {  	s22 =	simm.s32 $0x100;
	s21 =	simm.s32 $0x0  }
.LBB2_2:
0x23: {  	p1 =	sne.s32 s22, $0x7F00;
	[tilespmem:s21+$0x8EB0] =	vst v0;
	s23 =	smov.u32 s22;
	s22 =	sadd.s32 $0x100, s22  }
.Ltmp2:
0x24: {  	[tilespmem:s21+$0x8EA0] =	vst v0;
	(pc) =	sbr.rel @p1 .LBB2_2-.Ltmp2, $3  }
0x25: {  	[tilespmem:s21+$0x8E80] =	vst v0  }
0x26: {  	[tilespmem:s21+$0x8E90] =	vst v0;
	_ =	sdelay $0x1  }
0x27: {  	s21 =	sshra.s32 s23, $0x2  }
0x28: {  	[tilespmem:s21+$0x8EB0] =	vst v0  }
0x29: {  	[tilespmem:s21+$0x8EA0] =	vst v0  }
0x2a: {  	[tilespmem:s21+$0x8E80] =	vst v0  }
0x2b: {  	[tilespmem:s21+$0x8E90] =	vst v0  }
0x2c: {  	[spmem:s5] =	stream.linear.scatter [tilespmem:s16], [sflag:$0x1], $0x2000, $0x38;
	[tilespmem:$0x14E80] =	vst v63  }
0x2d: {  	_ =	swait.ge [sflag:s17], $0x2000  }
0x2e: {  	[sflag:s17] =	ssyncset.done $0x0  }
0x2f: {  	[sflag:s17] =	ssyncadd.s32 $0xFFFFE000  }
0x30: {  	[spmem:s6] =	stream.linear.scatter [tilespmem:s16], [sflag:$0x1], $0x2000, $0x38;
	[tilespmem:$0x14E80] =	vst v63  }
0x31: {  	_ =	swait.ge [sflag:s17], $0x2000  }
0x32: {  	[sflag:s17] =	ssyncset.done $0x0  }
0x33: {  	[sflag:s17] =	ssyncadd.s32 $0xFFFFE000  }
0x34: {  	[spmem:s7] =	stream.linear.scatter [tilespmem:s16], [sflag:$0x1], $0x2000, $0x38;
	[tilespmem:$0x14E80] =	vst v63  }
0x35: {  	_ =	swait.ge [sflag:s17], $0x2000  }
0x36: {  	[sflag:s17] =	ssyncset.done $0x0  }
0x37: {  	[sflag:s17] =	ssyncadd.s32 $0xFFFFE000  }
0x38: {  	[spmem:s8] =	stream.linear.scatter [tilespmem:s16], [sflag:$0x1], $0x2000, $0x38;
	[tilespmem:$0x14E80] =	vst v63  }
0x39: {  	_ =	swait.ge [sflag:s17], $0x2000  }
0x3a: {  	[sflag:s17] =	ssyncset.done $0x0  }
.Ltmp3:
0x3b: {  	[sflag:s17] =	ssyncadd.s32 $0xFFFFE000;
	(pc) =	sbr.rel @p0 .LBB2_7-.Ltmp3, $4  }
0x3c: {  	[spmem:s9] =	stream.linear.scatter [tilespmem:s16], [sflag:$0x1], $0x2000, $0x38;
	[tilespmem:$0x14E80] =	vst v63  }
0x3d: {  	_ =	swait.ge [sflag:s17], $0x2000  }
0x3e: {  	[sflag:s17] =	ssyncset.done $0x0  }
0x3f: {  	s21 =	simm.s32 $0x0;
	[sflag:s17] =	ssyncadd.s32 $0xFFFFE000  }
0x40: {  	[tilespmem:s21], [sflag:$0x1] =	stream.linear.gather [hbm4b:s12+s21], $0x3700, $0x38;
	[tilespmem:$0x14E80] =	vst v63  }
0x41: {  	_ =	swait.ge [sflag:s17], $0x3700  }
0x42: {  	[sflag:s17] =	ssyncset.done $0x0  }
0x43: {  	[sflag:s17] =	ssyncadd.s32 $0xFFFFC900  }
0x44: {  	[tilespmem:s18], [sflag:$0x1] =	stream.linear.gather [hbm4b:s13+s21], $0x3700, $0x38;
	[tilespmem:$0x14E80] =	vst v63  }
0x45: {  	_ =	swait.ge [sflag:s17], $0x3700  }
0x46: {  	[sflag:s17] =	ssyncset.done $0x0  }
0x47: {  	[sflag:s17] =	ssyncadd.s32 $0xFFFFC900  }
0x48: {  	s30 =	simm.s32 $0x0;
	[bflag:$0x0] =	sbarrier.arrive $0xFFFF  }
0x49: {  	[tilespmem:s20], [sflag:$0x1] =	stream.indirect.gather [hbm4b:s4+s19], $0x40, s30, s19, $0xb8;
	[tilespmem:$0x14E80] =	vst v63  }
0x4a: {  	_ =	swait.ge [sflag:s17], $0x2000  }
0x4b: {  	[sflag:s17] =	ssyncset.done $0x0  }
0x4c: {  	s31 =	simm.s32 $0x3780;
	[sflag:s17] =	ssyncadd.s32 $0xFFFFE000  }
0x4d: {  	[spmem:s2] =	stream.indirect.scatter.add.f32 [tilespmem:s20], [sflag:$0x1], $0x40, s31, s19, $0xb8;
	[tilespmem:$0x14E80] =	vst v63  }
0x4e: {  	_ =	swait.ge [sflag:s17], $0x2000  }
0x4f: {  	s22 =	simm.s32 $0x400;
	s21 =	simm.s32 $0x200;
	[sflag:s17] =	ssyncset.done $0x0  }
.LBB2_5:
0x50: {  	s23 =	sshra.s32 s21, $0x2  }
0x51: {  	[sflag:s17] =	ssyncadd.s32 $0xFFFFE000;
	s21 =	smov.u32 s22;
	s24 =	sadd.s32 $0x200, s22  }
0x52: {  	[tilespmem:s20], [sflag:$0x1] =	stream.indirect.gather [hbm4b:s4+s19], $0x40, s23, s19, $0xb8;
	[tilespmem:$0x14E80] =	vst v63  }
0x53: {  	p1 =	seq.s32 s22, $0xDA00;
	_ =	swait.ge [sflag:s17], $0x2000  }
.Ltmp4:
0x54: {  	[sflag:s17] =	ssyncset.done $0x0;
	(pc) =	sbr.rel @!p1 .LBB2_5-.Ltmp4, $4  }
0x55: {  	s22 =	sadd.s32 $0x3780, s23;
	[sflag:s17] =	ssyncadd.s32 $0xFFFFE000  }
0x56: {  	[spmem:s2] =	stream.indirect.scatter.add.f32 [tilespmem:s20], [sflag:$0x1], $0x40, s22, s19, $0xb8;
	[tilespmem:$0x14E80] =	vst v63  }
0x57: {  	_ =	swait.ge [sflag:s17], $0x2000  }
0x58: {  	s22 =	smov.u32 s24;
	[sflag:s17] =	ssyncset.done $0x0  }
0x59: {  	s21 =	sshra.s32 s21, $0x2;
	[sflag:s17] =	ssyncadd.s32 $0xFFFFE000  }
0x5a: {  	[tilespmem:s20], [sflag:$0x1] =	stream.indirect.gather [hbm4b:s4+s19], $0x40, s21, s19, $0xb8;
	[tilespmem:$0x14E80] =	vst v63  }
0x5b: {  	_ =	swait.ge [sflag:s17], $0x2000  }
0x5c: {  	[sflag:s17] =	ssyncset.done $0x0  }
.Ltmp5:
0x5d: {  	s21 =	sadd.s32 $0x3780, s21;
	[sflag:s17] =	ssyncadd.s32 $0xFFFFE000;
	(pc) =	sbr.rel .LBB2_10-.Ltmp5, $4  }
0x5e: {  	[spmem:s2] =	stream.indirect.scatter.add.f32 [tilespmem:s20], [sflag:$0x1], $0x40, s21, s19, $0xb8;
	[tilespmem:$0x14E80] =	vst v63  }
0x5f: {  	_ =	swait.ge [sflag:s17], $0x2000  }
0x60: {  	[sflag:s17] =	ssyncset.done $0x0  }
0x61: {  	[sflag:s17] =	ssyncadd.s32 $0xFFFFE000  }
.LBB2_7:
0x62: {  	[tilespmem:s21], [sflag:$0x1] =	stream.linear.gather [hbm4b:s10+s21], $0x1900, $0x38;
	[tilespmem:$0x14E80] =	vst v63  }
0x63: {  	_ =	swait.ge [sflag:s17], $0x1900  }
0x64: {  	[sflag:s17] =	ssyncset.done $0x0  }
0x65: {  	[sflag:s17] =	ssyncadd.s32 $0xFFFFE700  }
0x66: {  	[tilespmem:s18], [sflag:$0x1] =	stream.linear.gather [hbm4b:s11+s21], $0x1900, $0x38;
	[tilespmem:$0x14E80] =	vst v63  }
0x67: {  	_ =	swait.ge [sflag:s17], $0x1900  }
0x68: {  	[sflag:s17] =	ssyncset.done $0x0  }
0x69: {  	[sflag:s17] =	ssyncadd.s32 $0xFFFFE700  }
0x6a: {  	s30 =	simm.s32 $0x0;
	[bflag:$0x0] =	sbarrier.arrive $0xFFFF  }
0x6b: {  	[tilespmem:s20], [sflag:$0x1] =	stream.indirect.gather [hbm4b:s4+s19], $0x40, s30, s19, $0xb8;
	[tilespmem:$0x14E80] =	vst v63  }
0x6c: {  	_ =	swait.ge [sflag:s17], $0x2000  }
0x6d: {  	[sflag:s17] =	ssyncset.done $0x0  }
0x6e: {  	s31 =	simm.s32 $0x3780;
	[sflag:s17] =	ssyncadd.s32 $0xFFFFE000  }
0x6f: {  	[spmem:s2] =	stream.indirect.scatter.add.f32 [tilespmem:s20], [sflag:$0x1], $0x40, s31, s19, $0xb8;
	[tilespmem:$0x14E80] =	vst v63  }
0x70: {  	_ =	swait.ge [sflag:s17], $0x2000  }
0x71: {  	s22 =	simm.s32 $0x400;
	s21 =	simm.s32 $0x200;
	[sflag:s17] =	ssyncset.done $0x0  }
.LBB2_8:
0x72: {  	s23 =	sshra.s32 s21, $0x2  }
0x73: {  	[sflag:s17] =	ssyncadd.s32 $0xFFFFE000;
	s21 =	smov.u32 s22;
	s24 =	sadd.s32 $0x200, s22  }
0x74: {  	[tilespmem:s20], [sflag:$0x1] =	stream.indirect.gather [hbm4b:s4+s19], $0x40, s23, s19, $0xb8;
	[tilespmem:$0x14E80] =	vst v63  }
0x75: {  	p1 =	sne.s32 s22, $0x6200;
	_ =	swait.ge [sflag:s17], $0x2000  }
.Ltmp6:
0x76: {  	[sflag:s17] =	ssyncset.done $0x0;
	(pc) =	sbr.rel @p1 .LBB2_8-.Ltmp6, $4  }
0x77: {  	s22 =	sadd.s32 $0x3780, s23;
	[sflag:s17] =	ssyncadd.s32 $0xFFFFE000  }
0x78: {  	[spmem:s2] =	stream.indirect.scatter.add.f32 [tilespmem:s20], [sflag:$0x1], $0x40, s22, s19, $0xb8;
	[tilespmem:$0x14E80] =	vst v63  }
0x79: {  	_ =	swait.ge [sflag:s17], $0x2000  }
0x7a: {  	s22 =	smov.u32 s24;
	[sflag:s17] =	ssyncset.done $0x0  }
.Ltmp7:
0x7b: {  	_ = 	snop;
	(pc) =	sbr.rel .LBB2_9-.Ltmp7, $1  }
0x7c: {  	_ =	sdelay $0x3  }
.LBB2_11:
0x7d: {  	_ =	sfence.sel $0x180000  }
0x7e: {  	[bflag:$0x0] =	sbarrier.arrive $0xFFFF  }
0x7f: {  	p0 =	sne.s32 s1, $0x0;
	_ =	strace $0x9000004A  }
0x80: {  	s0 =	sadd.s32 @!p0 $0x100000, s0;
	[bflag:$0x2] =	sbarrier.arrive $0xFFFF  }
0x81: {  	[sflag:s0] =	ssyncadd.tile.s32 @!p0 $0x1;
	_ =	shalt  }
.Lfunc_end2:
_tile_overlayer_lowered:
.L_overlay_start_2:
0x82: {  	(tag) =	ssettag $0x2  }
0x83: {  	s0 =	rddreg [dreg:$0x0];
	s2 =	stileid.u32  }
0x84: {  	s1 =	rddreg [dreg:$0x1];
	p0 =	sne.s32 s2, $0x0  }
0x85: {  	s3 =	rddreg [dreg:$0x2];
	[bflag:$0x3] =	sbarrier.arrive $0xFFFF;
	s2 =	simm.s32 @!p0 $0x1C01  }
0x86: {  	[timem:s3], [sflag:s2] =	dma.local @!p0 [hbm:s0], s1  }
0x87: {  	s0 =	simm.s32 @!p0 $0x1  }
0x88: {  	_ =	swait.ge @!p0 [sflag:s0], s1  }
0x89: {  	s1 =	ssub.s32 @!p0 $0x0, s1;
	[sflag:s0] =	ssyncset.done @!p0 $0x0  }
0x8a: {  	[sflag:s0] =	ssyncadd.s32 @!p0 s1  }
0x8b: {  	[bflag:$0x3] =	sbarrier.arrive $0xFFFF  }
0x8c: {  	_ =	shalt  }

// kernel: kernel.16.cloned.1.call-start
scs
__scs_entry_jumppad:
0x0: {  	(pc) =	sbr.rel $0x88, $3  }
0x1: {  	(tag) =	ssettag $0x0;
	lr =	simm.s32 $0x1  }
0x2: {  	[smem:$0x3F90] =	sst lr;
	_ =	strace $0xD0000000  }
0x3: {  	_ = 	snop  }
0x4: {  	_ = 	snop  }
0x5: {  	_ = 	snop  }
0x6: {  	_ = 	snop  }
0x7: {  	_ = 	snop  }
__scs_overlays_trampoline_lowered:
0x8: {  	[smem:$0x3F9F] =	sst s0  }
0x9: {  	[smem:$0x3FA0] =	sst s1  }
0xa: {  	[smem:$0x3FA1] =	sst s2  }
0xb: {  	[smem:$0x3FA2] =	sst s3  }
0xc: {  	[smem:$0x3FA3] =	sst s4  }
0xd: {  	[smem:$0x3FA4] =	sst s5  }
0xe: {  	[smem:$0x3FA5] =	sst s6  }
0xf: {  	[smem:$0x3FA6] =	sst s7  }
0x10: {  	[smem:$0x3FA7] =	sst s8  }
0x11: {  	[smem:$0x3FA8] =	sst s9;
	s0 =	simm.s32 @!p0 $0x0  }
0x12: {  	s1 =	sld [smem:$0x3F8E];
	s0 =	simm.s32 @p0 $0x1  }
0x13: {  	[smem:$0x3FA9] =	sst s0;
	s0 =	simm.s32 @!p1 $0x0  }
0x14: {  	s2 =	sld [smem:$0x3F8D];
	s0 =	simm.s32 @p1 $0x1  }
0x15: {  	[smem:$0x3FAA] =	sst s0;
	s0 =	simm.s32 @!p2 $0x0  }
0x16: {  	s3 =	sld [smem:$0x3FDB];
	s0 =	simm.s32 @p2 $0x1  }
0x17: {  	s4 =	simm.s32 $0x1BF5;
	[smem:$0x3FAC] =	sst s0  }
0x18: {  	s0 =	sld [smem:$0x3F8F];
	_ =	swait.ge [sflag:s4], $0x0  }
0x19: {  	s7 =	sld [smem:$0x3F90]  }
0x1a: {  	s8 =	sadd.s32 $0xFFFFE003, lr  }
0x1b: {  	s9 =	sadd.s32 $0xFFFFFEF7, lr;
	s5 =	simm.s32 $0xFFFFFFFF;
	p2 =	slt.u32 s8, $0xFFFFF086  }
0x1c: {  	p1 =	slt.u32 s9, $0xF7A;
	s5 =	simm.s32 @!p2 $0x0  }
0x1d: {  	s5 =	simm.s32 @p1 $0x1;
	p0 =	seq.s32 s7, s2  }
0x1e: {  	s7 =	smul.u32 @!p0 $0xF7A, s2;
	p2 =	seq.s32 @!p0 s5, $0x0  }
0x1f: {  	s9 =	smul.u32 $0xF7A, s1;
	s8 =	simm.s32 @!p0 $0x1BF5;
	p2 =	por !p2, p0  }
0x20: {  	[sflag:s8] =	ssyncset.s32 @!p0 $0xFFFFF086;
	s6 =	sadd.s32 @!p0 s3, s7;
	s7 =	simm.s32 @!p0 $0x108  }
0x21: {  	s3 =	sadd.s32 s3, s9;
	s6 =	sadd.s32 @!p0 $0x88, s6;
	s7 =	simm.s32 @p2 $0x1082  }
0x22: {  	[simem:s7], [sflag:s8] =	dma.local @!p0 [hbm:s6], $0xF7A  }
0x23: {  	s9 =	sor.u32 $0xD0000000, s2;
	s6 =	simm.s32 $0x108;
	_ =	swait.ge @!p0 [sflag:s8], $0x0  }
0x24: {  	s3 =	sadd.s32 $0x88, s3;
	s6 =	simm.s32 @!p1 $0x1082;
	[sflag:s4] =	ssyncset.s32 $0xFFFFF086  }
0x25: {  	[simem:s6], [sflag:s4] =	dma.local [hbm:s3], $0xF7A  }
0x26: {  	[smem:$0x3F90] =	sst s1;
	(tag) =	ssettag s2;
	_ =	strace s9  }
0x27: {  	s1 =	sld [smem:$0x3FA0]  }
0x28: {  	s2 =	sld [smem:$0x3FA1]  }
0x29: {  	s4 =	sld [smem:$0x3FA3]  }
0x2a: {  	p0 =	seq.s32 s5, $0x0;
	s5 =	sld [smem:$0x3FA4]  }
0x2b: {  	s6 =	sld [smem:$0x3FA5]  }
0x2c: {  	s7 =	sld [smem:$0x3FA6]  }
0x2d: {  	s3 =	simm.s32 $0x108;
	s8 =	sld [smem:$0x3FA7]  }
0x2e: {  	s3 =	simm.s32 @!p0 $0x1082;
	s9 =	sld [smem:$0x3FA8]  }
0x2f: {  	lr =	sadd.s32 s0, s3;
	s0 =	sld [smem:$0x3F9F]  }
0x30: {  	s3 =	sld [smem:$0x3FA2]  }
0x31: {  	[smem:$0x3FAB] =	sst s10  }
0x32: {  	s10 =	sld [smem:$0x3FA9];
	_ =	sdelay $0x3  }
0x33: {  	p0 =	seq.s32 s10, $0x1;
	s10 =	sld [smem:$0x3FAB];
	_ =	sdelay $0x3  }
0x34: {  	[smem:$0x3FAB] =	sst s10  }
0x35: {  	s10 =	sld [smem:$0x3FAA];
	_ =	sdelay $0x3  }
0x36: {  	p1 =	seq.s32 s10, $0x1;
	s10 =	sld [smem:$0x3FAB];
	_ =	sdelay $0x3  }
0x37: {  	[smem:$0x3FAB] =	sst s10  }
0x38: {  	s10 =	sld [smem:$0x3FAC]  }
0x39: {  	_ = 	snop;
	(pc) =	sbr.ind lr, $3  }
0x3a: {  	_ = 	snop  }
0x3b: {  	_ = 	snop  }
0x3c: {  	p2 =	seq.s32 s10, $0x1;
	s10 =	sld [smem:$0x3FAB]  }
0x3d: {  	_ =	shalt  }
0x3e: {  	_ =	shalt  }
0x3f: {  	_ =	shalt  }
0x40: {  	_ =	shalt  }
0x41: {  	_ =	shalt  }
0x42: {  	_ =	shalt  }
0x43: {  	_ =	shalt  }
0x44: {  	_ =	shalt  }
0x45: {  	_ =	shalt  }
0x46: {  	_ =	shalt  }
0x47: {  	_ =	shalt  }
0x48: {  	_ =	shalt  }
0x49: {  	_ =	shalt  }
0x4a: {  	_ =	shalt  }
0x4b: {  	_ =	shalt  }
0x4c: {  	_ =	shalt  }
0x4d: {  	_ =	shalt  }
0x4e: {  	_ =	shalt  }
0x4f: {  	_ =	shalt  }
0x50: {  	_ =	shalt  }
0x51: {  	_ =	shalt  }
0x52: {  	_ =	shalt  }
0x53: {  	_ =	shalt  }
0x54: {  	_ =	shalt  }
0x55: {  	_ =	shalt  }
0x56: {  	_ =	shalt  }
0x57: {  	_ =	shalt  }
0x58: {  	_ =	shalt  }
0x59: {  	_ =	shalt  }
0x5a: {  	_ =	shalt  }
0x5b: {  	_ =	shalt  }
0x5c: {  	_ =	shalt  }
0x5d: {  	_ =	shalt  }
0x5e: {  	_ =	shalt  }
0x5f: {  	_ =	shalt  }
0x60: {  	_ =	shalt  }
0x61: {  	_ =	shalt  }
0x62: {  	_ =	shalt  }
0x63: {  	_ =	shalt  }
0x64: {  	_ =	shalt  }
0x65: {  	_ =	shalt  }
0x66: {  	_ =	shalt  }
0x67: {  	_ =	shalt  }
0x68: {  	_ =	shalt  }
0x69: {  	_ =	shalt  }
0x6a: {  	_ =	shalt  }
0x6b: {  	_ =	shalt  }
0x6c: {  	_ =	shalt  }
0x6d: {  	_ =	shalt  }
0x6e: {  	_ =	shalt  }
0x6f: {  	_ =	shalt  }
0x70: {  	_ =	shalt  }
0x71: {  	_ =	shalt  }
0x72: {  	_ =	shalt  }
0x73: {  	_ =	shalt  }
0x74: {  	_ =	shalt  }
0x75: {  	_ =	shalt  }
0x76: {  	_ =	shalt  }
0x77: {  	_ =	shalt  }
0x78: {  	_ =	shalt  }
0x79: {  	_ =	shalt  }
0x7a: {  	_ =	shalt  }
0x7b: {  	_ =	shalt  }
0x7c: {  	_ =	shalt  }
0x7d: {  	_ =	shalt  }
0x7e: {  	_ =	shalt  }
0x7f: {  	_ =	shalt  }
0x80: {  	_ =	shalt  }
0x81: {  	_ =	shalt  }
0x82: {  	_ =	shalt  }
0x83: {  	_ =	shalt  }
0x84: {  	_ =	shalt  }
0x85: {  	_ =	shalt  }
0x86: {  	_ =	shalt  }
0x87: {  	_ =	shalt  }
.Lfunc_end0:
.L_simem_size_0:
called_computation.2_lowered:
.L_overlay_start_0:
0x88: {  	s2 =	sld [smem:$0x3FD9]  }
0x89: {  	s3 =	sld [smem:$0x3FFE];
	_ =	sdelay $0x1  }
0x8a: {  	s1 =	srdreg.scid  }
0x8b: {  	s0 =	sand.u32 $0x1, s1  }
0x8c: {  	s16 =	sshll.u32 s0, $0xA;
	s2 =	sadd.s32 s3, s2  }
0x8d: {  	s2 =	sadd.s32 s2, s16  }
0x8e: {  	[smem:$0x3FB7] =	sst s2  }
0x8f: {  	_ = 	snop  }
0x90: {  	(tm) =	ssettm $0x1  }
0x91: {  	s17 =	sld [smem:$0x3FFB];
	_ =	sdelay $0x3  }
0x92: {  	_ =	strace s17  }
0x93: {  	s2 =	sld [smem:$0x3FFC];
	_ =	sdelay $0x3  }
0x94: {  	_ =	strace s2  }
0x95: {  	s2 =	sld [smem:$0x3FFD];
	_ =	sdelay $0x3  }
0x96: {  	_ =	strace s2  }
0x97: {  	_ =	strace $0x8FFFFFFF  }
0x98: {  	s18 =	sld [smem:$0x3FDB];
	_ =	sdelay $0x1  }
0x99: {  	s19 =	simm.s32 $_scs_section_size  }
0x9a: {  	s4 =	simm.s32 $_size__tile_overlayer_lowered;
	s5 =	simm.s32 $_tile_overlayer_lowered  }
0x9b: {  	s22 =	simm.s32 $0x1BFF;
	s21 =	sshll.u32 s5, $0x1;
	s2 =	sadd.s32 s19, s18  }
0x9c: {  	s6 =	simm.s32 $0x0;
	s20 =	sshll.u32 s4, $0x1;
	s4 =	sadd.s32 s21, s2  }
0x9d: {  	[timem:s6], [sflag:s22] =	dma.local [hbm:s4], s20  }
0x9e: {  	_ =	swait.ge [sflag:s22], s20  }
0x9f: {  	s3 =	ssub.s32 $0x0, s20;
	[sflag:s22] =	ssyncset.done $0x0  }
0xa0: {  	[sflag:s22] =	ssyncadd.s32 s3;
	_ =	sdelay $0x1  }
0xa1: {  	s23 =	simm.s32 $0x1B8B  }
0xa2: {  	_ =	swait.ge [sflag:s23], $0x1  }
0xa3: {  	[sflag:s23] =	ssyncset.done $0x0  }
0xa4: {  	s25 =	simm.s32 $0x1B8E;
	s24 =	sld [smem:$0x3FFE];
	[sflag:s23] =	ssyncadd.s32 $0xFFFFFFFF  }
0xa5: {  	s26 =	simm.s32 $execute0_lowered;
	[smem:$0x3FD2] =	sst s25  }
0xa6: {  	s4 =	sshll.u32 s26, $0x1;
	_ =	strace $0x8000004C;
	[dreg:$0x1] =	wrdreg $0xFFFFFFFF  }
0xa7: {  	s28 =	simm.s32 $_size_execute0_lowered;
	s2 =	sadd.s32 s2, s4;
	[dreg:$0x0] =	wrdreg $0x0  }
0xa8: {  	s4 =	sshll.u32 s28, $0x1;
	[dreg:$0x2] =	wrdreg s2  }
0xa9: {  	[dreg:$0x3] =	wrdreg s4  }
0xaa: {  	[dreg:$0x4] =	wrdreg $0xC0  }
0xab: {  	_ =	task [dreg:s6], $0x5FFFF  }
0xac: {  	[dreg:$0x1] =	wrdreg $0xFFFFFFFF  }
0xad: {  	[dreg:$0x0] =	wrdreg $0x60  }
0xae: {  	[dreg:$0x2] =	wrdreg s24  }
0xaf: {  	[dreg:$0x3] =	wrdreg $0xAE800  }
0xb0: {  	[dreg:$0x4] =	wrdreg $0x9  }
0xb1: {  	_ =	task.clear_ibuf [dreg:s6], $0x5FFFF;
	_ =	strace $0x9000004C  }
0xb2: {  	s29 =	simm.s32 $0x9;
	_ =	strace $0x8000004E  }
0xb3: {  	_ =	swait.ge [sflag:s29], $0x1  }
0xb4: {  	[sflag:s29] =	ssyncadd.s32 $0xFFFFFFFF  }
0xb5: {  	_ =	strace $0x9000004E  }
0xb6: {  	_ =	sfence  }
0xb7: {  	s30 =	sld [smem:$0x0];
	_ =	sdelay $0x2  }
0xb8: {  	s31 =	sshll.u32 s1, $0xD;
	s1 =	sshrl.u32 s1, $0x2  }
0xb9: {  	s3 =	sand.u32 $0x4000, s31;
	s1 =	sadd.s32 s1, s30  }
0xba: {  	s0 =	sor.u32 s3, s0;
	s1 =	sshll.u32 s1, $0x11  }
0xbb: {  	s0 =	sor.u32 s1, s0  }
0xbc: {  	s0 =	sadd.s32 $0x8F2B, s0  }
0xbd: {  	[sflag:s0] =	ssyncadd.remote.s32 $0x1  }
0xbe: {  	_ =	sfence.sel $0xFFFF  }
0xbf: {  	[dreg:$0x0] =	wrdreg $0xFFFFFFFF;
	(pc) =	sbr.abs _section_cstart, $3  }
0xc0: {  	[dreg:$0x1] =	wrdreg $0xFFFFFFFF  }
0xc1: {  	_ =	task.clear_ibuf [dreg:s6], $0x2FFFF;
	_ =	strace $0x9FFFFFFF  }
0xc2: {  	(tm) =	ssettm $0x7FFFFFFF  }
0xc3: {  	_ =	shalt  }
tec
execute0_lowered:
.L_overlay_start_1:
0x0: {  	(tag) =	ssettag $0x1  }
0x1: {  	s5 =	rddreg [dreg:$0x0]  }
0x2: {  	s2 =	rddreg [dreg:$0x1]  }
0x3: {  	s0 =	rddreg [dreg:$0x2]  }
0x4: {  	s4 =	srdreg.scid;
	s1 =	stileid.u32;
	s3 =	simm.s32 $0x0  }
0x5: {  	s18 =	simm.s32 $0x3780;
	s19 =	simm.s32 $0x80;
	s6 =	smul.u32 $0xA000, s1  }
0x6: {  	s20 =	simm.s32 $0x6E80;
	s16 =	sand.u32 $0x1, s4;
	s8 =	smul.u32 $0x28000, s1  }
0x7: {  	[smem:$0x7FF] =	sst s3;
	s4 =	sadd.s32 $0x21400, s5;
	s10 =	smul.u32 $0x5000, s1  }
0x8: {  	s12 =	sadd.s32 $0x17400, s5;
	s13 =	sadd.s32 $0x3400, s5;
	s17 =	smul.u32 $0xA00, s1  }
0x9: {  	s7 =	smul.u32 $0xA0000, s16;
	_ =	strace $0x8000004D;
	s29 =	ssub.s32 $0x2, s16  }
0xa: {  	p0 =	sne.s32 s16, $0x0;
	s16 =	simm.s32 $0x8E80;
	s30 =	sshrl.u32 s8, $0x2  }
0xb: {  	s31 =	sshrl.u32 s29, $0x1;
	s10 =	sshrl.u32 s10, $0x3;
	s7 =	sadd.s32 s6, s7  }
0xc: {  	s9 =	sadd.s32 s30, s2;
	s15 =	ssub.s32 s29, s31;
	s11 =	sadd.s32 $0x6E0, s10  }
.Ltmp0:
0xd: {  	s7 =	sshrl.u32 s7, $0x3;
	s8 =	sadd.s32 $0x6000, s9;
	(pc) =	sbr.rel .LBB2_1-.Ltmp0, $4  }
0xe: {  	s10 =	sadd.s32 s12, s11;
	s11 =	sadd.s32 s13, s11;
	s12 =	sadd.s32 s12, s17  }
0xf: {  	s13 =	sadd.s32 s13, s17;
	s15 =	smax.u32 s15, $0x1;
	s17 =	simm.s32 $0x1  }
0x10: {  	s14 =	sadd.s32 s7, s5;
	s5 =	sadd.s32 s6, s2;
	s6 =	sadd.s32 $0x2000, s9  }
0x11: {  	v0 =	vimm.f32 $0.0e+00;
	s7 =	sadd.s32 $0x4000, s9;
	s9 =	sadd.s32 $0x8000, s9;
	s14 =	sadd.s32 $0x35400, s14  }
.LBB2_9:
0x12: {  	s21 =	sshra.s32 s21, $0x2;
	[sflag:s17] =	ssyncadd.s32 $0xFFFFE000  }
0x13: {  	[tilespmem:s20], [sflag:$0x1] =	stream.indirect.gather [hbm4b:s4+s19], $0x40, s21, s19, $0xb8;
	[tilespmem:$0x14E80] =	vst v63  }
0x14: {  	_ =	swait.ge [sflag:s17], $0x2000  }
0x15: {  	[sflag:s17] =	ssyncset.done $0x0  }
0x16: {  	s21 =	sadd.s32 $0x3780, s21;
	[sflag:s17] =	ssyncadd.s32 $0xFFFFE000  }
0x17: {  	[spmem:s2] =	stream.indirect.scatter.add.f32 [tilespmem:s20], [sflag:$0x1], $0x40, s21, s19, $0xb8;
	[tilespmem:$0x14E80] =	vst v63  }
0x18: {  	_ =	swait.ge [sflag:s17], $0x2000  }
0x19: {  	[sflag:s17] =	ssyncset.done $0x0  }
0x1a: {  	[sflag:s17] =	ssyncadd.s32 $0xFFFFE000  }
.LBB2_10:
0x1b: {  	s3 =	sadd.s32 $0x1, s3  }
0x1c: {  	s21 =	sshll.u32 s1, $0x6;
	[bflag:$0x0] =	sbarrier.arrive $0xFFFF;
	p1 =	sne.s32 s3, s15  }
.Ltmp1:
0x1d: {  	s22 =	sshrl.u32 s5, $0x3;
	s21 =	sor.u32 $0x1C01, s21;
	(pc) =	sbr.rel @!p1 .LBB2_11-.Ltmp1, $4  }
0x1e: {  	[hbm:s14], [sflag:s21] =	dma.local [spmem:s22], $0x1400  }
0x1f: {  	_ =	swait.ge [sflag:s17], $0x1400  }
0x20: {  	[sflag:s17] =	ssyncset.done $0x0  }
0x21: {  	[sflag:s17] =	ssyncadd.s32 $0xFFFFEC00  }
.LBB2_1:
0x22: {  	s22 =	simm.s32 $0x100;
	s21 =	simm.s32 $0x0  }
.LBB2_2:
0x23: {  	p1 =	sne.s32 s22, $0x7F00;
	[tilespmem:s21+$0x8EB0] =	vst v0;
	s23 =	smov.u32 s22;
	s22 =	sadd.s32 $0x100, s22  }
.Ltmp2:
0x24: {  	[tilespmem:s21+$0x8EA0] =	vst v0;
	(pc) =	sbr.rel @p1 .LBB2_2-.Ltmp2, $3  }
0x25: {  	[tilespmem:s21+$0x8E80] =	vst v0  }
0x26: {  	[tilespmem:s21+$0x8E90] =	vst v0;
	_ =	sdelay $0x1  }
0x27: {  	s21 =	sshra.s32 s23, $0x2  }
0x28: {  	[tilespmem:s21+$0x8EB0] =	vst v0  }
0x29: {  	[tilespmem:s21+$0x8EA0] =	vst v0  }
0x2a: {  	[tilespmem:s21+$0x8E80] =	vst v0  }
0x2b: {  	[tilespmem:s21+$0x8E90] =	vst v0  }
0x2c: {  	[spmem:s5] =	stream.linear.scatter [tilespmem:s16], [sflag:$0x1], $0x2000, $0x38;
	[tilespmem:$0x14E80] =	vst v63  }
0x2d: {  	_ =	swait.ge [sflag:s17], $0x2000  }
0x2e: {  	[sflag:s17] =	ssyncset.done $0x0  }
0x2f: {  	[sflag:s17] =	ssyncadd.s32 $0xFFFFE000  }
0x30: {  	[spmem:s6] =	stream.linear.scatter [tilespmem:s16], [sflag:$0x1], $0x2000, $0x38;
	[tilespmem:$0x14E80] =	vst v63  }
0x31: {  	_ =	swait.ge [sflag:s17], $0x2000  }
0x32: {  	[sflag:s17] =	ssyncset.done $0x0  }
0x33: {  	[sflag:s17] =	ssyncadd.s32 $0xFFFFE000  }
0x34: {  	[spmem:s7] =	stream.linear.scatter [tilespmem:s16], [sflag:$0x1], $0x2000, $0x38;
	[tilespmem:$0x14E80] =	vst v63  }
0x35: {  	_ =	swait.ge [sflag:s17], $0x2000  }
0x36: {  	[sflag:s17] =	ssyncset.done $0x0  }
0x37: {  	[sflag:s17] =	ssyncadd.s32 $0xFFFFE000  }
0x38: {  	[spmem:s8] =	stream.linear.scatter [tilespmem:s16], [sflag:$0x1], $0x2000, $0x38;
	[tilespmem:$0x14E80] =	vst v63  }
0x39: {  	_ =	swait.ge [sflag:s17], $0x2000  }
0x3a: {  	[sflag:s17] =	ssyncset.done $0x0  }
.Ltmp3:
0x3b: {  	[sflag:s17] =	ssyncadd.s32 $0xFFFFE000;
	(pc) =	sbr.rel @p0 .LBB2_7-.Ltmp3, $4  }
0x3c: {  	[spmem:s9] =	stream.linear.scatter [tilespmem:s16], [sflag:$0x1], $0x2000, $0x38;
	[tilespmem:$0x14E80] =	vst v63  }
0x3d: {  	_ =	swait.ge [sflag:s17], $0x2000  }
0x3e: {  	[sflag:s17] =	ssyncset.done $0x0  }
0x3f: {  	s21 =	simm.s32 $0x0;
	[sflag:s17] =	ssyncadd.s32 $0xFFFFE000  }
0x40: {  	[tilespmem:s21], [sflag:$0x1] =	stream.linear.gather [hbm4b:s12+s21], $0x3700, $0x38;
	[tilespmem:$0x14E80] =	vst v63  }
0x41: {  	_ =	swait.ge [sflag:s17], $0x3700  }
0x42: {  	[sflag:s17] =	ssyncset.done $0x0  }
0x43: {  	[sflag:s17] =	ssyncadd.s32 $0xFFFFC900  }
0x44: {  	[tilespmem:s18], [sflag:$0x1] =	stream.linear.gather [hbm4b:s13+s21], $0x3700, $0x38;
	[tilespmem:$0x14E80] =	vst v63  }
0x45: {  	_ =	swait.ge [sflag:s17], $0x3700  }
0x46: {  	[sflag:s17] =	ssyncset.done $0x0  }
0x47: {  	[sflag:s17] =	ssyncadd.s32 $0xFFFFC900  }
0x48: {  	s30 =	simm.s32 $0x0;
	[bflag:$0x0] =	sbarrier.arrive $0xFFFF  }
0x49: {  	[tilespmem:s20], [sflag:$0x1] =	stream.indirect.gather [hbm4b:s4+s19], $0x40, s30, s19, $0xb8;
	[tilespmem:$0x14E80] =	vst v63  }
0x4a: {  	_ =	swait.ge [sflag:s17], $0x2000  }
0x4b: {  	[sflag:s17] =	ssyncset.done $0x0  }
0x4c: {  	s31 =	simm.s32 $0x3780;
	[sflag:s17] =	ssyncadd.s32 $0xFFFFE000  }
0x4d: {  	[spmem:s2] =	stream.indirect.scatter.add.f32 [tilespmem:s20], [sflag:$0x1], $0x40, s31, s19, $0xb8;
	[tilespmem:$0x14E80] =	vst v63  }
0x4e: {  	_ =	swait.ge [sflag:s17], $0x2000  }
0x4f: {  	s22 =	simm.s32 $0x400;
	s21 =	simm.s32 $0x200;
	[sflag:s17] =	ssyncset.done $0x0  }
.LBB2_5:
0x50: {  	s23 =	sshra.s32 s21, $0x2  }
0x51: {  	[sflag:s17] =	ssyncadd.s32 $0xFFFFE000;
	s21 =	smov.u32 s22;
	s24 =	sadd.s32 $0x200, s22  }
0x52: {  	[tilespmem:s20], [sflag:$0x1] =	stream.indirect.gather [hbm4b:s4+s19], $0x40, s23, s19, $0xb8;
	[tilespmem:$0x14E80] =	vst v63  }
0x53: {  	p1 =	seq.s32 s22, $0xDA00;
	_ =	swait.ge [sflag:s17], $0x2000  }
.Ltmp4:
0x54: {  	[sflag:s17] =	ssyncset.done $0x0;
	(pc) =	sbr.rel @!p1 .LBB2_5-.Ltmp4, $4  }
0x55: {  	s22 =	sadd.s32 $0x3780, s23;
	[sflag:s17] =	ssyncadd.s32 $0xFFFFE000  }
0x56: {  	[spmem:s2] =	stream.indirect.scatter.add.f32 [tilespmem:s20], [sflag:$0x1], $0x40, s22, s19, $0xb8;
	[tilespmem:$0x14E80] =	vst v63  }
0x57: {  	_ =	swait.ge [sflag:s17], $0x2000  }
0x58: {  	s22 =	smov.u32 s24;
	[sflag:s17] =	ssyncset.done $0x0  }
0x59: {  	s21 =	sshra.s32 s21, $0x2;
	[sflag:s17] =	ssyncadd.s32 $0xFFFFE000  }
0x5a: {  	[tilespmem:s20], [sflag:$0x1] =	stream.indirect.gather [hbm4b:s4+s19], $0x40, s21, s19, $0xb8;
	[tilespmem:$0x14E80] =	vst v63  }
0x5b: {  	_ =	swait.ge [sflag:s17], $0x2000  }
0x5c: {  	[sflag:s17] =	ssyncset.done $0x0  }
.Ltmp5:
0x5d: {  	s21 =	sadd.s32 $0x3780, s21;
	[sflag:s17] =	ssyncadd.s32 $0xFFFFE000;
	(pc) =	sbr.rel .LBB2_10-.Ltmp5, $4  }
0x5e: {  	[spmem:s2] =	stream.indirect.scatter.add.f32 [tilespmem:s20], [sflag:$0x1], $0x40, s21, s19, $0xb8;
	[tilespmem:$0x14E80] =	vst v63  }
0x5f: {  	_ =	swait.ge [sflag:s17], $0x2000  }
0x60: {  	[sflag:s17] =	ssyncset.done $0x0  }
0x61: {  	[sflag:s17] =	ssyncadd.s32 $0xFFFFE000  }
.LBB2_7:
0x62: {  	[tilespmem:s21], [sflag:$0x1] =	stream.linear.gather [hbm4b:s10+s21], $0x1900, $0x38;
	[tilespmem:$0x14E80] =	vst v63  }
0x63: {  	_ =	swait.ge [sflag:s17], $0x1900  }
0x64: {  	[sflag:s17] =	ssyncset.done $0x0  }
0x65: {  	[sflag:s17] =	ssyncadd.s32 $0xFFFFE700  }
0x66: {  	[tilespmem:s18], [sflag:$0x1] =	stream.linear.gather [hbm4b:s11+s21], $0x1900, $0x38;
	[tilespmem:$0x14E80] =	vst v63  }
0x67: {  	_ =	swait.ge [sflag:s17], $0x1900  }
0x68: {  	[sflag:s17] =	ssyncset.done $0x0  }
0x69: {  	[sflag:s17] =	ssyncadd.s32 $0xFFFFE700  }
0x6a: {  	s30 =	simm.s32 $0x0;
	[bflag:$0x0] =	sbarrier.arrive $0xFFFF  }
0x6b: {  	[tilespmem:s20], [sflag:$0x1] =	stream.indirect.gather [hbm4b:s4+s19], $0x40, s30, s19, $0xb8;
	[tilespmem:$0x14E80] =	vst v63  }
0x6c: {  	_ =	swait.ge [sflag:s17], $0x2000  }
0x6d: {  	[sflag:s17] =	ssyncset.done $0x0  }
0x6e: {  	s31 =	simm.s32 $0x3780;
	[sflag:s17] =	ssyncadd.s32 $0xFFFFE000  }
0x6f: {  	[spmem:s2] =	stream.indirect.scatter.add.f32 [tilespmem:s20], [sflag:$0x1], $0x40, s31, s19, $0xb8;
	[tilespmem:$0x14E80] =	vst v63  }
0x70: {  	_ =	swait.ge [sflag:s17], $0x2000  }
0x71: {  	s22 =	simm.s32 $0x400;
	s21 =	simm.s32 $0x200;
	[sflag:s17] =	ssyncset.done $0x0  }
.LBB2_8:
0x72: {  	s23 =	sshra.s32 s21, $0x2  }
0x73: {  	[sflag:s17] =	ssyncadd.s32 $0xFFFFE000;
	s21 =	smov.u32 s22;
	s24 =	sadd.s32 $0x200, s22  }
0x74: {  	[tilespmem:s20], [sflag:$0x1] =	stream.indirect.gather [hbm4b:s4+s19], $0x40, s23, s19, $0xb8;
	[tilespmem:$0x14E80] =	vst v63  }
0x75: {  	p1 =	sne.s32 s22, $0x6200;
	_ =	swait.ge [sflag:s17], $0x2000  }
.Ltmp6:
0x76: {  	[sflag:s17] =	ssyncset.done $0x0;
	(pc) =	sbr.rel @p1 .LBB2_8-.Ltmp6, $4  }
0x77: {  	s22 =	sadd.s32 $0x3780, s23;
	[sflag:s17] =	ssyncadd.s32 $0xFFFFE000  }
0x78: {  	[spmem:s2] =	stream.indirect.scatter.add.f32 [tilespmem:s20], [sflag:$0x1], $0x40, s22, s19, $0xb8;
	[tilespmem:$0x14E80] =	vst v63  }
0x79: {  	_ =	swait.ge [sflag:s17], $0x2000  }
0x7a: {  	s22 =	smov.u32 s24;
	[sflag:s17] =	ssyncset.done $0x0  }
.Ltmp7:
0x7b: {  	_ = 	snop;
	(pc) =	sbr.rel .LBB2_9-.Ltmp7, $1  }
0x7c: {  	_ =	sdelay $0x3  }
.LBB2_11:
0x7d: {  	_ =	sfence.sel $0x180000  }
0x7e: {  	[bflag:$0x0] =	sbarrier.arrive $0xFFFF  }
0x7f: {  	p0 =	sne.s32 s1, $0x0;
	_ =	strace $0x9000004D  }
0x80: {  	s0 =	sadd.s32 @!p0 $0x100000, s0;
	[bflag:$0x2] =	sbarrier.arrive $0xFFFF  }
0x81: {  	[sflag:s0] =	ssyncadd.tile.s32 @!p0 $0x1;
	_ =	shalt  }
.Lfunc_end2:
_tile_overlayer_lowered:
.L_overlay_start_2:
0x82: {  	(tag) =	ssettag $0x2  }
0x83: {  	s0 =	rddreg [dreg:$0x0];
	s2 =	stileid.u32  }
0x84: {  	s1 =	rddreg [dreg:$0x1];
	p0 =	sne.s32 s2, $0x0  }
0x85: {  	s3 =	rddreg [dreg:$0x2];
	[bflag:$0x3] =	sbarrier.arrive $0xFFFF;
	s2 =	simm.s32 @!p0 $0x1C01  }
0x86: {  	[timem:s3], [sflag:s2] =	dma.local @!p0 [hbm:s0], s1  }
0x87: {  	s0 =	simm.s32 @!p0 $0x1  }
0x88: {  	_ =	swait.ge @!p0 [sflag:s0], s1  }
0x89: {  	s1 =	ssub.s32 @!p0 $0x0, s1;
	[sflag:s0] =	ssyncset.done @!p0 $0x0  }
0x8a: {  	[sflag:s0] =	ssyncadd.s32 @!p0 s1  }
0x8b: {  	[bflag:$0x3] =	sbarrier.arrive $0xFFFF  }
0x8c: {  	_ =	shalt  }

// kernel: kernel.19.cloned.1.call-start
scs
__scs_entry_jumppad:
0x0: {  	(pc) =	sbr.rel $0x88, $3  }
0x1: {  	(tag) =	ssettag $0x0;
	lr =	simm.s32 $0x1  }
0x2: {  	[smem:$0x3F90] =	sst lr;
	_ =	strace $0xD0000000  }
0x3: {  	_ = 	snop  }
0x4: {  	_ = 	snop  }
0x5: {  	_ = 	snop  }
0x6: {  	_ = 	snop  }
0x7: {  	_ = 	snop  }
__scs_overlays_trampoline_lowered:
0x8: {  	[smem:$0x3F9F] =	sst s0  }
0x9: {  	[smem:$0x3FA0] =	sst s1  }
0xa: {  	[smem:$0x3FA1] =	sst s2  }
0xb: {  	[smem:$0x3FA2] =	sst s3  }
0xc: {  	[smem:$0x3FA3] =	sst s4  }
0xd: {  	[smem:$0x3FA4] =	sst s5  }
0xe: {  	[smem:$0x3FA5] =	sst s6  }
0xf: {  	[smem:$0x3FA6] =	sst s7  }
0x10: {  	[smem:$0x3FA7] =	sst s8  }
0x11: {  	[smem:$0x3FA8] =	sst s9;
	s0 =	simm.s32 @!p0 $0x0  }
0x12: {  	s1 =	sld [smem:$0x3F8E];
	s0 =	simm.s32 @p0 $0x1  }
0x13: {  	[smem:$0x3FA9] =	sst s0;
	s0 =	simm.s32 @!p1 $0x0  }
0x14: {  	s2 =	sld [smem:$0x3F8D];
	s0 =	simm.s32 @p1 $0x1  }
0x15: {  	[smem:$0x3FAA] =	sst s0;
	s0 =	simm.s32 @!p2 $0x0  }
0x16: {  	s3 =	sld [smem:$0x3FDB];
	s0 =	simm.s32 @p2 $0x1  }
0x17: {  	s4 =	simm.s32 $0x1BF5;
	[smem:$0x3FAC] =	sst s0  }
0x18: {  	s0 =	sld [smem:$0x3F8F];
	_ =	swait.ge [sflag:s4], $0x0  }
0x19: {  	s7 =	sld [smem:$0x3F90]  }
0x1a: {  	s8 =	sadd.s32 $0xFFFFE003, lr  }
0x1b: {  	s9 =	sadd.s32 $0xFFFFFEF7, lr;
	s5 =	simm.s32 $0xFFFFFFFF;
	p2 =	slt.u32 s8, $0xFFFFF086  }
0x1c: {  	p1 =	slt.u32 s9, $0xF7A;
	s5 =	simm.s32 @!p2 $0x0  }
0x1d: {  	s5 =	simm.s32 @p1 $0x1;
	p0 =	seq.s32 s7, s2  }
0x1e: {  	s7 =	smul.u32 @!p0 $0xF7A, s2;
	p2 =	seq.s32 @!p0 s5, $0x0  }
0x1f: {  	s9 =	smul.u32 $0xF7A, s1;
	s8 =	simm.s32 @!p0 $0x1BF5;
	p2 =	por !p2, p0  }
0x20: {  	[sflag:s8] =	ssyncset.s32 @!p0 $0xFFFFF086;
	s6 =	sadd.s32 @!p0 s3, s7;
	s7 =	simm.s32 @!p0 $0x108  }
0x21: {  	s3 =	sadd.s32 s3, s9;
	s6 =	sadd.s32 @!p0 $0x88, s6;
	s7 =	simm.s32 @p2 $0x1082  }
0x22: {  	[simem:s7], [sflag:s8] =	dma.local @!p0 [hbm:s6], $0xF7A  }
0x23: {  	s9 =	sor.u32 $0xD0000000, s2;
	s6 =	simm.s32 $0x108;
	_ =	swait.ge @!p0 [sflag:s8], $0x0  }
0x24: {  	s3 =	sadd.s32 $0x88, s3;
	s6 =	simm.s32 @!p1 $0x1082;
	[sflag:s4] =	ssyncset.s32 $0xFFFFF086  }
0x25: {  	[simem:s6], [sflag:s4] =	dma.local [hbm:s3], $0xF7A  }
0x26: {  	[smem:$0x3F90] =	sst s1;
	(tag) =	ssettag s2;
	_ =	strace s9  }
0x27: {  	s1 =	sld [smem:$0x3FA0]  }
0x28: {  	s2 =	sld [smem:$0x3FA1]  }
0x29: {  	s4 =	sld [smem:$0x3FA3]  }
0x2a: {  	p0 =	seq.s32 s5, $0x0;
	s5 =	sld [smem:$0x3FA4]  }
0x2b: {  	s6 =	sld [smem:$0x3FA5]  }
0x2c: {  	s7 =	sld [smem:$0x3FA6]  }
0x2d: {  	s3 =	simm.s32 $0x108;
	s8 =	sld [smem:$0x3FA7]  }
0x2e: {  	s3 =	simm.s32 @!p0 $0x1082;
	s9 =	sld [smem:$0x3FA8]  }
0x2f: {  	lr =	sadd.s32 s0, s3;
	s0 =	sld [smem:$0x3F9F]  }
0x30: {  	s3 =	sld [smem:$0x3FA2]  }
0x31: {  	[smem:$0x3FAB] =	sst s10  }
0x32: {  	s10 =	sld [smem:$0x3FA9];
	_ =	sdelay $0x3  }
0x33: {  	p0 =	seq.s32 s10, $0x1;
	s10 =	sld [smem:$0x3FAB];
	_ =	sdelay $0x3  }
0x34: {  	[smem:$0x3FAB] =	sst s10  }
0x35: {  	s10 =	sld [smem:$0x3FAA];
	_ =	sdelay $0x3  }
0x36: {  	p1 =	seq.s32 s10, $0x1;
	s10 =	sld [smem:$0x3FAB];
	_ =	sdelay $0x3  }
0x37: {  	[smem:$0x3FAB] =	sst s10  }
0x38: {  	s10 =	sld [smem:$0x3FAC]  }
0x39: {  	_ = 	snop;
	(pc) =	sbr.ind lr, $3  }
0x3a: {  	_ = 	snop  }
0x3b: {  	_ = 	snop  }
0x3c: {  	p2 =	seq.s32 s10, $0x1;
	s10 =	sld [smem:$0x3FAB]  }
0x3d: {  	_ =	shalt  }
0x3e: {  	_ =	shalt  }
0x3f: {  	_ =	shalt  }
0x40: {  	_ =	shalt  }
0x41: {  	_ =	shalt  }
0x42: {  	_ =	shalt  }
0x43: {  	_ =	shalt  }
0x44: {  	_ =	shalt  }
0x45: {  	_ =	shalt  }
0x46: {  	_ =	shalt  }
0x47: {  	_ =	shalt  }
0x48: {  	_ =	shalt  }
0x49: {  	_ =	shalt  }
0x4a: {  	_ =	shalt  }
0x4b: {  	_ =	shalt  }
0x4c: {  	_ =	shalt  }
0x4d: {  	_ =	shalt  }
0x4e: {  	_ =	shalt  }
0x4f: {  	_ =	shalt  }
0x50: {  	_ =	shalt  }
0x51: {  	_ =	shalt  }
0x52: {  	_ =	shalt  }
0x53: {  	_ =	shalt  }
0x54: {  	_ =	shalt  }
0x55: {  	_ =	shalt  }
0x56: {  	_ =	shalt  }
0x57: {  	_ =	shalt  }
0x58: {  	_ =	shalt  }
0x59: {  	_ =	shalt  }
0x5a: {  	_ =	shalt  }
0x5b: {  	_ =	shalt  }
0x5c: {  	_ =	shalt  }
0x5d: {  	_ =	shalt  }
0x5e: {  	_ =	shalt  }
0x5f: {  	_ =	shalt  }
0x60: {  	_ =	shalt  }
0x61: {  	_ =	shalt  }
0x62: {  	_ =	shalt  }
0x63: {  	_ =	shalt  }
0x64: {  	_ =	shalt  }
0x65: {  	_ =	shalt  }
0x66: {  	_ =	shalt  }
0x67: {  	_ =	shalt  }
0x68: {  	_ =	shalt  }
0x69: {  	_ =	shalt  }
0x6a: {  	_ =	shalt  }
0x6b: {  	_ =	shalt  }
0x6c: {  	_ =	shalt  }
0x6d: {  	_ =	shalt  }
0x6e: {  	_ =	shalt  }
0x6f: {  	_ =	shalt  }
0x70: {  	_ =	shalt  }
0x71: {  	_ =	shalt  }
0x72: {  	_ =	shalt  }
0x73: {  	_ =	shalt  }
0x74: {  	_ =	shalt  }
0x75: {  	_ =	shalt  }
0x76: {  	_ =	shalt  }
0x77: {  	_ =	shalt  }
0x78: {  	_ =	shalt  }
0x79: {  	_ =	shalt  }
0x7a: {  	_ =	shalt  }
0x7b: {  	_ =	shalt  }
0x7c: {  	_ =	shalt  }
0x7d: {  	_ =	shalt  }
0x7e: {  	_ =	shalt  }
0x7f: {  	_ =	shalt  }
0x80: {  	_ =	shalt  }
0x81: {  	_ =	shalt  }
0x82: {  	_ =	shalt  }
0x83: {  	_ =	shalt  }
0x84: {  	_ =	shalt  }
0x85: {  	_ =	shalt  }
0x86: {  	_ =	shalt  }
0x87: {  	_ =	shalt  }
.Lfunc_end0:
.L_simem_size_0:
called_computation.3_lowered:
.L_overlay_start_0:
0x88: {  	s2 =	sld [smem:$0x3FD9]  }
0x89: {  	s3 =	sld [smem:$0x3FFE];
	_ =	sdelay $0x1  }
0x8a: {  	s1 =	srdreg.scid  }
0x8b: {  	s0 =	sand.u32 $0x1, s1  }
0x8c: {  	s16 =	sshll.u32 s0, $0xA;
	s2 =	sadd.s32 s3, s2  }
0x8d: {  	s2 =	sadd.s32 s2, s16  }
0x8e: {  	[smem:$0x3FB7] =	sst s2  }
0x8f: {  	_ = 	snop  }
0x90: {  	(tm) =	ssettm $0x1  }
0x91: {  	s17 =	sld [smem:$0x3FFB];
	_ =	sdelay $0x3  }
0x92: {  	_ =	strace s17  }
0x93: {  	s2 =	sld [smem:$0x3FFC];
	_ =	sdelay $0x3  }
0x94: {  	_ =	strace s2  }
0x95: {  	s2 =	sld [smem:$0x3FFD];
	_ =	sdelay $0x3  }
0x96: {  	_ =	strace s2  }
0x97: {  	_ =	strace $0x8FFFFFFF  }
0x98: {  	s18 =	sld [smem:$0x3FDB];
	_ =	sdelay $0x1  }
0x99: {  	s19 =	simm.s32 $_scs_section_size  }
0x9a: {  	s4 =	simm.s32 $_size__tile_overlayer_lowered;
	s5 =	simm.s32 $_tile_overlayer_lowered  }
0x9b: {  	s22 =	simm.s32 $0x1BFF;
	s21 =	sshll.u32 s5, $0x1;
	s2 =	sadd.s32 s19, s18  }
0x9c: {  	s6 =	simm.s32 $0x0;
	s20 =	sshll.u32 s4, $0x1;
	s4 =	sadd.s32 s21, s2  }
0x9d: {  	[timem:s6], [sflag:s22] =	dma.local [hbm:s4], s20  }
0x9e: {  	_ =	swait.ge [sflag:s22], s20  }
0x9f: {  	s3 =	ssub.s32 $0x0, s20;
	[sflag:s22] =	ssyncset.done $0x0  }
0xa0: {  	[sflag:s22] =	ssyncadd.s32 s3;
	_ =	sdelay $0x1  }
0xa1: {  	s23 =	simm.s32 $0x1B8B  }
0xa2: {  	_ =	swait.ge [sflag:s23], $0x1  }
0xa3: {  	[sflag:s23] =	ssyncset.done $0x0  }
0xa4: {  	s25 =	simm.s32 $0x1B8E;
	s24 =	sld [smem:$0x3FFE];
	[sflag:s23] =	ssyncadd.s32 $0xFFFFFFFF  }
0xa5: {  	s26 =	simm.s32 $execute0_lowered;
	[smem:$0x3FD2] =	sst s25  }
0xa6: {  	s4 =	sshll.u32 s26, $0x1;
	_ =	strace $0x8000004F;
	[dreg:$0x1] =	wrdreg $0xFFFFFFFF  }
0xa7: {  	s28 =	simm.s32 $_size_execute0_lowered;
	s2 =	sadd.s32 s2, s4;
	[dreg:$0x0] =	wrdreg $0x0  }
0xa8: {  	s4 =	sshll.u32 s28, $0x1;
	[dreg:$0x2] =	wrdreg s2  }
0xa9: {  	[dreg:$0x3] =	wrdreg s4  }
0xaa: {  	[dreg:$0x4] =	wrdreg $0xC0  }
0xab: {  	_ =	task [dreg:s6], $0x5FFFF  }
0xac: {  	[dreg:$0x1] =	wrdreg $0xFFFFFFFF  }
0xad: {  	[dreg:$0x0] =	wrdreg $0x60  }
0xae: {  	[dreg:$0x2] =	wrdreg s24  }
0xaf: {  	[dreg:$0x3] =	wrdreg $0xAE800  }
0xb0: {  	[dreg:$0x4] =	wrdreg $0x9  }
0xb1: {  	_ =	task.clear_ibuf [dreg:s6], $0x5FFFF;
	_ =	strace $0x9000004F  }
0xb2: {  	s29 =	simm.s32 $0x9;
	_ =	strace $0x80000051  }
0xb3: {  	_ =	swait.ge [sflag:s29], $0x1  }
0xb4: {  	[sflag:s29] =	ssyncadd.s32 $0xFFFFFFFF  }
0xb5: {  	_ =	strace $0x90000051  }
0xb6: {  	_ =	sfence  }
0xb7: {  	s30 =	sld [smem:$0x0];
	_ =	sdelay $0x2  }
0xb8: {  	s31 =	sshll.u32 s1, $0xD;
	s1 =	sshrl.u32 s1, $0x2  }
0xb9: {  	s3 =	sand.u32 $0x4000, s31;
	s1 =	sadd.s32 s1, s30  }
0xba: {  	s0 =	sor.u32 s3, s0;
	s1 =	sshll.u32 s1, $0x11  }
0xbb: {  	s0 =	sor.u32 s1, s0  }
0xbc: {  	s0 =	sadd.s32 $0x8F2B, s0  }
0xbd: {  	[sflag:s0] =	ssyncadd.remote.s32 $0x1  }
0xbe: {  	_ =	sfence.sel $0xFFFF  }
0xbf: {  	[dreg:$0x0] =	wrdreg $0xFFFFFFFF;
	(pc) =	sbr.abs _section_cstart, $3  }
0xc0: {  	[dreg:$0x1] =	wrdreg $0xFFFFFFFF  }
0xc1: {  	_ =	task.clear_ibuf [dreg:s6], $0x2FFFF;
	_ =	strace $0x9FFFFFFF  }
0xc2: {  	(tm) =	ssettm $0x7FFFFFFF  }
0xc3: {  	_ =	shalt  }
tec
execute0_lowered:
.L_overlay_start_1:
0x0: {  	(tag) =	ssettag $0x1  }
0x1: {  	s5 =	rddreg [dreg:$0x0]  }
0x2: {  	s2 =	rddreg [dreg:$0x1]  }
0x3: {  	s0 =	rddreg [dreg:$0x2]  }
0x4: {  	s4 =	srdreg.scid;
	s1 =	stileid.u32;
	s3 =	simm.s32 $0x0  }
0x5: {  	s18 =	simm.s32 $0x3780;
	s19 =	simm.s32 $0x80;
	s6 =	smul.u32 $0xA000, s1  }
0x6: {  	s20 =	simm.s32 $0x6E80;
	s16 =	sand.u32 $0x1, s4;
	s8 =	smul.u32 $0x28000, s1  }
0x7: {  	[smem:$0x7FF] =	sst s3;
	s4 =	sadd.s32 $0x21400, s5;
	s10 =	smul.u32 $0x5000, s1  }
0x8: {  	s12 =	sadd.s32 $0x17400, s5;
	s13 =	sadd.s32 $0x3400, s5;
	s17 =	smul.u32 $0xA00, s1  }
0x9: {  	s7 =	smul.u32 $0xA0000, s16;
	_ =	strace $0x80000050;
	s29 =	ssub.s32 $0x2, s16  }
0xa: {  	p0 =	sne.s32 s16, $0x0;
	s16 =	simm.s32 $0x8E80;
	s30 =	sshrl.u32 s8, $0x2  }
0xb: {  	s31 =	sshrl.u32 s29, $0x1;
	s10 =	sshrl.u32 s10, $0x3;
	s7 =	sadd.s32 s6, s7  }
0xc: {  	s9 =	sadd.s32 s30, s2;
	s15 =	ssub.s32 s29, s31;
	s11 =	sadd.s32 $0x6E0, s10  }
.Ltmp0:
0xd: {  	s7 =	sshrl.u32 s7, $0x3;
	s8 =	sadd.s32 $0x6000, s9;
	(pc) =	sbr.rel .LBB2_1-.Ltmp0, $4  }
0xe: {  	s10 =	sadd.s32 s12, s11;
	s11 =	sadd.s32 s13, s11;
	s12 =	sadd.s32 s12, s17  }
0xf: {  	s13 =	sadd.s32 s13, s17;
	s15 =	smax.u32 s15, $0x1;
	s17 =	simm.s32 $0x1  }
0x10: {  	s14 =	sadd.s32 s7, s5;
	s5 =	sadd.s32 s6, s2;
	s6 =	sadd.s32 $0x2000, s9  }
0x11: {  	v0 =	vimm.f32 $0.0e+00;
	s7 =	sadd.s32 $0x4000, s9;
	s9 =	sadd.s32 $0x8000, s9;
	s14 =	sadd.s32 $0x35400, s14  }
.LBB2_9:
0x12: {  	s21 =	sshra.s32 s21, $0x2;
	[sflag:s17] =	ssyncadd.s32 $0xFFFFE000  }
0x13: {  	[tilespmem:s20], [sflag:$0x1] =	stream.indirect.gather [hbm4b:s4+s19], $0x40, s21, s19, $0xb8;
	[tilespmem:$0x14E80] =	vst v63  }
0x14: {  	_ =	swait.ge [sflag:s17], $0x2000  }
0x15: {  	[sflag:s17] =	ssyncset.done $0x0  }
0x16: {  	s21 =	sadd.s32 $0x3780, s21;
	[sflag:s17] =	ssyncadd.s32 $0xFFFFE000  }
0x17: {  	[spmem:s2] =	stream.indirect.scatter.add.f32 [tilespmem:s20], [sflag:$0x1], $0x40, s21, s19, $0xb8;
	[tilespmem:$0x14E80] =	vst v63  }
0x18: {  	_ =	swait.ge [sflag:s17], $0x2000  }
0x19: {  	[sflag:s17] =	ssyncset.done $0x0  }
0x1a: {  	[sflag:s17] =	ssyncadd.s32 $0xFFFFE000  }
.LBB2_10:
0x1b: {  	s3 =	sadd.s32 $0x1, s3  }
0x1c: {  	s21 =	sshll.u32 s1, $0x6;
	[bflag:$0x0] =	sbarrier.arrive $0xFFFF;
	p1 =	sne.s32 s3, s15  }
.Ltmp1:
0x1d: {  	s22 =	sshrl.u32 s5, $0x3;
	s21 =	sor.u32 $0x1C01, s21;
	(pc) =	sbr.rel @!p1 .LBB2_11-.Ltmp1, $4  }
0x1e: {  	[hbm:s14], [sflag:s21] =	dma.local [spmem:s22], $0x1400  }
0x1f: {  	_ =	swait.ge [sflag:s17], $0x1400  }
0x20: {  	[sflag:s17] =	ssyncset.done $0x0  }
0x21: {  	[sflag:s17] =	ssyncadd.s32 $0xFFFFEC00  }
.LBB2_1:
0x22: {  	s22 =	simm.s32 $0x100;
	s21 =	simm.s32 $0x0  }
.LBB2_2:
0x23: {  	p1 =	sne.s32 s22, $0x7F00;
	[tilespmem:s21+$0x8EB0] =	vst v0;
	s23 =	smov.u32 s22;
	s22 =	sadd.s32 $0x100, s22  }
.Ltmp2:
0x24: {  	[tilespmem:s21+$0x8EA0] =	vst v0;
	(pc) =	sbr.rel @p1 .LBB2_2-.Ltmp2, $3  }
0x25: {  	[tilespmem:s21+$0x8E80] =	vst v0  }
0x26: {  	[tilespmem:s21+$0x8E90] =	vst v0;
	_ =	sdelay $0x1  }
0x27: {  	s21 =	sshra.s32 s23, $0x2  }
0x28: {  	[tilespmem:s21+$0x8EB0] =	vst v0  }
0x29: {  	[tilespmem:s21+$0x8EA0] =	vst v0  }
0x2a: {  	[tilespmem:s21+$0x8E80] =	vst v0  }
0x2b: {  	[tilespmem:s21+$0x8E90] =	vst v0  }
0x2c: {  	[spmem:s5] =	stream.linear.scatter [tilespmem:s16], [sflag:$0x1], $0x2000, $0x38;
	[tilespmem:$0x14E80] =	vst v63  }
0x2d: {  	_ =	swait.ge [sflag:s17], $0x2000  }
0x2e: {  	[sflag:s17] =	ssyncset.done $0x0  }
0x2f: {  	[sflag:s17] =	ssyncadd.s32 $0xFFFFE000  }
0x30: {  	[spmem:s6] =	stream.linear.scatter [tilespmem:s16], [sflag:$0x1], $0x2000, $0x38;
	[tilespmem:$0x14E80] =	vst v63  }
0x31: {  	_ =	swait.ge [sflag:s17], $0x2000  }
0x32: {  	[sflag:s17] =	ssyncset.done $0x0  }
0x33: {  	[sflag:s17] =	ssyncadd.s32 $0xFFFFE000  }
0x34: {  	[spmem:s7] =	stream.linear.scatter [tilespmem:s16], [sflag:$0x1], $0x2000, $0x38;
	[tilespmem:$0x14E80] =	vst v63  }
0x35: {  	_ =	swait.ge [sflag:s17], $0x2000  }
0x36: {  	[sflag:s17] =	ssyncset.done $0x0  }
0x37: {  	[sflag:s17] =	ssyncadd.s32 $0xFFFFE000  }
0x38: {  	[spmem:s8] =	stream.linear.scatter [tilespmem:s16], [sflag:$0x1], $0x2000, $0x38;
	[tilespmem:$0x14E80] =	vst v63  }
0x39: {  	_ =	swait.ge [sflag:s17], $0x2000  }
0x3a: {  	[sflag:s17] =	ssyncset.done $0x0  }
.Ltmp3:
0x3b: {  	[sflag:s17] =	ssyncadd.s32 $0xFFFFE000;
	(pc) =	sbr.rel @p0 .LBB2_7-.Ltmp3, $4  }
0x3c: {  	[spmem:s9] =	stream.linear.scatter [tilespmem:s16], [sflag:$0x1], $0x2000, $0x38;
	[tilespmem:$0x14E80] =	vst v63  }
0x3d: {  	_ =	swait.ge [sflag:s17], $0x2000  }
0x3e: {  	[sflag:s17] =	ssyncset.done $0x0  }
0x3f: {  	s21 =	simm.s32 $0x0;
	[sflag:s17] =	ssyncadd.s32 $0xFFFFE000  }
0x40: {  	[tilespmem:s21], [sflag:$0x1] =	stream.linear.gather [hbm4b:s12+s21], $0x3700, $0x38;
	[tilespmem:$0x14E80] =	vst v63  }
0x41: {  	_ =	swait.ge [sflag:s17], $0x3700  }
0x42: {  	[sflag:s17] =	ssyncset.done $0x0  }
0x43: {  	[sflag:s17] =	ssyncadd.s32 $0xFFFFC900  }
0x44: {  	[tilespmem:s18], [sflag:$0x1] =	stream.linear.gather [hbm4b:s13+s21], $0x3700, $0x38;
	[tilespmem:$0x14E80] =	vst v63  }
0x45: {  	_ =	swait.ge [sflag:s17], $0x3700  }
0x46: {  	[sflag:s17] =	ssyncset.done $0x0  }
0x47: {  	[sflag:s17] =	ssyncadd.s32 $0xFFFFC900  }
0x48: {  	s30 =	simm.s32 $0x0;
	[bflag:$0x0] =	sbarrier.arrive $0xFFFF  }
0x49: {  	[tilespmem:s20], [sflag:$0x1] =	stream.indirect.gather [hbm4b:s4+s19], $0x40, s30, s19, $0xb8;
	[tilespmem:$0x14E80] =	vst v63  }
0x4a: {  	_ =	swait.ge [sflag:s17], $0x2000  }
0x4b: {  	[sflag:s17] =	ssyncset.done $0x0  }
0x4c: {  	s31 =	simm.s32 $0x3780;
	[sflag:s17] =	ssyncadd.s32 $0xFFFFE000  }
0x4d: {  	[spmem:s2] =	stream.indirect.scatter.add.f32 [tilespmem:s20], [sflag:$0x1], $0x40, s31, s19, $0xb8;
	[tilespmem:$0x14E80] =	vst v63  }
0x4e: {  	_ =	swait.ge [sflag:s17], $0x2000  }
0x4f: {  	s22 =	simm.s32 $0x400;
	s21 =	simm.s32 $0x200;
	[sflag:s17] =	ssyncset.done $0x0  }
.LBB2_5:
0x50: {  	s23 =	sshra.s32 s21, $0x2  }
0x51: {  	[sflag:s17] =	ssyncadd.s32 $0xFFFFE000;
	s21 =	smov.u32 s22;
	s24 =	sadd.s32 $0x200, s22  }
0x52: {  	[tilespmem:s20], [sflag:$0x1] =	stream.indirect.gather [hbm4b:s4+s19], $0x40, s23, s19, $0xb8;
	[tilespmem:$0x14E80] =	vst v63  }
0x53: {  	p1 =	seq.s32 s22, $0xDA00;
	_ =	swait.ge [sflag:s17], $0x2000  }
.Ltmp4:
0x54: {  	[sflag:s17] =	ssyncset.done $0x0;
	(pc) =	sbr.rel @!p1 .LBB2_5-.Ltmp4, $4  }
0x55: {  	s22 =	sadd.s32 $0x3780, s23;
	[sflag:s17] =	ssyncadd.s32 $0xFFFFE000  }
0x56: {  	[spmem:s2] =	stream.indirect.scatter.add.f32 [tilespmem:s20], [sflag:$0x1], $0x40, s22, s19, $0xb8;
	[tilespmem:$0x14E80] =	vst v63  }
0x57: {  	_ =	swait.ge [sflag:s17], $0x2000  }
0x58: {  	s22 =	smov.u32 s24;
	[sflag:s17] =	ssyncset.done $0x0  }
0x59: {  	s21 =	sshra.s32 s21, $0x2;
	[sflag:s17] =	ssyncadd.s32 $0xFFFFE000  }
0x5a: {  	[tilespmem:s20], [sflag:$0x1] =	stream.indirect.gather [hbm4b:s4+s19], $0x40, s21, s19, $0xb8;
	[tilespmem:$0x14E80] =	vst v63  }
0x5b: {  	_ =	swait.ge [sflag:s17], $0x2000  }
0x5c: {  	[sflag:s17] =	ssyncset.done $0x0  }
.Ltmp5:
0x5d: {  	s21 =	sadd.s32 $0x3780, s21;
	[sflag:s17] =	ssyncadd.s32 $0xFFFFE000;
	(pc) =	sbr.rel .LBB2_10-.Ltmp5, $4  }
0x5e: {  	[spmem:s2] =	stream.indirect.scatter.add.f32 [tilespmem:s20], [sflag:$0x1], $0x40, s21, s19, $0xb8;
	[tilespmem:$0x14E80] =	vst v63  }
0x5f: {  	_ =	swait.ge [sflag:s17], $0x2000  }
0x60: {  	[sflag:s17] =	ssyncset.done $0x0  }
0x61: {  	[sflag:s17] =	ssyncadd.s32 $0xFFFFE000  }
.LBB2_7:
0x62: {  	[tilespmem:s21], [sflag:$0x1] =	stream.linear.gather [hbm4b:s10+s21], $0x1900, $0x38;
	[tilespmem:$0x14E80] =	vst v63  }
0x63: {  	_ =	swait.ge [sflag:s17], $0x1900  }
0x64: {  	[sflag:s17] =	ssyncset.done $0x0  }
0x65: {  	[sflag:s17] =	ssyncadd.s32 $0xFFFFE700  }
0x66: {  	[tilespmem:s18], [sflag:$0x1] =	stream.linear.gather [hbm4b:s11+s21], $0x1900, $0x38;
	[tilespmem:$0x14E80] =	vst v63  }
0x67: {  	_ =	swait.ge [sflag:s17], $0x1900  }
0x68: {  	[sflag:s17] =	ssyncset.done $0x0  }
0x69: {  	[sflag:s17] =	ssyncadd.s32 $0xFFFFE700  }
0x6a: {  	s30 =	simm.s32 $0x0;
	[bflag:$0x0] =	sbarrier.arrive $0xFFFF  }
0x6b: {  	[tilespmem:s20], [sflag:$0x1] =	stream.indirect.gather [hbm4b:s4+s19], $0x40, s30, s19, $0xb8;
	[tilespmem:$0x14E80] =	vst v63  }
0x6c: {  	_ =	swait.ge [sflag:s17], $0x2000  }
0x6d: {  	[sflag:s17] =	ssyncset.done $0x0  }
0x6e: {  	s31 =	simm.s32 $0x3780;
	[sflag:s17] =	ssyncadd.s32 $0xFFFFE000  }
0x6f: {  	[spmem:s2] =	stream.indirect.scatter.add.f32 [tilespmem:s20], [sflag:$0x1], $0x40, s31, s19, $0xb8;
	[tilespmem:$0x14E80] =	vst v63  }
0x70: {  	_ =	swait.ge [sflag:s17], $0x2000  }
0x71: {  	s22 =	simm.s32 $0x400;
	s21 =	simm.s32 $0x200;
	[sflag:s17] =	ssyncset.done $0x0  }
.LBB2_8:
0x72: {  	s23 =	sshra.s32 s21, $0x2  }
0x73: {  	[sflag:s17] =	ssyncadd.s32 $0xFFFFE000;
	s21 =	smov.u32 s22;
	s24 =	sadd.s32 $0x200, s22  }
0x74: {  	[tilespmem:s20], [sflag:$0x1] =	stream.indirect.gather [hbm4b:s4+s19], $0x40, s23, s19, $0xb8;
	[tilespmem:$0x14E80] =	vst v63  }
0x75: {  	p1 =	sne.s32 s22, $0x6200;
	_ =	swait.ge [sflag:s17], $0x2000  }
.Ltmp6:
0x76: {  	[sflag:s17] =	ssyncset.done $0x0;
	(pc) =	sbr.rel @p1 .LBB2_8-.Ltmp6, $4  }
0x77: {  	s22 =	sadd.s32 $0x3780, s23;
	[sflag:s17] =	ssyncadd.s32 $0xFFFFE000  }
0x78: {  	[spmem:s2] =	stream.indirect.scatter.add.f32 [tilespmem:s20], [sflag:$0x1], $0x40, s22, s19, $0xb8;
	[tilespmem:$0x14E80] =	vst v63  }
0x79: {  	_ =	swait.ge [sflag:s17], $0x2000  }
0x7a: {  	s22 =	smov.u32 s24;
	[sflag:s17] =	ssyncset.done $0x0  }
.Ltmp7:
0x7b: {  	_ = 	snop;
	(pc) =	sbr.rel .LBB2_9-.Ltmp7, $1  }
0x7c: {  	_ =	sdelay $0x3  }
.LBB2_11:
0x7d: {  	_ =	sfence.sel $0x180000  }
0x7e: {  	[bflag:$0x0] =	sbarrier.arrive $0xFFFF  }
0x7f: {  	p0 =	sne.s32 s1, $0x0;
	_ =	strace $0x90000050  }
0x80: {  	s0 =	sadd.s32 @!p0 $0x100000, s0;
	[bflag:$0x2] =	sbarrier.arrive $0xFFFF  }
0x81: {  	[sflag:s0] =	ssyncadd.tile.s32 @!p0 $0x1;
	_ =	shalt  }
.Lfunc_end2:
_tile_overlayer_lowered:
.L_overlay_start_2:
0x82: {  	(tag) =	ssettag $0x2  }
0x83: {  	s0 =	rddreg [dreg:$0x0];
	s2 =	stileid.u32  }
0x84: {  	s1 =	rddreg [dreg:$0x1];
	p0 =	sne.s32 s2, $0x0  }
0x85: {  	s3 =	rddreg [dreg:$0x2];
	[bflag:$0x3] =	sbarrier.arrive $0xFFFF;
	s2 =	simm.s32 @!p0 $0x1C01  }
0x86: {  	[timem:s3], [sflag:s2] =	dma.local @!p0 [hbm:s0], s1  }
0x87: {  	s0 =	simm.s32 @!p0 $0x1  }
0x88: {  	_ =	swait.ge @!p0 [sflag:s0], s1  }
0x89: {  	s1 =	ssub.s32 @!p0 $0x0, s1;
	[sflag:s0] =	ssyncset.done @!p0 $0x0  }
0x8a: {  	[sflag:s0] =	ssyncadd.s32 @!p0 s1  }
0x8b: {  	[bflag:$0x3] =	sbarrier.arrive $0xFFFF  }
0x8c: {  	_ =	shalt  }

</sc_bundles>
